<compile_context>
chip_gen: v7x
topology: tpu7x:2x2x1
jax: 0.10.2.dev20260603
libtpu: 0.0.44.dev20260713+nightly
codegen_flags: <defaults>
</compile_context>

<pallas_src>
import functools

import jax
import jax.numpy as jnp
from jax import lax
from jax.experimental import pallas as pl
from jax.experimental.pallas import tpu as pltpu
import jax.experimental.pallas.tpu_sc as plsc

N = 10000
E = 160000
D = 256
HALF = 128
CH = 128
NCHUNK = E // CH
NCORE = 2
NSUB = 16
BLK = 80
NBLK = N // BLK
WBLK = 400
NWBLK = N // WBLK
ROWBLK = 1000

_mesh = plsc.VectorSubcoreMesh(core_axis_name="c", subcore_axis_name="s")


def _zero_fill(ref, rows, cols):
    per_row = cols // 16

    def body(k, _):
        ref[k // per_row, pl.ds((k % per_row) * 16, 16)] = jnp.zeros(
            (16,), jnp.float32)
        return 0

    lax.fori_loop(0, rows * per_row, body, 0)


def _nsplit(total, s):
    return jnp.where(s < (total % NSUB), total // NSUB + 1, total // NSUB)


_DEG_W = HALF
_DNB = 3


@functools.partial(
    pl.kernel,
    out_type=jax.ShapeDtypeStruct((NCORE * N, _DEG_W), jnp.float32),
    mesh=_mesh,
    scratch_types=[
        [pltpu.VMEM((CH,), jnp.int32)] * _DNB,
        pltpu.VMEM((CH, HALF), jnp.float32),
        pltpu.VMEM((BLK, HALF), jnp.float32),
        pltpu.VMEM_SHARED((N, HALF), jnp.float32),
        [pltpu.SemaphoreType.DMA] * _DNB,
    ],
)
def _deg_kernel(dst_hbm, out_hbm, dst_vs, ones_v, z_v, acc_sh, isems):
    c = lax.axis_index("c")
    s = lax.axis_index("s")
    _zero_fill(z_v, BLK, HALF)

    def ones_body(k, _):
        ones_v[k // 8, pl.ds((k % 8) * 16, 16)] = jnp.ones((16,), jnp.float32)
        return 0

    lax.fori_loop(0, CH * 8, ones_body, 0)

    def zero_acc(k, _):
        off = pl.multiple_of((k * NSUB + s) * BLK, 8)
        pltpu.sync_copy(z_v, acc_sh.at[pl.ds(off, BLK)])
        return 0

    lax.fori_loop(0, _nsplit(NBLK, s), zero_acc, 0)
    plsc.subcore_barrier()

    half = NCHUNK // NCORE
    n = _nsplit(half, s)

    def fire_idx(item, b):
        off = pl.multiple_of((c * half + item * NSUB + s) * CH, 8)
        pltpu.async_copy(dst_hbm.at[pl.ds(off, CH)], dst_vs[b], isems[b])

    for b in range(_DNB):
        pl.when(b < n)(lambda b=b: fire_idx(jnp.int32(b), b))

    def body(k, _):
        for b in range(_DNB):
            item = _DNB * k + b

            def step(b=b, item=item):
                pltpu.make_async_copy(
                    dst_hbm.at[pl.ds(0, CH)], dst_vs[b], isems[b]).wait()
                pltpu.sync_copy(ones_v, acc_sh.at[dst_vs[b]], add=True)
                pl.when(item + _DNB < n)(
                    lambda: fire_idx(item + _DNB, b))

            pl.when(item < n)(step)
        return 0

    max_n = half // NSUB + 1
    lax.fori_loop(0, (max_n + _DNB - 1) // _DNB, body, 0)
    plsc.subcore_barrier()

    def wout(k, _):
        off = pl.multiple_of((k * NSUB + s) * WBLK, 8)
        dst_off = pl.multiple_of(c * N + (k * NSUB + s) * WBLK, 8)
        pltpu.sync_copy(acc_sh.at[pl.ds(off, WBLK)],
                        out_hbm.at[pl.ds(dst_off, WBLK)])
        return 0

    lax.fori_loop(0, _nsplit(NWBLK, s), wout, 0)


_NBUF = 3


@functools.partial(
    pl.kernel,
    out_type=jax.ShapeDtypeStruct((NCORE * N, HALF), jnp.float32),
    mesh=_mesh,
    scratch_types=[
        [pltpu.VMEM((CH,), jnp.int32)] * _NBUF,
        [pltpu.VMEM((CH,), jnp.int32)] * _NBUF,
        [pltpu.VMEM((CH, HALF), jnp.float32)] * _NBUF,
        pltpu.VMEM_SHARED((N, HALF), jnp.float32),
        [pltpu.SemaphoreType.DMA] * _NBUF,
        [pltpu.SemaphoreType.DMA] * _NBUF,
    ],
)
def _agg_kernel(tab_hbm, src_hbm, dst_hbm, out_hbm,
                src_vs, dst_vs, rows_vs, acc_sh, gsems, isems):
    c = lax.axis_index("c")
    s = lax.axis_index("s")
    _zero_fill(rows_vs[0], BLK, HALF)

    def zero_acc(k, _):
        off = pl.multiple_of((k * NSUB + s) * BLK, 8)
        pltpu.sync_copy(rows_vs[0].at[pl.ds(0, BLK)],
                        acc_sh.at[pl.ds(off, BLK)])
        return 0

    lax.fori_loop(0, _nsplit(NBLK, s), zero_acc, 0)
    plsc.subcore_barrier()

    n = _nsplit(NCHUNK, s)

    def fire_idx(item, b):
        off = pl.multiple_of((item * NSUB + s) * CH, 8)
        pltpu.async_copy(src_hbm.at[pl.ds(c * E + off, CH)], src_vs[b],
                         isems[b])
        pltpu.async_copy(dst_hbm.at[pl.ds(off, CH)], dst_vs[b], isems[b])

    def fire_gather(b):
        pltpu.make_async_copy(
            src_hbm.at[pl.ds(0, CH)], src_vs[b], isems[b]).wait()
        pltpu.make_async_copy(
            src_hbm.at[pl.ds(0, CH)], dst_vs[b], isems[b]).wait()
        pltpu.async_copy(tab_hbm.at[src_vs[b]], rows_vs[b], gsems[b])

    for b in range(_NBUF):
        fire_idx(jnp.int32(b), b)
    for b in range(_NBUF - 1):
        fire_gather(b)

    def body(k, _):
        for b in range(_NBUF):
            item = _NBUF * k + b

            def step(b=b, item=item):
                nb = (b + _NBUF - 1) % _NBUF
                pl.when(item + _NBUF - 1 < n)(lambda: fire_gather(nb))
                pltpu.make_async_copy(
                    tab_hbm.at[src_vs[b]], rows_vs[b], gsems[b]).wait()
                pltpu.sync_copy(rows_vs[b], acc_sh.at[dst_vs[b]], add=True)
                pl.when(item + _NBUF < n)(
                    lambda: fire_idx(item + _NBUF, b))

            pl.when(item < n)(step)
        return 0

    max_n = NCHUNK // NSUB + 1
    lax.fori_loop(0, (max_n + _NBUF - 1) // _NBUF, body, 0)
    plsc.subcore_barrier()

    def wout(k, _):
        off = pl.multiple_of((k * NSUB + s) * WBLK, 8)
        dst_off = pl.multiple_of(c * N + (k * NSUB + s) * WBLK, 8)
        pltpu.sync_copy(acc_sh.at[pl.ds(off, WBLK)],
                        out_hbm.at[pl.ds(dst_off, WBLK)])
        return 0

    lax.fori_loop(0, _nsplit(NWBLK, s), wout, 0)


def _tca_body(x_ref, w_ref, degp_ref, hhat_ref, dinv_ref):
    h = jnp.dot(x_ref[...], w_ref[...], preferred_element_type=jnp.float32)
    degp = degp_ref[...]
    deg = degp[0, :, 0] + degp[1, :, 0] + 1.0
    dinv = lax.rsqrt(deg)[:, None]
    hh = h * dinv
    hhat_ref[0] = hh[:, :HALF]
    hhat_ref[1] = hh[:, HALF:]
    dinv_ref[...] = jnp.broadcast_to(dinv, (ROWBLK, HALF))


def _tcb_body(agg_ref, hhat_ref, dinv_ref, w_ref, b_ref, hhat2_ref):
    agg = jnp.concatenate([agg_ref[0] + hhat_ref[0],
                           agg_ref[1] + hhat_ref[1]], axis=1)
    dinv = dinv_ref[:, :1]
    u = jnp.maximum(agg * dinv + b_ref[...], 0.0)
    h2 = jnp.dot(u, w_ref[...], preferred_element_type=jnp.float32)
    hh2 = h2 * dinv
    hhat2_ref[0] = hh2[:, :HALF]
    hhat2_ref[1] = hh2[:, HALF:]


def _tcc_body(agg_ref, hhat_ref, dinv_ref, b_ref, out_ref):
    agg = jnp.concatenate([agg_ref[0] + hhat_ref[0],
                           agg_ref[1] + hhat_ref[1]], axis=1)
    dinv = dinv_ref[:, :1]
    out_ref[...] = agg * dinv + b_ref[...]


_GRID = N // ROWBLK

_row_spec = pl.BlockSpec((ROWBLK, D), lambda i: (i, 0))
_half2_spec = pl.BlockSpec((2, ROWBLK, HALF), lambda i: (0, i, 0))
_dinv_spec = pl.BlockSpec((ROWBLK, HALF), lambda i: (i, 0))
_w_spec = pl.BlockSpec((D, D), lambda i: (0, 0))
_b_spec = pl.BlockSpec((1, D), lambda i: (0, 0))
_degp_spec = pl.BlockSpec((2, ROWBLK, _DEG_W), lambda i: (0, i, 0))

_tca = pl.pallas_call(
    _tca_body,
    grid=(_GRID,),
    in_specs=[_row_spec, _w_spec, _degp_spec],
    out_specs=[_half2_spec, _dinv_spec],
    out_shape=[
        jax.ShapeDtypeStruct((2, N, HALF), jnp.float32),
        jax.ShapeDtypeStruct((N, HALF), jnp.float32),
    ],
)

_tcb = pl.pallas_call(
    _tcb_body,
    grid=(_GRID,),
    in_specs=[_half2_spec, _half2_spec, _dinv_spec, _w_spec, _b_spec],
    out_specs=_half2_spec,
    out_shape=jax.ShapeDtypeStruct((2, N, HALF), jnp.float32),
)

_tcc = pl.pallas_call(
    _tcc_body,
    grid=(_GRID,),
    in_specs=[_half2_spec, _half2_spec, _dinv_spec, _b_spec],
    out_specs=_row_spec,
    out_shape=jax.ShapeDtypeStruct((N, D), jnp.float32),
)


@jax.jit
def kernel(x, edge_index, W1, b1, W2, b2):
    src = edge_index[0].astype(jnp.int32)
    dst = edge_index[1].astype(jnp.int32)
    src2 = jnp.concatenate([src, src + N])
    b1r = b1.reshape(1, D)
    b2r = b2.reshape(1, D)

    degp = _deg_kernel(dst).reshape(2, N, _DEG_W)
    hhat, dinv = _tca(x, W1, degp)
    agg1 = _agg_kernel(hhat.reshape(NCORE * N, HALF), src2, dst)
    hhat2 = _tcb(agg1.reshape(2, N, HALF), hhat, dinv, W2, b1r)
    agg2 = _agg_kernel(hhat2.reshape(NCORE * N, HALF), src2, dst)
    return _tcc(agg2.reshape(2, N, HALF), hhat2, dinv, b2r)

# --- scband reference (transcript-rebuilt; emitter-appended) ---
"""Pipeline reference for scband-official-gcn-34110630265404 (READ-ONLY COPY).

The authoritative reference and input builder live on the scoring server;
editing this copy changes nothing except your own understanding.
"""

import jax, jax.numpy as jnp
import numpy as np

N_NODES = 10000
N_EDGES = 160000
D_IN = 256
D_HID = 256
D_OUT = 256


def setup_inputs(seed: int = 0) -> dict:
    key = jax.random.key(seed)
    k1, k2, k3, k4, k5, k6 = jax.random.split(key, 6)
    x = jax.random.normal(k1, (N_NODES, D_IN), dtype=jnp.float32)
    edge_index = jax.random.randint(k2, (2, N_EDGES), 0, N_NODES, dtype=jnp.int64)
    # Glorot-style init for GCN linear weights (bias=True like PyG GCNConv default)
    s1 = float(np.sqrt(6.0 / (D_IN + D_HID)))
    s2 = float(np.sqrt(6.0 / (D_HID + D_OUT)))
    W1 = jax.random.uniform(k3, (D_IN, D_HID), dtype=jnp.float32, minval=-s1, maxval=s1)
    b1 = jnp.zeros((D_HID,), dtype=jnp.float32)
    W2 = jax.random.uniform(k4, (D_HID, D_OUT), dtype=jnp.float32, minval=-s2, maxval=s2)
    b2 = jnp.zeros((D_OUT,), dtype=jnp.float32)
    return {"x": x, "edge_index": edge_index, "W1": W1, "b1": b1, "W2": W2, "b2": b2}


def _gcn_conv(x, src, dst, W, b, n_nodes):
    # PyG GCNConv: add self loops, symmetric normalization D^-1/2 (A+I) D^-1/2, then linear
    h = x @ W
    deg = jnp.zeros((n_nodes,), dtype=jnp.float32).at[dst].add(1.0)
    dinv = jnp.where(deg > 0, 1.0 / jnp.sqrt(deg), 0.0)
    norm = dinv[src] * dinv[dst]
    msg = h[src] * norm[:, None]
    out = jnp.zeros((n_nodes, h.shape[1]), dtype=h.dtype).at[dst].add(msg)
    return out + b


def reference(x, edge_index, W1, b1, W2, b2):
    n_nodes = x.shape[0]
    loop = jnp.arange(n_nodes, dtype=edge_index.dtype)
    src = jnp.concatenate([edge_index[0], loop])
    dst = jnp.concatenate([edge_index[1], loop])
    h = _gcn_conv(x, src, dst, W1, b1, n_nodes)
    h = jax.nn.relu(h)
    # dropout p=0 -> identity
    out = _gcn_conv(h, src, dst, W2, b2, n_nodes)
    return out

if __name__ == "__main__":
    import jax
    _d = setup_inputs()
    print(jax.jit(kernel)(*tuple(_d.values())))

</pallas_src>

<mosaic_0001>
#map = affine_map<(d0, d1) -> (0)>
#map1 = affine_map<(d0, d1) -> (0, 0)>
module attributes {stable_mosaic.version = 14 : i64} {
  func.func @_deg_kernel(%arg0: i32, %arg1: i32, %arg2: memref<160000xi32, #tpu.memory_space<hbm>>, %arg3: memref<20000x128xf32, #tpu.memory_space<hbm>>, %arg4: memref<128xi32, #tpu.memory_space<vmem>>, %arg5: memref<128xi32, #tpu.memory_space<vmem>>, %arg6: memref<128xi32, #tpu.memory_space<vmem>>, %arg7: memref<128x128xf32, #tpu.memory_space<vmem>>, %arg8: memref<80x128xf32, #tpu.memory_space<vmem>>, %arg9: memref<10000x128xf32, #tpu.memory_space<vmem_shared>>, %arg10: memref<!tpu.dma_semaphore, #tpu.memory_space<semaphore_mem>>, %arg11: memref<!tpu.dma_semaphore, #tpu.memory_space<semaphore_mem>>, %arg12: memref<!tpu.dma_semaphore, #tpu.memory_space<semaphore_mem>>) attributes {dimension_semantics = [#tpu.dimension_semantics<core_parallel>, #tpu.dimension_semantics<subcore_parallel>], iteration_bounds = array<i64: 2, 16>, scalar_prefetch = 0 : i64, scratch_operands = 9 : i64, tpu.core_type = #tpu.core_type<sc_vector_subcore>, window_params = [{transform_indices = #map}, {transform_indices = #map1}]} {
    %scan3A = arith.constant 0 : i32
    %scan3A_0 = arith.constant 0 : i32
    %scan3A_1 = arith.constant 640 : i32
    %scan3A_2 = arith.addi %scan3A_0, %scan3A_1 : i32
    %scan3A_3 = arith.constant 1 : i32
    %scan3A_4 = scf.for %scan3A_68 = %scan3A_0 to %scan3A_2 step %scan3A_3 iter_args(%scan3A_69 = %scan3A) -> (i32)  : i32 {
      %broadcast_in_dim3A = arith.constant 0.000000e+00 : f32
      %broadcast_in_dim3A_70 = vector.broadcast %broadcast_in_dim3A : f32 to vector<16xf32>
      %jit3A_71 = arith.constant 8 : i32
      %div3A = arith.divsi %scan3A_68, %jit3A_71 : i32
      %sign3A = arith.constant 0 : i32
      %sign3A_72 = arith.cmpi sgt, %scan3A_68, %sign3A : i32
      %sign3A_73 = arith.extui %sign3A_72 : i1 to i32
      %sign3A_74 = arith.constant 0 : i32
      %sign3A_75 = arith.cmpi slt, %scan3A_68, %sign3A_74 : i32
      %sign3A_76 = arith.extui %sign3A_75 : i1 to i32
      %sign3A_77 = arith.subi %sign3A_73, %sign3A_76 : i32
      %sign3A_78 = arith.constant 0 : i32
      %sign3A_79 = arith.cmpi sgt, %jit3A_71, %sign3A_78 : i32
      %sign3A_80 = arith.extui %sign3A_79 : i1 to i32
      %sign3A_81 = arith.constant 0 : i32
      %sign3A_82 = arith.cmpi slt, %jit3A_71, %sign3A_81 : i32
      %sign3A_83 = arith.extui %sign3A_82 : i1 to i32
      %sign3A_84 = arith.subi %sign3A_80, %sign3A_83 : i32
      %ne3A = arith.cmpi ne, %sign3A_77, %sign3A_84 : i32
      %rem3A = arith.remsi %scan3A_68, %jit3A_71 : i32
      %ne3A_85 = arith.constant 0 : i32
      %ne3A_86 = arith.cmpi ne, %rem3A, %ne3A_85 : i32
      %and3A = arith.andi %ne3A, %ne3A_86 : i1
      %sub3A = arith.constant 1 : i32
      %sub3A_87 = arith.subi %div3A, %sub3A : i32
      %select_n3A_88 = arith.select %and3A, %sub3A_87, %div3A : i32
      %jit3A_89 = arith.constant 8 : i32
      %eq3A = arith.constant 0 : i32
      %eq3A_90 = arith.cmpi eq, %jit3A_89, %eq3A : i32
      %jit3A_91 = arith.constant 1 : i32
      %select_n3A_92 = arith.select %eq3A_90, %jit3A_91, %jit3A_89 : i32
      %rem3A_93 = arith.remsi %scan3A_68, %select_n3A_92 : i32
      %ne3A_94 = arith.constant 0 : i32
      %ne3A_95 = arith.cmpi ne, %rem3A_93, %ne3A_94 : i32
      %lt3A_96 = arith.constant 0 : i32
      %lt3A_97 = arith.cmpi slt, %rem3A_93, %lt3A_96 : i32
      %lt3A_98 = arith.constant 0 : i32
      %lt3A_99 = arith.cmpi slt, %select_n3A_92, %lt3A_98 : i32
      %ne3A_100 = arith.xori %lt3A_97, %lt3A_99 : i1
      %and3A_101 = arith.andi %ne3A_100, %ne3A_95 : i1
      %add3A = arith.addi %rem3A_93, %select_n3A_92 : i32
      %select_n3A_102 = arith.select %and3A_101, %add3A, %rem3A_93 : i32
      %mul3A = arith.constant 16 : i32
      %mul3A_103 = arith.muli %select_n3A_102, %mul3A : i32
      %swap3A = arith.index_cast %select_n3A_88 : i32 to index
      %swap3A_104 = arith.index_cast %mul3A_103 : i32 to index
      %swap3A_105 = tpu.vector_load %arg8[%swap3A, %swap3A_104] {strides = array<i32>} : memref<80x128xf32, #tpu.memory_space<vmem>>, vector<1x16xf32>,
      %swap3A_106 = vector.shape_cast %swap3A_105 : vector<1x16xf32> to vector<16xf32>
      %swap3A_107 = vector.shape_cast %broadcast_in_dim3A_70 : vector<16xf32> to vector<1x16xf32>
      tpu.vector_store %arg8[%swap3A, %swap3A_104], %swap3A_107 {strides = array<i32>} : memref<80x128xf32, #tpu.memory_space<vmem>>, vector<1x16xf32>,
      %scan3A_108 = arith.constant 0 : i32
      scf.yield %scan3A_108 : i32
    }
    %scan3A_5 = arith.constant 640 : i32
    %scan3A_6 = arith.constant 0 : i32
    %scan3A_7 = arith.constant 0 : i32
    %scan3A_8 = arith.constant 1024 : i32
    %scan3A_9 = arith.addi %scan3A_7, %scan3A_8 : i32
    %scan3A_10 = arith.constant 1 : i32
    %scan3A_11 = scf.for %scan3A_68 = %scan3A_7 to %scan3A_9 step %scan3A_10 iter_args(%scan3A_69 = %scan3A_6) -> (i32)  : i32 {
      %broadcast_in_dim3A = arith.constant 1.000000e+00 : f32
      %broadcast_in_dim3A_70 = vector.broadcast %broadcast_in_dim3A : f32 to vector<16xf32>
      %jit3A_71 = arith.constant 8 : i32
      %div3A = arith.divsi %scan3A_68, %jit3A_71 : i32
      %sign3A = arith.constant 0 : i32
      %sign3A_72 = arith.cmpi sgt, %scan3A_68, %sign3A : i32
      %sign3A_73 = arith.extui %sign3A_72 : i1 to i32
      %sign3A_74 = arith.constant 0 : i32
      %sign3A_75 = arith.cmpi slt, %scan3A_68, %sign3A_74 : i32
      %sign3A_76 = arith.extui %sign3A_75 : i1 to i32
      %sign3A_77 = arith.subi %sign3A_73, %sign3A_76 : i32
      %sign3A_78 = arith.constant 0 : i32
      %sign3A_79 = arith.cmpi sgt, %jit3A_71, %sign3A_78 : i32
      %sign3A_80 = arith.extui %sign3A_79 : i1 to i32
      %sign3A_81 = arith.constant 0 : i32
      %sign3A_82 = arith.cmpi slt, %jit3A_71, %sign3A_81 : i32
      %sign3A_83 = arith.extui %sign3A_82 : i1 to i32
      %sign3A_84 = arith.subi %sign3A_80, %sign3A_83 : i32
      %ne3A = arith.cmpi ne, %sign3A_77, %sign3A_84 : i32
      %rem3A = arith.remsi %scan3A_68, %jit3A_71 : i32
      %ne3A_85 = arith.constant 0 : i32
      %ne3A_86 = arith.cmpi ne, %rem3A, %ne3A_85 : i32
      %and3A = arith.andi %ne3A, %ne3A_86 : i1
      %sub3A = arith.constant 1 : i32
      %sub3A_87 = arith.subi %div3A, %sub3A : i32
      %select_n3A_88 = arith.select %and3A, %sub3A_87, %div3A : i32
      %jit3A_89 = arith.constant 8 : i32
      %eq3A = arith.constant 0 : i32
      %eq3A_90 = arith.cmpi eq, %jit3A_89, %eq3A : i32
      %jit3A_91 = arith.constant 1 : i32
      %select_n3A_92 = arith.select %eq3A_90, %jit3A_91, %jit3A_89 : i32
      %rem3A_93 = arith.remsi %scan3A_68, %select_n3A_92 : i32
      %ne3A_94 = arith.constant 0 : i32
      %ne3A_95 = arith.cmpi ne, %rem3A_93, %ne3A_94 : i32
      %lt3A_96 = arith.constant 0 : i32
      %lt3A_97 = arith.cmpi slt, %rem3A_93, %lt3A_96 : i32
      %lt3A_98 = arith.constant 0 : i32
      %lt3A_99 = arith.cmpi slt, %select_n3A_92, %lt3A_98 : i32
      %ne3A_100 = arith.xori %lt3A_97, %lt3A_99 : i1
      %and3A_101 = arith.andi %ne3A_100, %ne3A_95 : i1
      %add3A = arith.addi %rem3A_93, %select_n3A_92 : i32
      %select_n3A_102 = arith.select %and3A_101, %add3A, %rem3A_93 : i32
      %mul3A = arith.constant 16 : i32
      %mul3A_103 = arith.muli %select_n3A_102, %mul3A : i32
      %swap3A = arith.index_cast %select_n3A_88 : i32 to index
      %swap3A_104 = arith.index_cast %mul3A_103 : i32 to index
      %swap3A_105 = tpu.vector_load %arg7[%swap3A, %swap3A_104] {strides = array<i32>} : memref<128x128xf32, #tpu.memory_space<vmem>>, vector<1x16xf32>,
      %swap3A_106 = vector.shape_cast %swap3A_105 : vector<1x16xf32> to vector<16xf32>
      %swap3A_107 = vector.shape_cast %broadcast_in_dim3A_70 : vector<16xf32> to vector<1x16xf32>
      tpu.vector_store %arg7[%swap3A, %swap3A_104], %swap3A_107 {strides = array<i32>} : memref<128x128xf32, #tpu.memory_space<vmem>>, vector<1x16xf32>,
      %scan3A_108 = arith.constant 0 : i32
      scf.yield %scan3A_108 : i32
    }
    %scan3A_12 = arith.constant 1024 : i32
    %lt3A = arith.constant 13 : i32
    %lt3A_13 = arith.cmpi slt, %arg1, %lt3A : i32
    %jit3A = arith.constant 8 : i32
    %jit3A_14 = arith.constant 7 : i32
    %select_n3A = arith.select %lt3A_13, %jit3A, %jit3A_14 : i32
    %while3A = arith.constant 0 : i32
    %while3A_15 = arith.constant 0 : i32
    %while3A_16 = arith.subi %select_n3A, %while3A : i32
    %while3A_17 = arith.addi %while3A, %while3A_16 : i32
    %while3A_18 = arith.constant 1 : i32
    %while3A_19 = arith.divsi %while3A_16, %while3A_18 : i32
    %while3A_20 = arith.muli %while3A_19, %while3A_18 : i32
    %while3A_21 = arith.addi %while3A, %while3A_20 : i32
    %while3A_22 = arith.constant 1 : i32
    %while3A_23 = scf.for %while3A_68 = %while3A to %while3A_21 step %while3A_22 iter_args(%while3A_69 = %while3A_15) -> (i32)  : i32 {
      %mul3A = arith.constant 16 : i32
      %mul3A_70 = arith.muli %while3A_68, %mul3A : i32
      %add3A = arith.addi %mul3A_70, %arg1 : i32
      %mul3A_71 = arith.constant 80 : i32
      %mul3A_72 = arith.muli %add3A, %mul3A_71 : i32
      %multiple_of3A = tpu.assume_multiple %mul3A_72, 8 : i32
      "tpu.region"() ({
        %run_scoped3A = tpu.sem_alloc : memref<!tpu.dma_semaphore, #tpu.memory_space<semaphore_mem>>
        %dma_start3A = arith.constant 0 : i32
        %dma_start3A_74 = tpu.memref_slice %arg9[%multiple_of3A, %dma_start3A] : memref<10000x128xf32, #tpu.memory_space<vmem_shared>> -> memref<80x128xf32, #tpu.memory_space<vmem_shared>>
        %dma_start3A_75 = arith.constant 0 : i32
        %dma_start3A_76 = tpu.memref_slice %arg9[%multiple_of3A, %dma_start3A_75] : memref<10000x128xf32, #tpu.memory_space<vmem_shared>> -> memref<80x128xf32, #tpu.memory_space<vmem_shared>>
        tpu.enqueue_dma source(%arg8 : memref<80x128xf32, #tpu.memory_space<vmem>>) target(%dma_start3A_76 : memref<80x128xf32, #tpu.memory_space<vmem_shared>>) target_semaphore(%run_scoped3A : memref<!tpu.dma_semaphore, #tpu.memory_space<semaphore_mem>>)
        %dma_wait3A = arith.constant 0 : i32
        %dma_wait3A_77 = tpu.memref_slice %arg9[%multiple_of3A, %dma_wait3A] : memref<10000x128xf32, #tpu.memory_space<vmem_shared>> -> memref<80x128xf32, #tpu.memory_space<vmem_shared>>
        %dma_wait3A_78 = arith.constant 0 : i32
        %dma_wait3A_79 = tpu.memref_slice %arg9[%multiple_of3A, %dma_wait3A_78] : memref<10000x128xf32, #tpu.memory_space<vmem_shared>> -> memref<80x128xf32, #tpu.memory_space<vmem_shared>>
        tpu.wait_dma2 semaphore(%run_scoped3A : memref<!tpu.dma_semaphore, #tpu.memory_space<semaphore_mem>>) src(%arg8 : memref<80x128xf32, #tpu.memory_space<vmem>>) dst(%dma_wait3A_79 : memref<80x128xf32, #tpu.memory_space<vmem_shared>>)
        tpu.yield
      }) : () -> ()
      %while3A_73 = arith.constant 0 : i32
      scf.yield %while3A_73 : i32
    }
    %while3A_24 = arith.constant 1 : i32
    %while3A_25 = scf.for %while3A_68 = %while3A_21 to %while3A_17 step %while3A_24 iter_args(%while3A_69 = %while3A_23) -> (i32)  : i32 {
      %mul3A = arith.constant 16 : i32
      %mul3A_70 = arith.muli %while3A_68, %mul3A : i32
      %add3A = arith.addi %mul3A_70, %arg1 : i32
      %mul3A_71 = arith.constant 80 : i32
      %mul3A_72 = arith.muli %add3A, %mul3A_71 : i32
      %multiple_of3A = tpu.assume_multiple %mul3A_72, 8 : i32
      "tpu.region"() ({
        %run_scoped3A = tpu.sem_alloc : memref<!tpu.dma_semaphore, #tpu.memory_space<semaphore_mem>>
        %dma_start3A = arith.constant 0 : i32
        %dma_start3A_74 = tpu.memref_slice %arg9[%multiple_of3A, %dma_start3A] : memref<10000x128xf32, #tpu.memory_space<vmem_shared>> -> memref<80x128xf32, #tpu.memory_space<vmem_shared>>
        %dma_start3A_75 = arith.constant 0 : i32
        %dma_start3A_76 = tpu.memref_slice %arg9[%multiple_of3A, %dma_start3A_75] : memref<10000x128xf32, #tpu.memory_space<vmem_shared>> -> memref<80x128xf32, #tpu.memory_space<vmem_shared>>
        tpu.enqueue_dma source(%arg8 : memref<80x128xf32, #tpu.memory_space<vmem>>) target(%dma_start3A_76 : memref<80x128xf32, #tpu.memory_space<vmem_shared>>) target_semaphore(%run_scoped3A : memref<!tpu.dma_semaphore, #tpu.memory_space<semaphore_mem>>)
        %dma_wait3A = arith.constant 0 : i32
        %dma_wait3A_77 = tpu.memref_slice %arg9[%multiple_of3A, %dma_wait3A] : memref<10000x128xf32, #tpu.memory_space<vmem_shared>> -> memref<80x128xf32, #tpu.memory_space<vmem_shared>>
        %dma_wait3A_78 = arith.constant 0 : i32
        %dma_wait3A_79 = tpu.memref_slice %arg9[%multiple_of3A, %dma_wait3A_78] : memref<10000x128xf32, #tpu.memory_space<vmem_shared>> -> memref<80x128xf32, #tpu.memory_space<vmem_shared>>
        tpu.wait_dma2 semaphore(%run_scoped3A : memref<!tpu.dma_semaphore, #tpu.memory_space<semaphore_mem>>) src(%arg8 : memref<80x128xf32, #tpu.memory_space<vmem>>) dst(%dma_wait3A_79 : memref<80x128xf32, #tpu.memory_space<vmem_shared>>)
        tpu.yield
      }) : () -> ()
      %while3A_73 = arith.constant 0 : i32
      scf.yield %while3A_73 : i32
    }
    %barrier3A = arith.constant 0 : index
    tpu.barrier barrier_id(%barrier3A)
    %lt3A_26 = arith.constant 1 : i32
    %lt3A_27 = arith.cmpi slt, %arg1, %lt3A_26 : i32
    %jit3A_28 = arith.constant 40 : i32
    %jit3A_29 = arith.constant 39 : i32
    %select_n3A_30 = arith.select %lt3A_27, %jit3A_28, %jit3A_29 : i32
    %gt3A = arith.constant 0 : i32
    %gt3A_31 = arith.cmpi sgt, %select_n3A_30, %gt3A : i32
    %convert_element_type3A = arith.extui %gt3A_31 : i1 to i32
    %cond3A = arith.constant 0 : i32
    %cond3A_32 = arith.cmpi ne, %convert_element_type3A, %cond3A : i32
    scf.if %cond3A_32 {
      %mul3A = arith.constant 625 : i32
      %mul3A_68 = arith.muli %arg0, %mul3A : i32
      %mul3A_69 = arith.constant 0 : i32
      %mul3A_70 = arith.constant 16 : i32
      %mul3A_71 = arith.muli %mul3A_69, %mul3A_70 : i32
      %add3A = arith.addi %mul3A_68, %mul3A_71 : i32
      %add3A_72 = arith.addi %add3A, %arg1 : i32
      %mul3A_73 = arith.constant 128 : i32
      %mul3A_74 = arith.muli %add3A_72, %mul3A_73 : i32
      %multiple_of3A = tpu.assume_multiple %mul3A_74, 8 : i32
      %dma_start3A = tpu.memref_slice %arg2[%multiple_of3A] : memref<160000xi32, #tpu.memory_space<hbm>> -> memref<128xi32, #tpu.memory_space<hbm>>
      %dma_start3A_75 = tpu.memref_slice %arg2[%multiple_of3A] : memref<160000xi32, #tpu.memory_space<hbm>> -> memref<128xi32, #tpu.memory_space<hbm>>
      tpu.enqueue_dma source(%dma_start3A_75 : memref<128xi32, #tpu.memory_space<hbm>>) target(%arg4 : memref<128xi32, #tpu.memory_space<vmem>>) target_semaphore(%arg10 : memref<!tpu.dma_semaphore, #tpu.memory_space<semaphore_mem>>)
    } else {
    }
    %gt3A_33 = arith.constant 1 : i32
    %gt3A_34 = arith.cmpi sgt, %select_n3A_30, %gt3A_33 : i32
    %convert_element_type3A_35 = arith.extui %gt3A_34 : i1 to i32
    %cond3A_36 = arith.constant 0 : i32
    %cond3A_37 = arith.cmpi ne, %convert_element_type3A_35, %cond3A_36 : i32
    scf.if %cond3A_37 {
      %mul3A = arith.constant 625 : i32
      %mul3A_68 = arith.muli %arg0, %mul3A : i32
      %mul3A_69 = arith.constant 1 : i32
      %mul3A_70 = arith.constant 16 : i32
      %mul3A_71 = arith.muli %mul3A_69, %mul3A_70 : i32
      %add3A = arith.addi %mul3A_68, %mul3A_71 : i32
      %add3A_72 = arith.addi %add3A, %arg1 : i32
      %mul3A_73 = arith.constant 128 : i32
      %mul3A_74 = arith.muli %add3A_72, %mul3A_73 : i32
      %multiple_of3A = tpu.assume_multiple %mul3A_74, 8 : i32
      %dma_start3A = tpu.memref_slice %arg2[%multiple_of3A] : memref<160000xi32, #tpu.memory_space<hbm>> -> memref<128xi32, #tpu.memory_space<hbm>>
      %dma_start3A_75 = tpu.memref_slice %arg2[%multiple_of3A] : memref<160000xi32, #tpu.memory_space<hbm>> -> memref<128xi32, #tpu.memory_space<hbm>>
      tpu.enqueue_dma source(%dma_start3A_75 : memref<128xi32, #tpu.memory_space<hbm>>) target(%arg5 : memref<128xi32, #tpu.memory_space<vmem>>) target_semaphore(%arg11 : memref<!tpu.dma_semaphore, #tpu.memory_space<semaphore_mem>>)
    } else {
    }
    %gt3A_38 = arith.constant 2 : i32
    %gt3A_39 = arith.cmpi sgt, %select_n3A_30, %gt3A_38 : i32
    %convert_element_type3A_40 = arith.extui %gt3A_39 : i1 to i32
    %cond3A_41 = arith.constant 0 : i32
    %cond3A_42 = arith.cmpi ne, %convert_element_type3A_40, %cond3A_41 : i32
    scf.if %cond3A_42 {
      %mul3A = arith.constant 625 : i32
      %mul3A_68 = arith.muli %arg0, %mul3A : i32
      %mul3A_69 = arith.constant 2 : i32
      %mul3A_70 = arith.constant 16 : i32
      %mul3A_71 = arith.muli %mul3A_69, %mul3A_70 : i32
      %add3A = arith.addi %mul3A_68, %mul3A_71 : i32
      %add3A_72 = arith.addi %add3A, %arg1 : i32
      %mul3A_73 = arith.constant 128 : i32
      %mul3A_74 = arith.muli %add3A_72, %mul3A_73 : i32
      %multiple_of3A = tpu.assume_multiple %mul3A_74, 8 : i32
      %dma_start3A = tpu.memref_slice %arg2[%multiple_of3A] : memref<160000xi32, #tpu.memory_space<hbm>> -> memref<128xi32, #tpu.memory_space<hbm>>
      %dma_start3A_75 = tpu.memref_slice %arg2[%multiple_of3A] : memref<160000xi32, #tpu.memory_space<hbm>> -> memref<128xi32, #tpu.memory_space<hbm>>
      tpu.enqueue_dma source(%dma_start3A_75 : memref<128xi32, #tpu.memory_space<hbm>>) target(%arg6 : memref<128xi32, #tpu.memory_space<vmem>>) target_semaphore(%arg12 : memref<!tpu.dma_semaphore, #tpu.memory_space<semaphore_mem>>)
    } else {
    }
    %scan3A_43 = arith.constant 0 : i32
    %scan3A_44 = arith.constant 0 : i32
    %scan3A_45 = arith.constant 14 : i32
    %scan3A_46 = arith.addi %scan3A_44, %scan3A_45 : i32
    %scan3A_47 = arith.constant 1 : i32
    %scan3A_48 = scf.for %scan3A_68 = %scan3A_44 to %scan3A_46 step %scan3A_47 iter_args(%scan3A_69 = %scan3A_43) -> (i32)  : i32 {
      %mul3A = arith.constant 3 : i32
      %mul3A_70 = arith.muli %mul3A, %scan3A_68 : i32
      %add3A = arith.constant 0 : i32
      %add3A_71 = arith.addi %mul3A_70, %add3A : i32
      %lt3A_72 = arith.cmpi slt, %add3A_71, %select_n3A_30 : i32
      %convert_element_type3A_73 = arith.extui %lt3A_72 : i1 to i32
      %cond3A_74 = arith.constant 0 : i32
      %cond3A_75 = arith.cmpi ne, %convert_element_type3A_73, %cond3A_74 : i32
      scf.if %cond3A_75 {
        %dma_wait3A = arith.constant 0 : i32
        %dma_wait3A_93 = tpu.memref_slice %arg2[%dma_wait3A] : memref<160000xi32, #tpu.memory_space<hbm>> -> memref<128xi32, #tpu.memory_space<hbm>>
        %dma_wait3A_94 = arith.constant 0 : i32
        %dma_wait3A_95 = tpu.memref_slice %arg2[%dma_wait3A_94] : memref<160000xi32, #tpu.memory_space<hbm>> -> memref<128xi32, #tpu.memory_space<hbm>>
        tpu.wait_dma2 semaphore(%arg10 : memref<!tpu.dma_semaphore, #tpu.memory_space<semaphore_mem>>) src(%dma_wait3A_95 : memref<128xi32, #tpu.memory_space<hbm>>) dst(%arg4 : memref<128xi32, #tpu.memory_space<vmem>>)
        "tpu.region"() ({
          %run_scoped3A = tpu.sem_alloc : memref<!tpu.dma_semaphore, #tpu.memory_space<semaphore_mem>>
          %dma_start3A = arith.constant 0 : i32
          %dma_start3A_102 = arith.constant 0 : i32
          %dma_start3A_103 = tpu.memref_slice %arg9[%dma_start3A, %dma_start3A_102] : memref<10000x128xf32, #tpu.memory_space<vmem_shared>> -> memref<10000x128xf32, #tpu.memory_space<vmem_shared>>
          tpu.enqueue_indirect_dma source(%arg7 : memref<128x128xf32, #tpu.memory_space<vmem>>) target(%dma_start3A_103 : memref<10000x128xf32, #tpu.memory_space<vmem_shared>>) offsets(%arg4 : memref<128xi32, #tpu.memory_space<vmem>>) semaphore(%run_scoped3A : memref<!tpu.dma_semaphore, #tpu.memory_space<semaphore_mem>>) {add = true}
          %dma_wait3A_104 = arith.constant 0 : i32
          %dma_wait3A_105 = arith.constant 0 : i32
          %dma_wait3A_106 = tpu.memref_slice %arg9[%dma_wait3A_104, %dma_wait3A_105] : memref<10000x128xf32, #tpu.memory_space<vmem_shared>> -> memref<10000x128xf32, #tpu.memory_space<vmem_shared>>
          tpu.wait_indirect_dma semaphore(%run_scoped3A : memref<!tpu.dma_semaphore, #tpu.memory_space<semaphore_mem>>) src(%arg7 : memref<128x128xf32, #tpu.memory_space<vmem>>) dst(%dma_wait3A_106 : memref<10000x128xf32, #tpu.memory_space<vmem_shared>>)
          tpu.yield
        }) : () -> ()
        %add3A_96 = arith.constant 3 : i32
        %add3A_97 = arith.addi %add3A_71, %add3A_96 : i32
        %lt3A_98 = arith.cmpi slt, %add3A_97, %select_n3A_30 : i32
        %convert_element_type3A_99 = arith.extui %lt3A_98 : i1 to i32
        %cond3A_100 = arith.constant 0 : i32
        %cond3A_101 = arith.cmpi ne, %convert_element_type3A_99, %cond3A_100 : i32
        scf.if %cond3A_101 {
          %add3A_102 = arith.constant 3 : i32
          %add3A_103 = arith.addi %add3A_71, %add3A_102 : i32
          %mul3A_104 = arith.constant 625 : i32
          %mul3A_105 = arith.muli %arg0, %mul3A_104 : i32
          %mul3A_106 = arith.constant 16 : i32
          %mul3A_107 = arith.muli %add3A_103, %mul3A_106 : i32
          %add3A_108 = arith.addi %mul3A_105, %mul3A_107 : i32
          %add3A_109 = arith.addi %add3A_108, %arg1 : i32
          %mul3A_110 = arith.constant 128 : i32
          %mul3A_111 = arith.muli %add3A_109, %mul3A_110 : i32
          %multiple_of3A = tpu.assume_multiple %mul3A_111, 8 : i32
          %dma_start3A = tpu.memref_slice %arg2[%multiple_of3A] : memref<160000xi32, #tpu.memory_space<hbm>> -> memref<128xi32, #tpu.memory_space<hbm>>
          %dma_start3A_112 = tpu.memref_slice %arg2[%multiple_of3A] : memref<160000xi32, #tpu.memory_space<hbm>> -> memref<128xi32, #tpu.memory_space<hbm>>
          tpu.enqueue_dma source(%dma_start3A_112 : memref<128xi32, #tpu.memory_space<hbm>>) target(%arg4 : memref<128xi32, #tpu.memory_space<vmem>>) target_semaphore(%arg10 : memref<!tpu.dma_semaphore, #tpu.memory_space<semaphore_mem>>)
        } else {
        }
      } else {
      }
      %mul3A_76 = arith.constant 3 : i32
      %mul3A_77 = arith.muli %mul3A_76, %scan3A_68 : i32
      %add3A_78 = arith.constant 1 : i32
      %add3A_79 = arith.addi %mul3A_77, %add3A_78 : i32
      %lt3A_80 = arith.cmpi slt, %add3A_79, %select_n3A_30 : i32
      %convert_element_type3A_81 = arith.extui %lt3A_80 : i1 to i32
      %cond3A_82 = arith.constant 0 : i32
      %cond3A_83 = arith.cmpi ne, %convert_element_type3A_81, %cond3A_82 : i32
      scf.if %cond3A_83 {
        %dma_wait3A = arith.constant 0 : i32
        %dma_wait3A_93 = tpu.memref_slice %arg2[%dma_wait3A] : memref<160000xi32, #tpu.memory_space<hbm>> -> memref<128xi32, #tpu.memory_space<hbm>>
        %dma_wait3A_94 = arith.constant 0 : i32
        %dma_wait3A_95 = tpu.memref_slice %arg2[%dma_wait3A_94] : memref<160000xi32, #tpu.memory_space<hbm>> -> memref<128xi32, #tpu.memory_space<hbm>>
        tpu.wait_dma2 semaphore(%arg11 : memref<!tpu.dma_semaphore, #tpu.memory_space<semaphore_mem>>) src(%dma_wait3A_95 : memref<128xi32, #tpu.memory_space<hbm>>) dst(%arg5 : memref<128xi32, #tpu.memory_space<vmem>>)
        "tpu.region"() ({
          %run_scoped3A = tpu.sem_alloc : memref<!tpu.dma_semaphore, #tpu.memory_space<semaphore_mem>>
          %dma_start3A = arith.constant 0 : i32
          %dma_start3A_102 = arith.constant 0 : i32
          %dma_start3A_103 = tpu.memref_slice %arg9[%dma_start3A, %dma_start3A_102] : memref<10000x128xf32, #tpu.memory_space<vmem_shared>> -> memref<10000x128xf32, #tpu.memory_space<vmem_shared>>
          tpu.enqueue_indirect_dma source(%arg7 : memref<128x128xf32, #tpu.memory_space<vmem>>) target(%dma_start3A_103 : memref<10000x128xf32, #tpu.memory_space<vmem_shared>>) offsets(%arg5 : memref<128xi32, #tpu.memory_space<vmem>>) semaphore(%run_scoped3A : memref<!tpu.dma_semaphore, #tpu.memory_space<semaphore_mem>>) {add = true}
          %dma_wait3A_104 = arith.constant 0 : i32
          %dma_wait3A_105 = arith.constant 0 : i32
          %dma_wait3A_106 = tpu.memref_slice %arg9[%dma_wait3A_104, %dma_wait3A_105] : memref<10000x128xf32, #tpu.memory_space<vmem_shared>> -> memref<10000x128xf32, #tpu.memory_space<vmem_shared>>
          tpu.wait_indirect_dma semaphore(%run_scoped3A : memref<!tpu.dma_semaphore, #tpu.memory_space<semaphore_mem>>) src(%arg7 : memref<128x128xf32, #tpu.memory_space<vmem>>) dst(%dma_wait3A_106 : memref<10000x128xf32, #tpu.memory_space<vmem_shared>>)
          tpu.yield
        }) : () -> ()
        %add3A_96 = arith.constant 3 : i32
        %add3A_97 = arith.addi %add3A_79, %add3A_96 : i32
        %lt3A_98 = arith.cmpi slt, %add3A_97, %select_n3A_30 : i32
        %convert_element_type3A_99 = arith.extui %lt3A_98 : i1 to i32
        %cond3A_100 = arith.constant 0 : i32
        %cond3A_101 = arith.cmpi ne, %convert_element_type3A_99, %cond3A_100 : i32
        scf.if %cond3A_101 {
          %add3A_102 = arith.constant 3 : i32
          %add3A_103 = arith.addi %add3A_79, %add3A_102 : i32
          %mul3A_104 = arith.constant 625 : i32
          %mul3A_105 = arith.muli %arg0, %mul3A_104 : i32
          %mul3A_106 = arith.constant 16 : i32
          %mul3A_107 = arith.muli %add3A_103, %mul3A_106 : i32
          %add3A_108 = arith.addi %mul3A_105, %mul3A_107 : i32
          %add3A_109 = arith.addi %add3A_108, %arg1 : i32
          %mul3A_110 = arith.constant 128 : i32
          %mul3A_111 = arith.muli %add3A_109, %mul3A_110 : i32
          %multiple_of3A = tpu.assume_multiple %mul3A_111, 8 : i32
          %dma_start3A = tpu.memref_slice %arg2[%multiple_of3A] : memref<160000xi32, #tpu.memory_space<hbm>> -> memref<128xi32, #tpu.memory_space<hbm>>
          %dma_start3A_112 = tpu.memref_slice %arg2[%multiple_of3A] : memref<160000xi32, #tpu.memory_space<hbm>> -> memref<128xi32, #tpu.memory_space<hbm>>
          tpu.enqueue_dma source(%dma_start3A_112 : memref<128xi32, #tpu.memory_space<hbm>>) target(%arg5 : memref<128xi32, #tpu.memory_space<vmem>>) target_semaphore(%arg11 : memref<!tpu.dma_semaphore, #tpu.memory_space<semaphore_mem>>)
        } else {
        }
      } else {
      }
      %mul3A_84 = arith.constant 3 : i32
      %mul3A_85 = arith.muli %mul3A_84, %scan3A_68 : i32
      %add3A_86 = arith.constant 2 : i32
      %add3A_87 = arith.addi %mul3A_85, %add3A_86 : i32
      %lt3A_88 = arith.cmpi slt, %add3A_87, %select_n3A_30 : i32
      %convert_element_type3A_89 = arith.extui %lt3A_88 : i1 to i32
      %cond3A_90 = arith.constant 0 : i32
      %cond3A_91 = arith.cmpi ne, %convert_element_type3A_89, %cond3A_90 : i32
      scf.if %cond3A_91 {
        %dma_wait3A = arith.constant 0 : i32
        %dma_wait3A_93 = tpu.memref_slice %arg2[%dma_wait3A] : memref<160000xi32, #tpu.memory_space<hbm>> -> memref<128xi32, #tpu.memory_space<hbm>>
        %dma_wait3A_94 = arith.constant 0 : i32
        %dma_wait3A_95 = tpu.memref_slice %arg2[%dma_wait3A_94] : memref<160000xi32, #tpu.memory_space<hbm>> -> memref<128xi32, #tpu.memory_space<hbm>>
        tpu.wait_dma2 semaphore(%arg12 : memref<!tpu.dma_semaphore, #tpu.memory_space<semaphore_mem>>) src(%dma_wait3A_95 : memref<128xi32, #tpu.memory_space<hbm>>) dst(%arg6 : memref<128xi32, #tpu.memory_space<vmem>>)
        "tpu.region"() ({
          %run_scoped3A = tpu.sem_alloc : memref<!tpu.dma_semaphore, #tpu.memory_space<semaphore_mem>>
          %dma_start3A = arith.constant 0 : i32
          %dma_start3A_102 = arith.constant 0 : i32
          %dma_start3A_103 = tpu.memref_slice %arg9[%dma_start3A, %dma_start3A_102] : memref<10000x128xf32, #tpu.memory_space<vmem_shared>> -> memref<10000x128xf32, #tpu.memory_space<vmem_shared>>
          tpu.enqueue_indirect_dma source(%arg7 : memref<128x128xf32, #tpu.memory_space<vmem>>) target(%dma_start3A_103 : memref<10000x128xf32, #tpu.memory_space<vmem_shared>>) offsets(%arg6 : memref<128xi32, #tpu.memory_space<vmem>>) semaphore(%run_scoped3A : memref<!tpu.dma_semaphore, #tpu.memory_space<semaphore_mem>>) {add = true}
          %dma_wait3A_104 = arith.constant 0 : i32
          %dma_wait3A_105 = arith.constant 0 : i32
          %dma_wait3A_106 = tpu.memref_slice %arg9[%dma_wait3A_104, %dma_wait3A_105] : memref<10000x128xf32, #tpu.memory_space<vmem_shared>> -> memref<10000x128xf32, #tpu.memory_space<vmem_shared>>
          tpu.wait_indirect_dma semaphore(%run_scoped3A : memref<!tpu.dma_semaphore, #tpu.memory_space<semaphore_mem>>) src(%arg7 : memref<128x128xf32, #tpu.memory_space<vmem>>) dst(%dma_wait3A_106 : memref<10000x128xf32, #tpu.memory_space<vmem_shared>>)
          tpu.yield
        }) : () -> ()
        %add3A_96 = arith.constant 3 : i32
        %add3A_97 = arith.addi %add3A_87, %add3A_96 : i32
        %lt3A_98 = arith.cmpi slt, %add3A_97, %select_n3A_30 : i32
        %convert_element_type3A_99 = arith.extui %lt3A_98 : i1 to i32
        %cond3A_100 = arith.constant 0 : i32
        %cond3A_101 = arith.cmpi ne, %convert_element_type3A_99, %cond3A_100 : i32
        scf.if %cond3A_101 {
          %add3A_102 = arith.constant 3 : i32
          %add3A_103 = arith.addi %add3A_87, %add3A_102 : i32
          %mul3A_104 = arith.constant 625 : i32
          %mul3A_105 = arith.muli %arg0, %mul3A_104 : i32
          %mul3A_106 = arith.constant 16 : i32
          %mul3A_107 = arith.muli %add3A_103, %mul3A_106 : i32
          %add3A_108 = arith.addi %mul3A_105, %mul3A_107 : i32
          %add3A_109 = arith.addi %add3A_108, %arg1 : i32
          %mul3A_110 = arith.constant 128 : i32
          %mul3A_111 = arith.muli %add3A_109, %mul3A_110 : i32
          %multiple_of3A = tpu.assume_multiple %mul3A_111, 8 : i32
          %dma_start3A = tpu.memref_slice %arg2[%multiple_of3A] : memref<160000xi32, #tpu.memory_space<hbm>> -> memref<128xi32, #tpu.memory_space<hbm>>
          %dma_start3A_112 = tpu.memref_slice %arg2[%multiple_of3A] : memref<160000xi32, #tpu.memory_space<hbm>> -> memref<128xi32, #tpu.memory_space<hbm>>
          tpu.enqueue_dma source(%dma_start3A_112 : memref<128xi32, #tpu.memory_space<hbm>>) target(%arg6 : memref<128xi32, #tpu.memory_space<vmem>>) target_semaphore(%arg12 : memref<!tpu.dma_semaphore, #tpu.memory_space<semaphore_mem>>)
        } else {
        }
      } else {
      }
      %scan3A_92 = arith.constant 0 : i32
      scf.yield %scan3A_92 : i32
    }
    %scan3A_49 = arith.constant 14 : i32
    %barrier3A_50 = arith.constant 0 : index
    tpu.barrier barrier_id(%barrier3A_50)
    %lt3A_51 = arith.constant 9 : i32
    %lt3A_52 = arith.cmpi slt, %arg1, %lt3A_51 : i32
    %jit3A_53 = arith.constant 2 : i32
    %jit3A_54 = arith.constant 1 : i32
    %select_n3A_55 = arith.select %lt3A_52, %jit3A_53, %jit3A_54 : i32
    %while3A_56 = arith.constant 0 : i32
    %while3A_57 = arith.constant 0 : i32
    %while3A_58 = arith.subi %select_n3A_55, %while3A_56 : i32
    %while3A_59 = arith.addi %while3A_56, %while3A_58 : i32
    %while3A_60 = arith.constant 1 : i32
    %while3A_61 = arith.divsi %while3A_58, %while3A_60 : i32
    %while3A_62 = arith.muli %while3A_61, %while3A_60 : i32
    %while3A_63 = arith.addi %while3A_56, %while3A_62 : i32
    %while3A_64 = arith.constant 1 : i32
    %while3A_65 = scf.for %while3A_68 = %while3A_56 to %while3A_63 step %while3A_64 iter_args(%while3A_69 = %while3A_57) -> (i32)  : i32 {
      %mul3A = arith.constant 16 : i32
      %mul3A_70 = arith.muli %while3A_68, %mul3A : i32
      %add3A = arith.addi %mul3A_70, %arg1 : i32
      %mul3A_71 = arith.constant 400 : i32
      %mul3A_72 = arith.muli %add3A, %mul3A_71 : i32
      %multiple_of3A = tpu.assume_multiple %mul3A_72, 8 : i32
      %mul3A_73 = arith.constant 10000 : i32
      %mul3A_74 = arith.muli %arg0, %mul3A_73 : i32
      %mul3A_75 = arith.constant 16 : i32
      %mul3A_76 = arith.muli %while3A_68, %mul3A_75 : i32
      %add3A_77 = arith.addi %mul3A_76, %arg1 : i32
      %mul3A_78 = arith.constant 400 : i32
      %mul3A_79 = arith.muli %add3A_77, %mul3A_78 : i32
      %add3A_80 = arith.addi %mul3A_74, %mul3A_79 : i32
      %multiple_of3A_81 = tpu.assume_multiple %add3A_80, 8 : i32
      "tpu.region"() ({
        %run_scoped3A = tpu.sem_alloc : memref<!tpu.dma_semaphore, #tpu.memory_space<semaphore_mem>>
        %dma_start3A = arith.constant 0 : i32
        %dma_start3A_83 = tpu.memref_slice %arg3[%multiple_of3A_81, %dma_start3A] : memref<20000x128xf32, #tpu.memory_space<hbm>> -> memref<400x128xf32, #tpu.memory_space<hbm>>
        %dma_start3A_84 = arith.constant 0 : i32
        %dma_start3A_85 = tpu.memref_slice %arg9[%multiple_of3A, %dma_start3A_84] : memref<10000x128xf32, #tpu.memory_space<vmem_shared>> -> memref<400x128xf32, #tpu.memory_space<vmem_shared>>
        tpu.enqueue_dma source(%dma_start3A_85 : memref<400x128xf32, #tpu.memory_space<vmem_shared>>) target(%dma_start3A_83 : memref<400x128xf32, #tpu.memory_space<hbm>>) target_semaphore(%run_scoped3A : memref<!tpu.dma_semaphore, #tpu.memory_space<semaphore_mem>>)
        %dma_wait3A = arith.constant 0 : i32
        %dma_wait3A_86 = tpu.memref_slice %arg3[%multiple_of3A_81, %dma_wait3A] : memref<20000x128xf32, #tpu.memory_space<hbm>> -> memref<400x128xf32, #tpu.memory_space<hbm>>
        %dma_wait3A_87 = arith.constant 0 : i32
        %dma_wait3A_88 = tpu.memref_slice %arg9[%multiple_of3A, %dma_wait3A_87] : memref<10000x128xf32, #tpu.memory_space<vmem_shared>> -> memref<400x128xf32, #tpu.memory_space<vmem_shared>>
        tpu.wait_dma2 semaphore(%run_scoped3A : memref<!tpu.dma_semaphore, #tpu.memory_space<semaphore_mem>>) src(%dma_wait3A_88 : memref<400x128xf32, #tpu.memory_space<vmem_shared>>) dst(%dma_wait3A_86 : memref<400x128xf32, #tpu.memory_space<hbm>>)
        tpu.yield
      }) : () -> ()
      %while3A_82 = arith.constant 0 : i32
      scf.yield %while3A_82 : i32
    }
    %while3A_66 = arith.constant 1 : i32
    %while3A_67 = scf.for %while3A_68 = %while3A_63 to %while3A_59 step %while3A_66 iter_args(%while3A_69 = %while3A_65) -> (i32)  : i32 {
      %mul3A = arith.constant 16 : i32
      %mul3A_70 = arith.muli %while3A_68, %mul3A : i32
      %add3A = arith.addi %mul3A_70, %arg1 : i32
      %mul3A_71 = arith.constant 400 : i32
      %mul3A_72 = arith.muli %add3A, %mul3A_71 : i32
      %multiple_of3A = tpu.assume_multiple %mul3A_72, 8 : i32
      %mul3A_73 = arith.constant 10000 : i32
      %mul3A_74 = arith.muli %arg0, %mul3A_73 : i32
      %mul3A_75 = arith.constant 16 : i32
      %mul3A_76 = arith.muli %while3A_68, %mul3A_75 : i32
      %add3A_77 = arith.addi %mul3A_76, %arg1 : i32
      %mul3A_78 = arith.constant 400 : i32
      %mul3A_79 = arith.muli %add3A_77, %mul3A_78 : i32
      %add3A_80 = arith.addi %mul3A_74, %mul3A_79 : i32
      %multiple_of3A_81 = tpu.assume_multiple %add3A_80, 8 : i32
      "tpu.region"() ({
        %run_scoped3A = tpu.sem_alloc : memref<!tpu.dma_semaphore, #tpu.memory_space<semaphore_mem>>
        %dma_start3A = arith.constant 0 : i32
        %dma_start3A_83 = tpu.memref_slice %arg3[%multiple_of3A_81, %dma_start3A] : memref<20000x128xf32, #tpu.memory_space<hbm>> -> memref<400x128xf32, #tpu.memory_space<hbm>>
        %dma_start3A_84 = arith.constant 0 : i32
        %dma_start3A_85 = tpu.memref_slice %arg9[%multiple_of3A, %dma_start3A_84] : memref<10000x128xf32, #tpu.memory_space<vmem_shared>> -> memref<400x128xf32, #tpu.memory_space<vmem_shared>>
        tpu.enqueue_dma source(%dma_start3A_85 : memref<400x128xf32, #tpu.memory_space<vmem_shared>>) target(%dma_start3A_83 : memref<400x128xf32, #tpu.memory_space<hbm>>) target_semaphore(%run_scoped3A : memref<!tpu.dma_semaphore, #tpu.memory_space<semaphore_mem>>)
        %dma_wait3A = arith.constant 0 : i32
        %dma_wait3A_86 = tpu.memref_slice %arg3[%multiple_of3A_81, %dma_wait3A] : memref<20000x128xf32, #tpu.memory_space<hbm>> -> memref<400x128xf32, #tpu.memory_space<hbm>>
        %dma_wait3A_87 = arith.constant 0 : i32
        %dma_wait3A_88 = tpu.memref_slice %arg9[%multiple_of3A, %dma_wait3A_87] : memref<10000x128xf32, #tpu.memory_space<vmem_shared>> -> memref<400x128xf32, #tpu.memory_space<vmem_shared>>
        tpu.wait_dma2 semaphore(%run_scoped3A : memref<!tpu.dma_semaphore, #tpu.memory_space<semaphore_mem>>) src(%dma_wait3A_88 : memref<400x128xf32, #tpu.memory_space<vmem_shared>>) dst(%dma_wait3A_86 : memref<400x128xf32, #tpu.memory_space<hbm>>)
        tpu.yield
      }) : () -> ()
      %while3A_82 = arith.constant 0 : i32
      scf.yield %while3A_82 : i32
    }
    return
  }
}

#map = affine_map<(d0, d1) -> (0, 0)>
#map1 = affine_map<(d0, d1) -> (0)>
module attributes {stable_mosaic.version = 14 : i64} {
  func.func @_agg_kernel(%arg0: i32, %arg1: i32, %arg2: memref<20000x128xf32, #tpu.memory_space<hbm>>, %arg3: memref<320000xi32, #tpu.memory_space<hbm>>, %arg4: memref<160000xi32, #tpu.memory_space<hbm>>, %arg5: memref<20000x128xf32, #tpu.memory_space<hbm>>, %arg6: memref<128xi32, #tpu.memory_space<vmem>>, %arg7: memref<128xi32, #tpu.memory_space<vmem>>, %arg8: memref<128xi32, #tpu.memory_space<vmem>>, %arg9: memref<128xi32, #tpu.memory_space<vmem>>, %arg10: memref<128xi32, #tpu.memory_space<vmem>>, %arg11: memref<128xi32, #tpu.memory_space<vmem>>, %arg12: memref<128x128xf32, #tpu.memory_space<vmem>>, %arg13: memref<128x128xf32, #tpu.memory_space<vmem>>, %arg14: memref<128x128xf32, #tpu.memory_space<vmem>>, %arg15: memref<10000x128xf32, #tpu.memory_space<vmem_shared>>, %arg16: memref<!tpu.dma_semaphore, #tpu.memory_space<semaphore_mem>>, %arg17: memref<!tpu.dma_semaphore, #tpu.memory_space<semaphore_mem>>, %arg18: memref<!tpu.dma_semaphore, #tpu.memory_space<semaphore_mem>>, %arg19: memref<!tpu.dma_semaphore, #tpu.memory_space<semaphore_mem>>, %arg20: memref<!tpu.dma_semaphore, #tpu.memory_space<semaphore_mem>>, %arg21: memref<!tpu.dma_semaphore, #tpu.memory_space<semaphore_mem>>) attributes {dimension_semantics = [#tpu.dimension_semantics<core_parallel>, #tpu.dimension_semantics<subcore_parallel>], iteration_bounds = array<i64: 2, 16>, scalar_prefetch = 0 : i64, scratch_operands = 16 : i64, tpu.core_type = #tpu.core_type<sc_vector_subcore>, window_params = [{transform_indices = #map}, {transform_indices = #map1}, {transform_indices = #map1}, {transform_indices = #map}]} {
    %scan3A = arith.constant 0 : i32
    %scan3A_0 = arith.constant 0 : i32
    %scan3A_1 = arith.constant 640 : i32
    %scan3A_2 = arith.addi %scan3A_0, %scan3A_1 : i32
    %scan3A_3 = arith.constant 1 : i32
    %scan3A_4 = scf.for %scan3A_108 = %scan3A_0 to %scan3A_2 step %scan3A_3 iter_args(%scan3A_109 = %scan3A) -> (i32)  : i32 {
      %broadcast_in_dim3A = arith.constant 0.000000e+00 : f32
      %broadcast_in_dim3A_110 = vector.broadcast %broadcast_in_dim3A : f32 to vector<16xf32>
      %jit3A_111 = arith.constant 8 : i32
      %div3A = arith.divsi %scan3A_108, %jit3A_111 : i32
      %sign3A = arith.constant 0 : i32
      %sign3A_112 = arith.cmpi sgt, %scan3A_108, %sign3A : i32
      %sign3A_113 = arith.extui %sign3A_112 : i1 to i32
      %sign3A_114 = arith.constant 0 : i32
      %sign3A_115 = arith.cmpi slt, %scan3A_108, %sign3A_114 : i32
      %sign3A_116 = arith.extui %sign3A_115 : i1 to i32
      %sign3A_117 = arith.subi %sign3A_113, %sign3A_116 : i32
      %sign3A_118 = arith.constant 0 : i32
      %sign3A_119 = arith.cmpi sgt, %jit3A_111, %sign3A_118 : i32
      %sign3A_120 = arith.extui %sign3A_119 : i1 to i32
      %sign3A_121 = arith.constant 0 : i32
      %sign3A_122 = arith.cmpi slt, %jit3A_111, %sign3A_121 : i32
      %sign3A_123 = arith.extui %sign3A_122 : i1 to i32
      %sign3A_124 = arith.subi %sign3A_120, %sign3A_123 : i32
      %ne3A = arith.cmpi ne, %sign3A_117, %sign3A_124 : i32
      %rem3A = arith.remsi %scan3A_108, %jit3A_111 : i32
      %ne3A_125 = arith.constant 0 : i32
      %ne3A_126 = arith.cmpi ne, %rem3A, %ne3A_125 : i32
      %and3A = arith.andi %ne3A, %ne3A_126 : i1
      %sub3A = arith.constant 1 : i32
      %sub3A_127 = arith.subi %div3A, %sub3A : i32
      %select_n3A_128 = arith.select %and3A, %sub3A_127, %div3A : i32
      %jit3A_129 = arith.constant 8 : i32
      %eq3A = arith.constant 0 : i32
      %eq3A_130 = arith.cmpi eq, %jit3A_129, %eq3A : i32
      %jit3A_131 = arith.constant 1 : i32
      %select_n3A_132 = arith.select %eq3A_130, %jit3A_131, %jit3A_129 : i32
      %rem3A_133 = arith.remsi %scan3A_108, %select_n3A_132 : i32
      %ne3A_134 = arith.constant 0 : i32
      %ne3A_135 = arith.cmpi ne, %rem3A_133, %ne3A_134 : i32
      %lt3A_136 = arith.constant 0 : i32
      %lt3A_137 = arith.cmpi slt, %rem3A_133, %lt3A_136 : i32
      %lt3A_138 = arith.constant 0 : i32
      %lt3A_139 = arith.cmpi slt, %select_n3A_132, %lt3A_138 : i32
      %ne3A_140 = arith.xori %lt3A_137, %lt3A_139 : i1
      %and3A_141 = arith.andi %ne3A_140, %ne3A_135 : i1
      %add3A_142 = arith.addi %rem3A_133, %select_n3A_132 : i32
      %select_n3A_143 = arith.select %and3A_141, %add3A_142, %rem3A_133 : i32
      %mul3A_144 = arith.constant 16 : i32
      %mul3A_145 = arith.muli %select_n3A_143, %mul3A_144 : i32
      %swap3A = arith.index_cast %select_n3A_128 : i32 to index
      %swap3A_146 = arith.index_cast %mul3A_145 : i32 to index
      %swap3A_147 = tpu.vector_load %arg12[%swap3A, %swap3A_146] {strides = array<i32>} : memref<128x128xf32, #tpu.memory_space<vmem>>, vector<1x16xf32>,
      %swap3A_148 = vector.shape_cast %swap3A_147 : vector<1x16xf32> to vector<16xf32>
      %swap3A_149 = vector.shape_cast %broadcast_in_dim3A_110 : vector<16xf32> to vector<1x16xf32>
      tpu.vector_store %arg12[%swap3A, %swap3A_146], %swap3A_149 {strides = array<i32>} : memref<128x128xf32, #tpu.memory_space<vmem>>, vector<1x16xf32>,
      %scan3A_150 = arith.constant 0 : i32
      scf.yield %scan3A_150 : i32
    }
    %scan3A_5 = arith.constant 640 : i32
    %lt3A = arith.constant 13 : i32
    %lt3A_6 = arith.cmpi slt, %arg1, %lt3A : i32
    %jit3A = arith.constant 8 : i32
    %jit3A_7 = arith.constant 7 : i32
    %select_n3A = arith.select %lt3A_6, %jit3A, %jit3A_7 : i32
    %while3A = arith.constant 0 : i32
    %while3A_8 = arith.constant 0 : i32
    %while3A_9 = arith.subi %select_n3A, %while3A : i32
    %while3A_10 = arith.addi %while3A, %while3A_9 : i32
    %while3A_11 = arith.constant 1 : i32
    %while3A_12 = arith.divsi %while3A_9, %while3A_11 : i32
    %while3A_13 = arith.muli %while3A_12, %while3A_11 : i32
    %while3A_14 = arith.addi %while3A, %while3A_13 : i32
    %while3A_15 = arith.constant 1 : i32
    %while3A_16 = scf.for %while3A_108 = %while3A to %while3A_14 step %while3A_15 iter_args(%while3A_109 = %while3A_8) -> (i32)  : i32 {
      %mul3A_110 = arith.constant 16 : i32
      %mul3A_111 = arith.muli %while3A_108, %mul3A_110 : i32
      %add3A_112 = arith.addi %mul3A_111, %arg1 : i32
      %mul3A_113 = arith.constant 80 : i32
      %mul3A_114 = arith.muli %add3A_112, %mul3A_113 : i32
      %multiple_of3A_115 = tpu.assume_multiple %mul3A_114, 8 : i32
      "tpu.region"() ({
        %run_scoped3A = tpu.sem_alloc : memref<!tpu.dma_semaphore, #tpu.memory_space<semaphore_mem>>
        %dma_start3A_117 = arith.constant 0 : i32
        %dma_start3A_118 = arith.constant 0 : i32
        %dma_start3A_119 = tpu.memref_slice %arg12[%dma_start3A_117, %dma_start3A_118] : memref<128x128xf32, #tpu.memory_space<vmem>> -> memref<80x128xf32, #tpu.memory_space<vmem>>
        %dma_start3A_120 = arith.constant 0 : i32
        %dma_start3A_121 = tpu.memref_slice %arg15[%multiple_of3A_115, %dma_start3A_120] : memref<10000x128xf32, #tpu.memory_space<vmem_shared>> -> memref<80x128xf32, #tpu.memory_space<vmem_shared>>
        %dma_start3A_122 = arith.constant 0 : i32
        %dma_start3A_123 = tpu.memref_slice %arg15[%multiple_of3A_115, %dma_start3A_122] : memref<10000x128xf32, #tpu.memory_space<vmem_shared>> -> memref<80x128xf32, #tpu.memory_space<vmem_shared>>
        %dma_start3A_124 = arith.constant 0 : i32
        %dma_start3A_125 = arith.constant 0 : i32
        %dma_start3A_126 = tpu.memref_slice %arg12[%dma_start3A_124, %dma_start3A_125] : memref<128x128xf32, #tpu.memory_space<vmem>> -> memref<80x128xf32, #tpu.memory_space<vmem>>
        tpu.enqueue_dma source(%dma_start3A_126 : memref<80x128xf32, #tpu.memory_space<vmem>>) target(%dma_start3A_123 : memref<80x128xf32, #tpu.memory_space<vmem_shared>>) target_semaphore(%run_scoped3A : memref<!tpu.dma_semaphore, #tpu.memory_space<semaphore_mem>>)
        %dma_wait3A_127 = arith.constant 0 : i32
        %dma_wait3A_128 = arith.constant 0 : i32
        %dma_wait3A_129 = tpu.memref_slice %arg12[%dma_wait3A_127, %dma_wait3A_128] : memref<128x128xf32, #tpu.memory_space<vmem>> -> memref<80x128xf32, #tpu.memory_space<vmem>>
        %dma_wait3A_130 = arith.constant 0 : i32
        %dma_wait3A_131 = tpu.memref_slice %arg15[%multiple_of3A_115, %dma_wait3A_130] : memref<10000x128xf32, #tpu.memory_space<vmem_shared>> -> memref<80x128xf32, #tpu.memory_space<vmem_shared>>
        %dma_wait3A_132 = arith.constant 0 : i32
        %dma_wait3A_133 = tpu.memref_slice %arg15[%multiple_of3A_115, %dma_wait3A_132] : memref<10000x128xf32, #tpu.memory_space<vmem_shared>> -> memref<80x128xf32, #tpu.memory_space<vmem_shared>>
        %dma_wait3A_134 = arith.constant 0 : i32
        %dma_wait3A_135 = arith.constant 0 : i32
        %dma_wait3A_136 = tpu.memref_slice %arg12[%dma_wait3A_134, %dma_wait3A_135] : memref<128x128xf32, #tpu.memory_space<vmem>> -> memref<80x128xf32, #tpu.memory_space<vmem>>
        tpu.wait_dma2 semaphore(%run_scoped3A : memref<!tpu.dma_semaphore, #tpu.memory_space<semaphore_mem>>) src(%dma_wait3A_136 : memref<80x128xf32, #tpu.memory_space<vmem>>) dst(%dma_wait3A_133 : memref<80x128xf32, #tpu.memory_space<vmem_shared>>)
        tpu.yield
      }) : () -> ()
      %while3A_116 = arith.constant 0 : i32
      scf.yield %while3A_116 : i32
    }
    %while3A_17 = arith.constant 1 : i32
    %while3A_18 = scf.for %while3A_108 = %while3A_14 to %while3A_10 step %while3A_17 iter_args(%while3A_109 = %while3A_16) -> (i32)  : i32 {
      %mul3A_110 = arith.constant 16 : i32
      %mul3A_111 = arith.muli %while3A_108, %mul3A_110 : i32
      %add3A_112 = arith.addi %mul3A_111, %arg1 : i32
      %mul3A_113 = arith.constant 80 : i32
      %mul3A_114 = arith.muli %add3A_112, %mul3A_113 : i32
      %multiple_of3A_115 = tpu.assume_multiple %mul3A_114, 8 : i32
      "tpu.region"() ({
        %run_scoped3A = tpu.sem_alloc : memref<!tpu.dma_semaphore, #tpu.memory_space<semaphore_mem>>
        %dma_start3A_117 = arith.constant 0 : i32
        %dma_start3A_118 = arith.constant 0 : i32
        %dma_start3A_119 = tpu.memref_slice %arg12[%dma_start3A_117, %dma_start3A_118] : memref<128x128xf32, #tpu.memory_space<vmem>> -> memref<80x128xf32, #tpu.memory_space<vmem>>
        %dma_start3A_120 = arith.constant 0 : i32
        %dma_start3A_121 = tpu.memref_slice %arg15[%multiple_of3A_115, %dma_start3A_120] : memref<10000x128xf32, #tpu.memory_space<vmem_shared>> -> memref<80x128xf32, #tpu.memory_space<vmem_shared>>
        %dma_start3A_122 = arith.constant 0 : i32
        %dma_start3A_123 = tpu.memref_slice %arg15[%multiple_of3A_115, %dma_start3A_122] : memref<10000x128xf32, #tpu.memory_space<vmem_shared>> -> memref<80x128xf32, #tpu.memory_space<vmem_shared>>
        %dma_start3A_124 = arith.constant 0 : i32
        %dma_start3A_125 = arith.constant 0 : i32
        %dma_start3A_126 = tpu.memref_slice %arg12[%dma_start3A_124, %dma_start3A_125] : memref<128x128xf32, #tpu.memory_space<vmem>> -> memref<80x128xf32, #tpu.memory_space<vmem>>
        tpu.enqueue_dma source(%dma_start3A_126 : memref<80x128xf32, #tpu.memory_space<vmem>>) target(%dma_start3A_123 : memref<80x128xf32, #tpu.memory_space<vmem_shared>>) target_semaphore(%run_scoped3A : memref<!tpu.dma_semaphore, #tpu.memory_space<semaphore_mem>>)
        %dma_wait3A_127 = arith.constant 0 : i32
        %dma_wait3A_128 = arith.constant 0 : i32
        %dma_wait3A_129 = tpu.memref_slice %arg12[%dma_wait3A_127, %dma_wait3A_128] : memref<128x128xf32, #tpu.memory_space<vmem>> -> memref<80x128xf32, #tpu.memory_space<vmem>>
        %dma_wait3A_130 = arith.constant 0 : i32
        %dma_wait3A_131 = tpu.memref_slice %arg15[%multiple_of3A_115, %dma_wait3A_130] : memref<10000x128xf32, #tpu.memory_space<vmem_shared>> -> memref<80x128xf32, #tpu.memory_space<vmem_shared>>
        %dma_wait3A_132 = arith.constant 0 : i32
        %dma_wait3A_133 = tpu.memref_slice %arg15[%multiple_of3A_115, %dma_wait3A_132] : memref<10000x128xf32, #tpu.memory_space<vmem_shared>> -> memref<80x128xf32, #tpu.memory_space<vmem_shared>>
        %dma_wait3A_134 = arith.constant 0 : i32
        %dma_wait3A_135 = arith.constant 0 : i32
        %dma_wait3A_136 = tpu.memref_slice %arg12[%dma_wait3A_134, %dma_wait3A_135] : memref<128x128xf32, #tpu.memory_space<vmem>> -> memref<80x128xf32, #tpu.memory_space<vmem>>
        tpu.wait_dma2 semaphore(%run_scoped3A : memref<!tpu.dma_semaphore, #tpu.memory_space<semaphore_mem>>) src(%dma_wait3A_136 : memref<80x128xf32, #tpu.memory_space<vmem>>) dst(%dma_wait3A_133 : memref<80x128xf32, #tpu.memory_space<vmem_shared>>)
        tpu.yield
      }) : () -> ()
      %while3A_116 = arith.constant 0 : i32
      scf.yield %while3A_116 : i32
    }
    %barrier3A = arith.constant 0 : index
    tpu.barrier barrier_id(%barrier3A)
    %lt3A_19 = arith.constant 2 : i32
    %lt3A_20 = arith.cmpi slt, %arg1, %lt3A_19 : i32
    %jit3A_21 = arith.constant 79 : i32
    %jit3A_22 = arith.constant 78 : i32
    %select_n3A_23 = arith.select %lt3A_20, %jit3A_21, %jit3A_22 : i32
    %mul3A = arith.constant 0 : i32
    %mul3A_24 = arith.constant 16 : i32
    %mul3A_25 = arith.muli %mul3A, %mul3A_24 : i32
    %add3A = arith.addi %mul3A_25, %arg1 : i32
    %mul3A_26 = arith.constant 128 : i32
    %mul3A_27 = arith.muli %add3A, %mul3A_26 : i32
    %multiple_of3A = tpu.assume_multiple %mul3A_27, 8 : i32
    %mul3A_28 = arith.constant 160000 : i32
    %mul3A_29 = arith.muli %arg0, %mul3A_28 : i32
    %add3A_30 = arith.addi %mul3A_29, %multiple_of3A : i32
    %dma_start3A = tpu.memref_slice %arg3[%add3A_30] : memref<320000xi32, #tpu.memory_space<hbm>> -> memref<128xi32, #tpu.memory_space<hbm>>
    %dma_start3A_31 = tpu.memref_slice %arg3[%add3A_30] : memref<320000xi32, #tpu.memory_space<hbm>> -> memref<128xi32, #tpu.memory_space<hbm>>
    tpu.enqueue_dma source(%dma_start3A_31 : memref<128xi32, #tpu.memory_space<hbm>>) target(%arg6 : memref<128xi32, #tpu.memory_space<vmem>>) target_semaphore(%arg19 : memref<!tpu.dma_semaphore, #tpu.memory_space<semaphore_mem>>)
    %dma_start3A_32 = tpu.memref_slice %arg4[%multiple_of3A] : memref<160000xi32, #tpu.memory_space<hbm>> -> memref<128xi32, #tpu.memory_space<hbm>>
    %dma_start3A_33 = tpu.memref_slice %arg4[%multiple_of3A] : memref<160000xi32, #tpu.memory_space<hbm>> -> memref<128xi32, #tpu.memory_space<hbm>>
    tpu.enqueue_dma source(%dma_start3A_33 : memref<128xi32, #tpu.memory_space<hbm>>) target(%arg9 : memref<128xi32, #tpu.memory_space<vmem>>) target_semaphore(%arg19 : memref<!tpu.dma_semaphore, #tpu.memory_space<semaphore_mem>>)
    %mul3A_34 = arith.constant 1 : i32
    %mul3A_35 = arith.constant 16 : i32
    %mul3A_36 = arith.muli %mul3A_34, %mul3A_35 : i32
    %add3A_37 = arith.addi %mul3A_36, %arg1 : i32
    %mul3A_38 = arith.constant 128 : i32
    %mul3A_39 = arith.muli %add3A_37, %mul3A_38 : i32
    %multiple_of3A_40 = tpu.assume_multiple %mul3A_39, 8 : i32
    %mul3A_41 = arith.constant 160000 : i32
    %mul3A_42 = arith.muli %arg0, %mul3A_41 : i32
    %add3A_43 = arith.addi %mul3A_42, %multiple_of3A_40 : i32
    %dma_start3A_44 = tpu.memref_slice %arg3[%add3A_43] : memref<320000xi32, #tpu.memory_space<hbm>> -> memref<128xi32, #tpu.memory_space<hbm>>
    %dma_start3A_45 = tpu.memref_slice %arg3[%add3A_43] : memref<320000xi32, #tpu.memory_space<hbm>> -> memref<128xi32, #tpu.memory_space<hbm>>
    tpu.enqueue_dma source(%dma_start3A_45 : memref<128xi32, #tpu.memory_space<hbm>>) target(%arg7 : memref<128xi32, #tpu.memory_space<vmem>>) target_semaphore(%arg20 : memref<!tpu.dma_semaphore, #tpu.memory_space<semaphore_mem>>)
    %dma_start3A_46 = tpu.memref_slice %arg4[%multiple_of3A_40] : memref<160000xi32, #tpu.memory_space<hbm>> -> memref<128xi32, #tpu.memory_space<hbm>>
    %dma_start3A_47 = tpu.memref_slice %arg4[%multiple_of3A_40] : memref<160000xi32, #tpu.memory_space<hbm>> -> memref<128xi32, #tpu.memory_space<hbm>>
    tpu.enqueue_dma source(%dma_start3A_47 : memref<128xi32, #tpu.memory_space<hbm>>) target(%arg10 : memref<128xi32, #tpu.memory_space<vmem>>) target_semaphore(%arg20 : memref<!tpu.dma_semaphore, #tpu.memory_space<semaphore_mem>>)
    %mul3A_48 = arith.constant 2 : i32
    %mul3A_49 = arith.constant 16 : i32
    %mul3A_50 = arith.muli %mul3A_48, %mul3A_49 : i32
    %add3A_51 = arith.addi %mul3A_50, %arg1 : i32
    %mul3A_52 = arith.constant 128 : i32
    %mul3A_53 = arith.muli %add3A_51, %mul3A_52 : i32
    %multiple_of3A_54 = tpu.assume_multiple %mul3A_53, 8 : i32
    %mul3A_55 = arith.constant 160000 : i32
    %mul3A_56 = arith.muli %arg0, %mul3A_55 : i32
    %add3A_57 = arith.addi %mul3A_56, %multiple_of3A_54 : i32
    %dma_start3A_58 = tpu.memref_slice %arg3[%add3A_57] : memref<320000xi32, #tpu.memory_space<hbm>> -> memref<128xi32, #tpu.memory_space<hbm>>
    %dma_start3A_59 = tpu.memref_slice %arg3[%add3A_57] : memref<320000xi32, #tpu.memory_space<hbm>> -> memref<128xi32, #tpu.memory_space<hbm>>
    tpu.enqueue_dma source(%dma_start3A_59 : memref<128xi32, #tpu.memory_space<hbm>>) target(%arg8 : memref<128xi32, #tpu.memory_space<vmem>>) target_semaphore(%arg21 : memref<!tpu.dma_semaphore, #tpu.memory_space<semaphore_mem>>)
    %dma_start3A_60 = tpu.memref_slice %arg4[%multiple_of3A_54] : memref<160000xi32, #tpu.memory_space<hbm>> -> memref<128xi32, #tpu.memory_space<hbm>>
    %dma_start3A_61 = tpu.memref_slice %arg4[%multiple_of3A_54] : memref<160000xi32, #tpu.memory_space<hbm>> -> memref<128xi32, #tpu.memory_space<hbm>>
    tpu.enqueue_dma source(%dma_start3A_61 : memref<128xi32, #tpu.memory_space<hbm>>) target(%arg11 : memref<128xi32, #tpu.memory_space<vmem>>) target_semaphore(%arg21 : memref<!tpu.dma_semaphore, #tpu.memory_space<semaphore_mem>>)
    %dma_wait3A = arith.constant 0 : i32
    %dma_wait3A_62 = tpu.memref_slice %arg3[%dma_wait3A] : memref<320000xi32, #tpu.memory_space<hbm>> -> memref<128xi32, #tpu.memory_space<hbm>>
    %dma_wait3A_63 = arith.constant 0 : i32
    %dma_wait3A_64 = tpu.memref_slice %arg3[%dma_wait3A_63] : memref<320000xi32, #tpu.memory_space<hbm>> -> memref<128xi32, #tpu.memory_space<hbm>>
    tpu.wait_dma2 semaphore(%arg19 : memref<!tpu.dma_semaphore, #tpu.memory_space<semaphore_mem>>) src(%dma_wait3A_64 : memref<128xi32, #tpu.memory_space<hbm>>) dst(%arg6 : memref<128xi32, #tpu.memory_space<vmem>>)
    %dma_wait3A_65 = arith.constant 0 : i32
    %dma_wait3A_66 = tpu.memref_slice %arg3[%dma_wait3A_65] : memref<320000xi32, #tpu.memory_space<hbm>> -> memref<128xi32, #tpu.memory_space<hbm>>
    %dma_wait3A_67 = arith.constant 0 : i32
    %dma_wait3A_68 = tpu.memref_slice %arg3[%dma_wait3A_67] : memref<320000xi32, #tpu.memory_space<hbm>> -> memref<128xi32, #tpu.memory_space<hbm>>
    tpu.wait_dma2 semaphore(%arg19 : memref<!tpu.dma_semaphore, #tpu.memory_space<semaphore_mem>>) src(%dma_wait3A_68 : memref<128xi32, #tpu.memory_space<hbm>>) dst(%arg9 : memref<128xi32, #tpu.memory_space<vmem>>)
    %dma_start3A_69 = arith.constant 0 : i32
    %dma_start3A_70 = arith.constant 0 : i32
    %dma_start3A_71 = tpu.memref_slice %arg2[%dma_start3A_69, %dma_start3A_70] : memref<20000x128xf32, #tpu.memory_space<hbm>> -> memref<20000x128xf32, #tpu.memory_space<hbm>>
    tpu.enqueue_indirect_dma source(%dma_start3A_71 : memref<20000x128xf32, #tpu.memory_space<hbm>>) target(%arg12 : memref<128x128xf32, #tpu.memory_space<vmem>>) offsets(%arg6 : memref<128xi32, #tpu.memory_space<vmem>>) semaphore(%arg16 : memref<!tpu.dma_semaphore, #tpu.memory_space<semaphore_mem>>)
    %dma_wait3A_72 = arith.constant 0 : i32
    %dma_wait3A_73 = tpu.memref_slice %arg3[%dma_wait3A_72] : memref<320000xi32, #tpu.memory_space<hbm>> -> memref<128xi32, #tpu.memory_space<hbm>>
    %dma_wait3A_74 = arith.constant 0 : i32
    %dma_wait3A_75 = tpu.memref_slice %arg3[%dma_wait3A_74] : memref<320000xi32, #tpu.memory_space<hbm>> -> memref<128xi32, #tpu.memory_space<hbm>>
    tpu.wait_dma2 semaphore(%arg20 : memref<!tpu.dma_semaphore, #tpu.memory_space<semaphore_mem>>) src(%dma_wait3A_75 : memref<128xi32, #tpu.memory_space<hbm>>) dst(%arg7 : memref<128xi32, #tpu.memory_space<vmem>>)
    %dma_wait3A_76 = arith.constant 0 : i32
    %dma_wait3A_77 = tpu.memref_slice %arg3[%dma_wait3A_76] : memref<320000xi32, #tpu.memory_space<hbm>> -> memref<128xi32, #tpu.memory_space<hbm>>
    %dma_wait3A_78 = arith.constant 0 : i32
    %dma_wait3A_79 = tpu.memref_slice %arg3[%dma_wait3A_78] : memref<320000xi32, #tpu.memory_space<hbm>> -> memref<128xi32, #tpu.memory_space<hbm>>
    tpu.wait_dma2 semaphore(%arg20 : memref<!tpu.dma_semaphore, #tpu.memory_space<semaphore_mem>>) src(%dma_wait3A_79 : memref<128xi32, #tpu.memory_space<hbm>>) dst(%arg10 : memref<128xi32, #tpu.memory_space<vmem>>)
    %dma_start3A_80 = arith.constant 0 : i32
    %dma_start3A_81 = arith.constant 0 : i32
    %dma_start3A_82 = tpu.memref_slice %arg2[%dma_start3A_80, %dma_start3A_81] : memref<20000x128xf32, #tpu.memory_space<hbm>> -> memref<20000x128xf32, #tpu.memory_space<hbm>>
    tpu.enqueue_indirect_dma source(%dma_start3A_82 : memref<20000x128xf32, #tpu.memory_space<hbm>>) target(%arg13 : memref<128x128xf32, #tpu.memory_space<vmem>>) offsets(%arg7 : memref<128xi32, #tpu.memory_space<vmem>>) semaphore(%arg17 : memref<!tpu.dma_semaphore, #tpu.memory_space<semaphore_mem>>)
    %scan3A_83 = arith.constant 0 : i32
    %scan3A_84 = arith.constant 0 : i32
    %scan3A_85 = arith.constant 27 : i32
    %scan3A_86 = arith.addi %scan3A_84, %scan3A_85 : i32
    %scan3A_87 = arith.constant 1 : i32
    %scan3A_88 = scf.for %scan3A_108 = %scan3A_84 to %scan3A_86 step %scan3A_87 iter_args(%scan3A_109 = %scan3A_83) -> (i32)  : i32 {
      %mul3A_110 = arith.constant 3 : i32
      %mul3A_111 = arith.muli %mul3A_110, %scan3A_108 : i32
      %add3A_112 = arith.constant 0 : i32
      %add3A_113 = arith.addi %mul3A_111, %add3A_112 : i32
      %lt3A_114 = arith.cmpi slt, %add3A_113, %select_n3A_23 : i32
      %convert_element_type3A = arith.extui %lt3A_114 : i1 to i32
      %cond3A = arith.constant 0 : i32
      %cond3A_115 = arith.cmpi ne, %convert_element_type3A, %cond3A : i32
      scf.if %cond3A_115 {
        %add3A_133 = arith.constant 3 : i32
        %add3A_134 = arith.addi %add3A_113, %add3A_133 : i32
        %sub3A = arith.constant 1 : i32
        %sub3A_135 = arith.subi %add3A_134, %sub3A : i32
        %lt3A_136 = arith.cmpi slt, %sub3A_135, %select_n3A_23 : i32
        %convert_element_type3A_137 = arith.extui %lt3A_136 : i1 to i32
        %cond3A_138 = arith.constant 0 : i32
        %cond3A_139 = arith.cmpi ne, %convert_element_type3A_137, %cond3A_138 : i32
        scf.if %cond3A_139 {
          %dma_wait3A_149 = arith.constant 0 : i32
          %dma_wait3A_150 = tpu.memref_slice %arg3[%dma_wait3A_149] : memref<320000xi32, #tpu.memory_space<hbm>> -> memref<128xi32, #tpu.memory_space<hbm>>
          %dma_wait3A_151 = arith.constant 0 : i32
          %dma_wait3A_152 = tpu.memref_slice %arg3[%dma_wait3A_151] : memref<320000xi32, #tpu.memory_space<hbm>> -> memref<128xi32, #tpu.memory_space<hbm>>
          tpu.wait_dma2 semaphore(%arg21 : memref<!tpu.dma_semaphore, #tpu.memory_space<semaphore_mem>>) src(%dma_wait3A_152 : memref<128xi32, #tpu.memory_space<hbm>>) dst(%arg8 : memref<128xi32, #tpu.memory_space<vmem>>)
          %dma_wait3A_153 = arith.constant 0 : i32
          %dma_wait3A_154 = tpu.memref_slice %arg3[%dma_wait3A_153] : memref<320000xi32, #tpu.memory_space<hbm>> -> memref<128xi32, #tpu.memory_space<hbm>>
          %dma_wait3A_155 = arith.constant 0 : i32
          %dma_wait3A_156 = tpu.memref_slice %arg3[%dma_wait3A_155] : memref<320000xi32, #tpu.memory_space<hbm>> -> memref<128xi32, #tpu.memory_space<hbm>>
          tpu.wait_dma2 semaphore(%arg21 : memref<!tpu.dma_semaphore, #tpu.memory_space<semaphore_mem>>) src(%dma_wait3A_156 : memref<128xi32, #tpu.memory_space<hbm>>) dst(%arg11 : memref<128xi32, #tpu.memory_space<vmem>>)
          %dma_start3A_157 = arith.constant 0 : i32
          %dma_start3A_158 = arith.constant 0 : i32
          %dma_start3A_159 = tpu.memref_slice %arg2[%dma_start3A_157, %dma_start3A_158] : memref<20000x128xf32, #tpu.memory_space<hbm>> -> memref<20000x128xf32, #tpu.memory_space<hbm>>
          tpu.enqueue_indirect_dma source(%dma_start3A_159 : memref<20000x128xf32, #tpu.memory_space<hbm>>) target(%arg14 : memref<128x128xf32, #tpu.memory_space<vmem>>) offsets(%arg8 : memref<128xi32, #tpu.memory_space<vmem>>) semaphore(%arg18 : memref<!tpu.dma_semaphore, #tpu.memory_space<semaphore_mem>>)
        } else {
        }
        %dma_wait3A_140 = arith.constant 0 : i32
        %dma_wait3A_141 = arith.constant 0 : i32
        %dma_wait3A_142 = tpu.memref_slice %arg2[%dma_wait3A_140, %dma_wait3A_141] : memref<20000x128xf32, #tpu.memory_space<hbm>> -> memref<20000x128xf32, #tpu.memory_space<hbm>>
        tpu.wait_indirect_dma semaphore(%arg16 : memref<!tpu.dma_semaphore, #tpu.memory_space<semaphore_mem>>) src(%dma_wait3A_142 : memref<20000x128xf32, #tpu.memory_space<hbm>>) dst(%arg12 : memref<128x128xf32, #tpu.memory_space<vmem>>)
        "tpu.region"() ({
          %run_scoped3A = tpu.sem_alloc : memref<!tpu.dma_semaphore, #tpu.memory_space<semaphore_mem>>
          %dma_start3A_149 = arith.constant 0 : i32
          %dma_start3A_150 = arith.constant 0 : i32
          %dma_start3A_151 = tpu.memref_slice %arg15[%dma_start3A_149, %dma_start3A_150] : memref<10000x128xf32, #tpu.memory_space<vmem_shared>> -> memref<10000x128xf32, #tpu.memory_space<vmem_shared>>
          tpu.enqueue_indirect_dma source(%arg12 : memref<128x128xf32, #tpu.memory_space<vmem>>) target(%dma_start3A_151 : memref<10000x128xf32, #tpu.memory_space<vmem_shared>>) offsets(%arg9 : memref<128xi32, #tpu.memory_space<vmem>>) semaphore(%run_scoped3A : memref<!tpu.dma_semaphore, #tpu.memory_space<semaphore_mem>>) {add = true}
          %dma_wait3A_152 = arith.constant 0 : i32
          %dma_wait3A_153 = arith.constant 0 : i32
          %dma_wait3A_154 = tpu.memref_slice %arg15[%dma_wait3A_152, %dma_wait3A_153] : memref<10000x128xf32, #tpu.memory_space<vmem_shared>> -> memref<10000x128xf32, #tpu.memory_space<vmem_shared>>
          tpu.wait_indirect_dma semaphore(%run_scoped3A : memref<!tpu.dma_semaphore, #tpu.memory_space<semaphore_mem>>) src(%arg12 : memref<128x128xf32, #tpu.memory_space<vmem>>) dst(%dma_wait3A_154 : memref<10000x128xf32, #tpu.memory_space<vmem_shared>>)
          tpu.yield
        }) : () -> ()
        %add3A_143 = arith.constant 3 : i32
        %add3A_144 = arith.addi %add3A_113, %add3A_143 : i32
        %lt3A_145 = arith.cmpi slt, %add3A_144, %select_n3A_23 : i32
        %convert_element_type3A_146 = arith.extui %lt3A_145 : i1 to i32
        %cond3A_147 = arith.constant 0 : i32
        %cond3A_148 = arith.cmpi ne, %convert_element_type3A_146, %cond3A_147 : i32
        scf.if %cond3A_148 {
          %add3A_149 = arith.constant 3 : i32
          %add3A_150 = arith.addi %add3A_113, %add3A_149 : i32
          %mul3A_151 = arith.constant 16 : i32
          %mul3A_152 = arith.muli %add3A_150, %mul3A_151 : i32
          %add3A_153 = arith.addi %mul3A_152, %arg1 : i32
          %mul3A_154 = arith.constant 128 : i32
          %mul3A_155 = arith.muli %add3A_153, %mul3A_154 : i32
          %multiple_of3A_156 = tpu.assume_multiple %mul3A_155, 8 : i32
          %mul3A_157 = arith.constant 160000 : i32
          %mul3A_158 = arith.muli %arg0, %mul3A_157 : i32
          %add3A_159 = arith.addi %mul3A_158, %multiple_of3A_156 : i32
          %dma_start3A_160 = tpu.memref_slice %arg3[%add3A_159] : memref<320000xi32, #tpu.memory_space<hbm>> -> memref<128xi32, #tpu.memory_space<hbm>>
          %dma_start3A_161 = tpu.memref_slice %arg3[%add3A_159] : memref<320000xi32, #tpu.memory_space<hbm>> -> memref<128xi32, #tpu.memory_space<hbm>>
          tpu.enqueue_dma source(%dma_start3A_161 : memref<128xi32, #tpu.memory_space<hbm>>) target(%arg6 : memref<128xi32, #tpu.memory_space<vmem>>) target_semaphore(%arg19 : memref<!tpu.dma_semaphore, #tpu.memory_space<semaphore_mem>>)
          %dma_start3A_162 = tpu.memref_slice %arg4[%multiple_of3A_156] : memref<160000xi32, #tpu.memory_space<hbm>> -> memref<128xi32, #tpu.memory_space<hbm>>
          %dma_start3A_163 = tpu.memref_slice %arg4[%multiple_of3A_156] : memref<160000xi32, #tpu.memory_space<hbm>> -> memref<128xi32, #tpu.memory_space<hbm>>
          tpu.enqueue_dma source(%dma_start3A_163 : memref<128xi32, #tpu.memory_space<hbm>>) target(%arg9 : memref<128xi32, #tpu.memory_space<vmem>>) target_semaphore(%arg19 : memref<!tpu.dma_semaphore, #tpu.memory_space<semaphore_mem>>)
        } else {
        }
      } else {
      }
      %mul3A_116 = arith.constant 3 : i32
      %mul3A_117 = arith.muli %mul3A_116, %scan3A_108 : i32
      %add3A_118 = arith.constant 1 : i32
      %add3A_119 = arith.addi %mul3A_117, %add3A_118 : i32
      %lt3A_120 = arith.cmpi slt, %add3A_119, %select_n3A_23 : i32
      %convert_element_type3A_121 = arith.extui %lt3A_120 : i1 to i32
      %cond3A_122 = arith.constant 0 : i32
      %cond3A_123 = arith.cmpi ne, %convert_element_type3A_121, %cond3A_122 : i32
      scf.if %cond3A_123 {
        %add3A_133 = arith.constant 3 : i32
        %add3A_134 = arith.addi %add3A_119, %add3A_133 : i32
        %sub3A = arith.constant 1 : i32
        %sub3A_135 = arith.subi %add3A_134, %sub3A : i32
        %lt3A_136 = arith.cmpi slt, %sub3A_135, %select_n3A_23 : i32
        %convert_element_type3A_137 = arith.extui %lt3A_136 : i1 to i32
        %cond3A_138 = arith.constant 0 : i32
        %cond3A_139 = arith.cmpi ne, %convert_element_type3A_137, %cond3A_138 : i32
        scf.if %cond3A_139 {
          %dma_wait3A_149 = arith.constant 0 : i32
          %dma_wait3A_150 = tpu.memref_slice %arg3[%dma_wait3A_149] : memref<320000xi32, #tpu.memory_space<hbm>> -> memref<128xi32, #tpu.memory_space<hbm>>
          %dma_wait3A_151 = arith.constant 0 : i32
          %dma_wait3A_152 = tpu.memref_slice %arg3[%dma_wait3A_151] : memref<320000xi32, #tpu.memory_space<hbm>> -> memref<128xi32, #tpu.memory_space<hbm>>
          tpu.wait_dma2 semaphore(%arg19 : memref<!tpu.dma_semaphore, #tpu.memory_space<semaphore_mem>>) src(%dma_wait3A_152 : memref<128xi32, #tpu.memory_space<hbm>>) dst(%arg6 : memref<128xi32, #tpu.memory_space<vmem>>)
          %dma_wait3A_153 = arith.constant 0 : i32
          %dma_wait3A_154 = tpu.memref_slice %arg3[%dma_wait3A_153] : memref<320000xi32, #tpu.memory_space<hbm>> -> memref<128xi32, #tpu.memory_space<hbm>>
          %dma_wait3A_155 = arith.constant 0 : i32
          %dma_wait3A_156 = tpu.memref_slice %arg3[%dma_wait3A_155] : memref<320000xi32, #tpu.memory_space<hbm>> -> memref<128xi32, #tpu.memory_space<hbm>>
          tpu.wait_dma2 semaphore(%arg19 : memref<!tpu.dma_semaphore, #tpu.memory_space<semaphore_mem>>) src(%dma_wait3A_156 : memref<128xi32, #tpu.memory_space<hbm>>) dst(%arg9 : memref<128xi32, #tpu.memory_space<vmem>>)
          %dma_start3A_157 = arith.constant 0 : i32
          %dma_start3A_158 = arith.constant 0 : i32
          %dma_start3A_159 = tpu.memref_slice %arg2[%dma_start3A_157, %dma_start3A_158] : memref<20000x128xf32, #tpu.memory_space<hbm>> -> memref<20000x128xf32, #tpu.memory_space<hbm>>
          tpu.enqueue_indirect_dma source(%dma_start3A_159 : memref<20000x128xf32, #tpu.memory_space<hbm>>) target(%arg12 : memref<128x128xf32, #tpu.memory_space<vmem>>) offsets(%arg6 : memref<128xi32, #tpu.memory_space<vmem>>) semaphore(%arg16 : memref<!tpu.dma_semaphore, #tpu.memory_space<semaphore_mem>>)
        } else {
        }
        %dma_wait3A_140 = arith.constant 0 : i32
        %dma_wait3A_141 = arith.constant 0 : i32
        %dma_wait3A_142 = tpu.memref_slice %arg2[%dma_wait3A_140, %dma_wait3A_141] : memref<20000x128xf32, #tpu.memory_space<hbm>> -> memref<20000x128xf32, #tpu.memory_space<hbm>>
        tpu.wait_indirect_dma semaphore(%arg17 : memref<!tpu.dma_semaphore, #tpu.memory_space<semaphore_mem>>) src(%dma_wait3A_142 : memref<20000x128xf32, #tpu.memory_space<hbm>>) dst(%arg13 : memref<128x128xf32, #tpu.memory_space<vmem>>)
        "tpu.region"() ({
          %run_scoped3A = tpu.sem_alloc : memref<!tpu.dma_semaphore, #tpu.memory_space<semaphore_mem>>
          %dma_start3A_149 = arith.constant 0 : i32
          %dma_start3A_150 = arith.constant 0 : i32
          %dma_start3A_151 = tpu.memref_slice %arg15[%dma_start3A_149, %dma_start3A_150] : memref<10000x128xf32, #tpu.memory_space<vmem_shared>> -> memref<10000x128xf32, #tpu.memory_space<vmem_shared>>
          tpu.enqueue_indirect_dma source(%arg13 : memref<128x128xf32, #tpu.memory_space<vmem>>) target(%dma_start3A_151 : memref<10000x128xf32, #tpu.memory_space<vmem_shared>>) offsets(%arg10 : memref<128xi32, #tpu.memory_space<vmem>>) semaphore(%run_scoped3A : memref<!tpu.dma_semaphore, #tpu.memory_space<semaphore_mem>>) {add = true}
          %dma_wait3A_152 = arith.constant 0 : i32
          %dma_wait3A_153 = arith.constant 0 : i32
          %dma_wait3A_154 = tpu.memref_slice %arg15[%dma_wait3A_152, %dma_wait3A_153] : memref<10000x128xf32, #tpu.memory_space<vmem_shared>> -> memref<10000x128xf32, #tpu.memory_space<vmem_shared>>
          tpu.wait_indirect_dma semaphore(%run_scoped3A : memref<!tpu.dma_semaphore, #tpu.memory_space<semaphore_mem>>) src(%arg13 : memref<128x128xf32, #tpu.memory_space<vmem>>) dst(%dma_wait3A_154 : memref<10000x128xf32, #tpu.memory_space<vmem_shared>>)
          tpu.yield
        }) : () -> ()
        %add3A_143 = arith.constant 3 : i32
        %add3A_144 = arith.addi %add3A_119, %add3A_143 : i32
        %lt3A_145 = arith.cmpi slt, %add3A_144, %select_n3A_23 : i32
        %convert_element_type3A_146 = arith.extui %lt3A_145 : i1 to i32
        %cond3A_147 = arith.constant 0 : i32
        %cond3A_148 = arith.cmpi ne, %convert_element_type3A_146, %cond3A_147 : i32
        scf.if %cond3A_148 {
          %add3A_149 = arith.constant 3 : i32
          %add3A_150 = arith.addi %add3A_119, %add3A_149 : i32
          %mul3A_151 = arith.constant 16 : i32
          %mul3A_152 = arith.muli %add3A_150, %mul3A_151 : i32
          %add3A_153 = arith.addi %mul3A_152, %arg1 : i32
          %mul3A_154 = arith.constant 128 : i32
          %mul3A_155 = arith.muli %add3A_153, %mul3A_154 : i32
          %multiple_of3A_156 = tpu.assume_multiple %mul3A_155, 8 : i32
          %mul3A_157 = arith.constant 160000 : i32
          %mul3A_158 = arith.muli %arg0, %mul3A_157 : i32
          %add3A_159 = arith.addi %mul3A_158, %multiple_of3A_156 : i32
          %dma_start3A_160 = tpu.memref_slice %arg3[%add3A_159] : memref<320000xi32, #tpu.memory_space<hbm>> -> memref<128xi32, #tpu.memory_space<hbm>>
          %dma_start3A_161 = tpu.memref_slice %arg3[%add3A_159] : memref<320000xi32, #tpu.memory_space<hbm>> -> memref<128xi32, #tpu.memory_space<hbm>>
          tpu.enqueue_dma source(%dma_start3A_161 : memref<128xi32, #tpu.memory_space<hbm>>) target(%arg7 : memref<128xi32, #tpu.memory_space<vmem>>) target_semaphore(%arg20 : memref<!tpu.dma_semaphore, #tpu.memory_space<semaphore_mem>>)
          %dma_start3A_162 = tpu.memref_slice %arg4[%multiple_of3A_156] : memref<160000xi32, #tpu.memory_space<hbm>> -> memref<128xi32, #tpu.memory_space<hbm>>
          %dma_start3A_163 = tpu.memref_slice %arg4[%multiple_of3A_156] : memref<160000xi32, #tpu.memory_space<hbm>> -> memref<128xi32, #tpu.memory_space<hbm>>
          tpu.enqueue_dma source(%dma_start3A_163 : memref<128xi32, #tpu.memory_space<hbm>>) target(%arg10 : memref<128xi32, #tpu.memory_space<vmem>>) target_semaphore(%arg20 : memref<!tpu.dma_semaphore, #tpu.memory_space<semaphore_mem>>)
        } else {
        }
      } else {
      }
      %mul3A_124 = arith.constant 3 : i32
      %mul3A_125 = arith.muli %mul3A_124, %scan3A_108 : i32
      %add3A_126 = arith.constant 2 : i32
      %add3A_127 = arith.addi %mul3A_125, %add3A_126 : i32
      %lt3A_128 = arith.cmpi slt, %add3A_127, %select_n3A_23 : i32
      %convert_element_type3A_129 = arith.extui %lt3A_128 : i1 to i32
      %cond3A_130 = arith.constant 0 : i32
      %cond3A_131 = arith.cmpi ne, %convert_element_type3A_129, %cond3A_130 : i32
      scf.if %cond3A_131 {
        %add3A_133 = arith.constant 3 : i32
        %add3A_134 = arith.addi %add3A_127, %add3A_133 : i32
        %sub3A = arith.constant 1 : i32
        %sub3A_135 = arith.subi %add3A_134, %sub3A : i32
        %lt3A_136 = arith.cmpi slt, %sub3A_135, %select_n3A_23 : i32
        %convert_element_type3A_137 = arith.extui %lt3A_136 : i1 to i32
        %cond3A_138 = arith.constant 0 : i32
        %cond3A_139 = arith.cmpi ne, %convert_element_type3A_137, %cond3A_138 : i32
        scf.if %cond3A_139 {
          %dma_wait3A_149 = arith.constant 0 : i32
          %dma_wait3A_150 = tpu.memref_slice %arg3[%dma_wait3A_149] : memref<320000xi32, #tpu.memory_space<hbm>> -> memref<128xi32, #tpu.memory_space<hbm>>
          %dma_wait3A_151 = arith.constant 0 : i32
          %dma_wait3A_152 = tpu.memref_slice %arg3[%dma_wait3A_151] : memref<320000xi32, #tpu.memory_space<hbm>> -> memref<128xi32, #tpu.memory_space<hbm>>
          tpu.wait_dma2 semaphore(%arg20 : memref<!tpu.dma_semaphore, #tpu.memory_space<semaphore_mem>>) src(%dma_wait3A_152 : memref<128xi32, #tpu.memory_space<hbm>>) dst(%arg7 : memref<128xi32, #tpu.memory_space<vmem>>)
          %dma_wait3A_153 = arith.constant 0 : i32
          %dma_wait3A_154 = tpu.memref_slice %arg3[%dma_wait3A_153] : memref<320000xi32, #tpu.memory_space<hbm>> -> memref<128xi32, #tpu.memory_space<hbm>>
          %dma_wait3A_155 = arith.constant 0 : i32
          %dma_wait3A_156 = tpu.memref_slice %arg3[%dma_wait3A_155] : memref<320000xi32, #tpu.memory_space<hbm>> -> memref<128xi32, #tpu.memory_space<hbm>>
          tpu.wait_dma2 semaphore(%arg20 : memref<!tpu.dma_semaphore, #tpu.memory_space<semaphore_mem>>) src(%dma_wait3A_156 : memref<128xi32, #tpu.memory_space<hbm>>) dst(%arg10 : memref<128xi32, #tpu.memory_space<vmem>>)
          %dma_start3A_157 = arith.constant 0 : i32
          %dma_start3A_158 = arith.constant 0 : i32
          %dma_start3A_159 = tpu.memref_slice %arg2[%dma_start3A_157, %dma_start3A_158] : memref<20000x128xf32, #tpu.memory_space<hbm>> -> memref<20000x128xf32, #tpu.memory_space<hbm>>
          tpu.enqueue_indirect_dma source(%dma_start3A_159 : memref<20000x128xf32, #tpu.memory_space<hbm>>) target(%arg13 : memref<128x128xf32, #tpu.memory_space<vmem>>) offsets(%arg7 : memref<128xi32, #tpu.memory_space<vmem>>) semaphore(%arg17 : memref<!tpu.dma_semaphore, #tpu.memory_space<semaphore_mem>>)
        } else {
        }
        %dma_wait3A_140 = arith.constant 0 : i32
        %dma_wait3A_141 = arith.constant 0 : i32
        %dma_wait3A_142 = tpu.memref_slice %arg2[%dma_wait3A_140, %dma_wait3A_141] : memref<20000x128xf32, #tpu.memory_space<hbm>> -> memref<20000x128xf32, #tpu.memory_space<hbm>>
        tpu.wait_indirect_dma semaphore(%arg18 : memref<!tpu.dma_semaphore, #tpu.memory_space<semaphore_mem>>) src(%dma_wait3A_142 : memref<20000x128xf32, #tpu.memory_space<hbm>>) dst(%arg14 : memref<128x128xf32, #tpu.memory_space<vmem>>)
        "tpu.region"() ({
          %run_scoped3A = tpu.sem_alloc : memref<!tpu.dma_semaphore, #tpu.memory_space<semaphore_mem>>
          %dma_start3A_149 = arith.constant 0 : i32
          %dma_start3A_150 = arith.constant 0 : i32
          %dma_start3A_151 = tpu.memref_slice %arg15[%dma_start3A_149, %dma_start3A_150] : memref<10000x128xf32, #tpu.memory_space<vmem_shared>> -> memref<10000x128xf32, #tpu.memory_space<vmem_shared>>
          tpu.enqueue_indirect_dma source(%arg14 : memref<128x128xf32, #tpu.memory_space<vmem>>) target(%dma_start3A_151 : memref<10000x128xf32, #tpu.memory_space<vmem_shared>>) offsets(%arg11 : memref<128xi32, #tpu.memory_space<vmem>>) semaphore(%run_scoped3A : memref<!tpu.dma_semaphore, #tpu.memory_space<semaphore_mem>>) {add = true}
          %dma_wait3A_152 = arith.constant 0 : i32
          %dma_wait3A_153 = arith.constant 0 : i32
          %dma_wait3A_154 = tpu.memref_slice %arg15[%dma_wait3A_152, %dma_wait3A_153] : memref<10000x128xf32, #tpu.memory_space<vmem_shared>> -> memref<10000x128xf32, #tpu.memory_space<vmem_shared>>
          tpu.wait_indirect_dma semaphore(%run_scoped3A : memref<!tpu.dma_semaphore, #tpu.memory_space<semaphore_mem>>) src(%arg14 : memref<128x128xf32, #tpu.memory_space<vmem>>) dst(%dma_wait3A_154 : memref<10000x128xf32, #tpu.memory_space<vmem_shared>>)
          tpu.yield
        }) : () -> ()
        %add3A_143 = arith.constant 3 : i32
        %add3A_144 = arith.addi %add3A_127, %add3A_143 : i32
        %lt3A_145 = arith.cmpi slt, %add3A_144, %select_n3A_23 : i32
        %convert_element_type3A_146 = arith.extui %lt3A_145 : i1 to i32
        %cond3A_147 = arith.constant 0 : i32
        %cond3A_148 = arith.cmpi ne, %convert_element_type3A_146, %cond3A_147 : i32
        scf.if %cond3A_148 {
          %add3A_149 = arith.constant 3 : i32
          %add3A_150 = arith.addi %add3A_127, %add3A_149 : i32
          %mul3A_151 = arith.constant 16 : i32
          %mul3A_152 = arith.muli %add3A_150, %mul3A_151 : i32
          %add3A_153 = arith.addi %mul3A_152, %arg1 : i32
          %mul3A_154 = arith.constant 128 : i32
          %mul3A_155 = arith.muli %add3A_153, %mul3A_154 : i32
          %multiple_of3A_156 = tpu.assume_multiple %mul3A_155, 8 : i32
          %mul3A_157 = arith.constant 160000 : i32
          %mul3A_158 = arith.muli %arg0, %mul3A_157 : i32
          %add3A_159 = arith.addi %mul3A_158, %multiple_of3A_156 : i32
          %dma_start3A_160 = tpu.memref_slice %arg3[%add3A_159] : memref<320000xi32, #tpu.memory_space<hbm>> -> memref<128xi32, #tpu.memory_space<hbm>>
          %dma_start3A_161 = tpu.memref_slice %arg3[%add3A_159] : memref<320000xi32, #tpu.memory_space<hbm>> -> memref<128xi32, #tpu.memory_space<hbm>>
          tpu.enqueue_dma source(%dma_start3A_161 : memref<128xi32, #tpu.memory_space<hbm>>) target(%arg8 : memref<128xi32, #tpu.memory_space<vmem>>) target_semaphore(%arg21 : memref<!tpu.dma_semaphore, #tpu.memory_space<semaphore_mem>>)
          %dma_start3A_162 = tpu.memref_slice %arg4[%multiple_of3A_156] : memref<160000xi32, #tpu.memory_space<hbm>> -> memref<128xi32, #tpu.memory_space<hbm>>
          %dma_start3A_163 = tpu.memref_slice %arg4[%multiple_of3A_156] : memref<160000xi32, #tpu.memory_space<hbm>> -> memref<128xi32, #tpu.memory_space<hbm>>
          tpu.enqueue_dma source(%dma_start3A_163 : memref<128xi32, #tpu.memory_space<hbm>>) target(%arg11 : memref<128xi32, #tpu.memory_space<vmem>>) target_semaphore(%arg21 : memref<!tpu.dma_semaphore, #tpu.memory_space<semaphore_mem>>)
        } else {
        }
      } else {
      }
      %scan3A_132 = arith.constant 0 : i32
      scf.yield %scan3A_132 : i32
    }
    %scan3A_89 = arith.constant 27 : i32
    %barrier3A_90 = arith.constant 0 : index
    tpu.barrier barrier_id(%barrier3A_90)
    %lt3A_91 = arith.constant 9 : i32
    %lt3A_92 = arith.cmpi slt, %arg1, %lt3A_91 : i32
    %jit3A_93 = arith.constant 2 : i32
    %jit3A_94 = arith.constant 1 : i32
    %select_n3A_95 = arith.select %lt3A_92, %jit3A_93, %jit3A_94 : i32
    %while3A_96 = arith.constant 0 : i32
    %while3A_97 = arith.constant 0 : i32
    %while3A_98 = arith.subi %select_n3A_95, %while3A_96 : i32
    %while3A_99 = arith.addi %while3A_96, %while3A_98 : i32
    %while3A_100 = arith.constant 1 : i32
    %while3A_101 = arith.divsi %while3A_98, %while3A_100 : i32
    %while3A_102 = arith.muli %while3A_101, %while3A_100 : i32
    %while3A_103 = arith.addi %while3A_96, %while3A_102 : i32
    %while3A_104 = arith.constant 1 : i32
    %while3A_105 = scf.for %while3A_108 = %while3A_96 to %while3A_103 step %while3A_104 iter_args(%while3A_109 = %while3A_97) -> (i32)  : i32 {
      %mul3A_110 = arith.constant 16 : i32
      %mul3A_111 = arith.muli %while3A_108, %mul3A_110 : i32
      %add3A_112 = arith.addi %mul3A_111, %arg1 : i32
      %mul3A_113 = arith.constant 400 : i32
      %mul3A_114 = arith.muli %add3A_112, %mul3A_113 : i32
      %multiple_of3A_115 = tpu.assume_multiple %mul3A_114, 8 : i32
      %mul3A_116 = arith.constant 10000 : i32
      %mul3A_117 = arith.muli %arg0, %mul3A_116 : i32
      %mul3A_118 = arith.constant 16 : i32
      %mul3A_119 = arith.muli %while3A_108, %mul3A_118 : i32
      %add3A_120 = arith.addi %mul3A_119, %arg1 : i32
      %mul3A_121 = arith.constant 400 : i32
      %mul3A_122 = arith.muli %add3A_120, %mul3A_121 : i32
      %add3A_123 = arith.addi %mul3A_117, %mul3A_122 : i32
      %multiple_of3A_124 = tpu.assume_multiple %add3A_123, 8 : i32
      "tpu.region"() ({
        %run_scoped3A = tpu.sem_alloc : memref<!tpu.dma_semaphore, #tpu.memory_space<semaphore_mem>>
        %dma_start3A_126 = arith.constant 0 : i32
        %dma_start3A_127 = tpu.memref_slice %arg5[%multiple_of3A_124, %dma_start3A_126] : memref<20000x128xf32, #tpu.memory_space<hbm>> -> memref<400x128xf32, #tpu.memory_space<hbm>>
        %dma_start3A_128 = arith.constant 0 : i32
        %dma_start3A_129 = tpu.memref_slice %arg15[%multiple_of3A_115, %dma_start3A_128] : memref<10000x128xf32, #tpu.memory_space<vmem_shared>> -> memref<400x128xf32, #tpu.memory_space<vmem_shared>>
        tpu.enqueue_dma source(%dma_start3A_129 : memref<400x128xf32, #tpu.memory_space<vmem_shared>>) target(%dma_start3A_127 : memref<400x128xf32, #tpu.memory_space<hbm>>) target_semaphore(%run_scoped3A : memref<!tpu.dma_semaphore, #tpu.memory_space<semaphore_mem>>)
        %dma_wait3A_130 = arith.constant 0 : i32
        %dma_wait3A_131 = tpu.memref_slice %arg5[%multiple_of3A_124, %dma_wait3A_130] : memref<20000x128xf32, #tpu.memory_space<hbm>> -> memref<400x128xf32, #tpu.memory_space<hbm>>
        %dma_wait3A_132 = arith.constant 0 : i32
        %dma_wait3A_133 = tpu.memref_slice %arg15[%multiple_of3A_115, %dma_wait3A_132] : memref<10000x128xf32, #tpu.memory_space<vmem_shared>> -> memref<400x128xf32, #tpu.memory_space<vmem_shared>>
        tpu.wait_dma2 semaphore(%run_scoped3A : memref<!tpu.dma_semaphore, #tpu.memory_space<semaphore_mem>>) src(%dma_wait3A_133 : memref<400x128xf32, #tpu.memory_space<vmem_shared>>) dst(%dma_wait3A_131 : memref<400x128xf32, #tpu.memory_space<hbm>>)
        tpu.yield
      }) : () -> ()
      %while3A_125 = arith.constant 0 : i32
      scf.yield %while3A_125 : i32
    }
    %while3A_106 = arith.constant 1 : i32
    %while3A_107 = scf.for %while3A_108 = %while3A_103 to %while3A_99 step %while3A_106 iter_args(%while3A_109 = %while3A_105) -> (i32)  : i32 {
      %mul3A_110 = arith.constant 16 : i32
      %mul3A_111 = arith.muli %while3A_108, %mul3A_110 : i32
      %add3A_112 = arith.addi %mul3A_111, %arg1 : i32
      %mul3A_113 = arith.constant 400 : i32
      %mul3A_114 = arith.muli %add3A_112, %mul3A_113 : i32
      %multiple_of3A_115 = tpu.assume_multiple %mul3A_114, 8 : i32
      %mul3A_116 = arith.constant 10000 : i32
      %mul3A_117 = arith.muli %arg0, %mul3A_116 : i32
      %mul3A_118 = arith.constant 16 : i32
      %mul3A_119 = arith.muli %while3A_108, %mul3A_118 : i32
      %add3A_120 = arith.addi %mul3A_119, %arg1 : i32
      %mul3A_121 = arith.constant 400 : i32
      %mul3A_122 = arith.muli %add3A_120, %mul3A_121 : i32
      %add3A_123 = arith.addi %mul3A_117, %mul3A_122 : i32
      %multiple_of3A_124 = tpu.assume_multiple %add3A_123, 8 : i32
      "tpu.region"() ({
        %run_scoped3A = tpu.sem_alloc : memref<!tpu.dma_semaphore, #tpu.memory_space<semaphore_mem>>
        %dma_start3A_126 = arith.constant 0 : i32
        %dma_start3A_127 = tpu.memref_slice %arg5[%multiple_of3A_124, %dma_start3A_126] : memref<20000x128xf32, #tpu.memory_space<hbm>> -> memref<400x128xf32, #tpu.memory_space<hbm>>
        %dma_start3A_128 = arith.constant 0 : i32
        %dma_start3A_129 = tpu.memref_slice %arg15[%multiple_of3A_115, %dma_start3A_128] : memref<10000x128xf32, #tpu.memory_space<vmem_shared>> -> memref<400x128xf32, #tpu.memory_space<vmem_shared>>
        tpu.enqueue_dma source(%dma_start3A_129 : memref<400x128xf32, #tpu.memory_space<vmem_shared>>) target(%dma_start3A_127 : memref<400x128xf32, #tpu.memory_space<hbm>>) target_semaphore(%run_scoped3A : memref<!tpu.dma_semaphore, #tpu.memory_space<semaphore_mem>>)
        %dma_wait3A_130 = arith.constant 0 : i32
        %dma_wait3A_131 = tpu.memref_slice %arg5[%multiple_of3A_124, %dma_wait3A_130] : memref<20000x128xf32, #tpu.memory_space<hbm>> -> memref<400x128xf32, #tpu.memory_space<hbm>>
        %dma_wait3A_132 = arith.constant 0 : i32
        %dma_wait3A_133 = tpu.memref_slice %arg15[%multiple_of3A_115, %dma_wait3A_132] : memref<10000x128xf32, #tpu.memory_space<vmem_shared>> -> memref<400x128xf32, #tpu.memory_space<vmem_shared>>
        tpu.wait_dma2 semaphore(%run_scoped3A : memref<!tpu.dma_semaphore, #tpu.memory_space<semaphore_mem>>) src(%dma_wait3A_133 : memref<400x128xf32, #tpu.memory_space<vmem_shared>>) dst(%dma_wait3A_131 : memref<400x128xf32, #tpu.memory_space<hbm>>)
        tpu.yield
      }) : () -> ()
      %while3A_125 = arith.constant 0 : i32
      scf.yield %while3A_125 : i32
    }
    return
  }
}

#map = affine_map<(d0, d1) -> (0, 0)>
#map1 = affine_map<(d0, d1) -> (0)>
module attributes {stable_mosaic.version = 14 : i64} {
  func.func @_agg_kernel(%arg0: i32, %arg1: i32, %arg2: memref<20000x128xf32, #tpu.memory_space<hbm>>, %arg3: memref<320000xi32, #tpu.memory_space<hbm>>, %arg4: memref<160000xi32, #tpu.memory_space<hbm>>, %arg5: memref<20000x128xf32, #tpu.memory_space<hbm>>, %arg6: memref<128xi32, #tpu.memory_space<vmem>>, %arg7: memref<128xi32, #tpu.memory_space<vmem>>, %arg8: memref<128xi32, #tpu.memory_space<vmem>>, %arg9: memref<128xi32, #tpu.memory_space<vmem>>, %arg10: memref<128xi32, #tpu.memory_space<vmem>>, %arg11: memref<128xi32, #tpu.memory_space<vmem>>, %arg12: memref<128x128xf32, #tpu.memory_space<vmem>>, %arg13: memref<128x128xf32, #tpu.memory_space<vmem>>, %arg14: memref<128x128xf32, #tpu.memory_space<vmem>>, %arg15: memref<10000x128xf32, #tpu.memory_space<vmem_shared>>, %arg16: memref<!tpu.dma_semaphore, #tpu.memory_space<semaphore_mem>>, %arg17: memref<!tpu.dma_semaphore, #tpu.memory_space<semaphore_mem>>, %arg18: memref<!tpu.dma_semaphore, #tpu.memory_space<semaphore_mem>>, %arg19: memref<!tpu.dma_semaphore, #tpu.memory_space<semaphore_mem>>, %arg20: memref<!tpu.dma_semaphore, #tpu.memory_space<semaphore_mem>>, %arg21: memref<!tpu.dma_semaphore, #tpu.memory_space<semaphore_mem>>) attributes {dimension_semantics = [#tpu.dimension_semantics<core_parallel>, #tpu.dimension_semantics<subcore_parallel>], iteration_bounds = array<i64: 2, 16>, scalar_prefetch = 0 : i64, scratch_operands = 16 : i64, tpu.core_type = #tpu.core_type<sc_vector_subcore>, window_params = [{transform_indices = #map}, {transform_indices = #map1}, {transform_indices = #map1}, {transform_indices = #map}]} {
    %scan3A = arith.constant 0 : i32
    %scan3A_0 = arith.constant 0 : i32
    %scan3A_1 = arith.constant 640 : i32
    %scan3A_2 = arith.addi %scan3A_0, %scan3A_1 : i32
    %scan3A_3 = arith.constant 1 : i32
    %scan3A_4 = scf.for %scan3A_108 = %scan3A_0 to %scan3A_2 step %scan3A_3 iter_args(%scan3A_109 = %scan3A) -> (i32)  : i32 {
      %broadcast_in_dim3A = arith.constant 0.000000e+00 : f32
      %broadcast_in_dim3A_110 = vector.broadcast %broadcast_in_dim3A : f32 to vector<16xf32>
      %jit3A_111 = arith.constant 8 : i32
      %div3A = arith.divsi %scan3A_108, %jit3A_111 : i32
      %sign3A = arith.constant 0 : i32
      %sign3A_112 = arith.cmpi sgt, %scan3A_108, %sign3A : i32
      %sign3A_113 = arith.extui %sign3A_112 : i1 to i32
      %sign3A_114 = arith.constant 0 : i32
      %sign3A_115 = arith.cmpi slt, %scan3A_108, %sign3A_114 : i32
      %sign3A_116 = arith.extui %sign3A_115 : i1 to i32
      %sign3A_117 = arith.subi %sign3A_113, %sign3A_116 : i32
      %sign3A_118 = arith.constant 0 : i32
      %sign3A_119 = arith.cmpi sgt, %jit3A_111, %sign3A_118 : i32
      %sign3A_120 = arith.extui %sign3A_119 : i1 to i32
      %sign3A_121 = arith.constant 0 : i32
      %sign3A_122 = arith.cmpi slt, %jit3A_111, %sign3A_121 : i32
      %sign3A_123 = arith.extui %sign3A_122 : i1 to i32
      %sign3A_124 = arith.subi %sign3A_120, %sign3A_123 : i32
      %ne3A = arith.cmpi ne, %sign3A_117, %sign3A_124 : i32
      %rem3A = arith.remsi %scan3A_108, %jit3A_111 : i32
      %ne3A_125 = arith.constant 0 : i32
      %ne3A_126 = arith.cmpi ne, %rem3A, %ne3A_125 : i32
      %and3A = arith.andi %ne3A, %ne3A_126 : i1
      %sub3A = arith.constant 1 : i32
      %sub3A_127 = arith.subi %div3A, %sub3A : i32
      %select_n3A_128 = arith.select %and3A, %sub3A_127, %div3A : i32
      %jit3A_129 = arith.constant 8 : i32
      %eq3A = arith.constant 0 : i32
      %eq3A_130 = arith.cmpi eq, %jit3A_129, %eq3A : i32
      %jit3A_131 = arith.constant 1 : i32
      %select_n3A_132 = arith.select %eq3A_130, %jit3A_131, %jit3A_129 : i32
      %rem3A_133 = arith.remsi %scan3A_108, %select_n3A_132 : i32
      %ne3A_134 = arith.constant 0 : i32
      %ne3A_135 = arith.cmpi ne, %rem3A_133, %ne3A_134 : i32
      %lt3A_136 = arith.constant 0 : i32
      %lt3A_137 = arith.cmpi slt, %rem3A_133, %lt3A_136 : i32
      %lt3A_138 = arith.constant 0 : i32
      %lt3A_139 = arith.cmpi slt, %select_n3A_132, %lt3A_138 : i32
      %ne3A_140 = arith.xori %lt3A_137, %lt3A_139 : i1
      %and3A_141 = arith.andi %ne3A_140, %ne3A_135 : i1
      %add3A_142 = arith.addi %rem3A_133, %select_n3A_132 : i32
      %select_n3A_143 = arith.select %and3A_141, %add3A_142, %rem3A_133 : i32
      %mul3A_144 = arith.constant 16 : i32
      %mul3A_145 = arith.muli %select_n3A_143, %mul3A_144 : i32
      %swap3A = arith.index_cast %select_n3A_128 : i32 to index
      %swap3A_146 = arith.index_cast %mul3A_145 : i32 to index
      %swap3A_147 = tpu.vector_load %arg12[%swap3A, %swap3A_146] {strides = array<i32>} : memref<128x128xf32, #tpu.memory_space<vmem>>, vector<1x16xf32>,
      %swap3A_148 = vector.shape_cast %swap3A_147 : vector<1x16xf32> to vector<16xf32>
      %swap3A_149 = vector.shape_cast %broadcast_in_dim3A_110 : vector<16xf32> to vector<1x16xf32>
      tpu.vector_store %arg12[%swap3A, %swap3A_146], %swap3A_149 {strides = array<i32>} : memref<128x128xf32, #tpu.memory_space<vmem>>, vector<1x16xf32>,
      %scan3A_150 = arith.constant 0 : i32
      scf.yield %scan3A_150 : i32
    }
    %scan3A_5 = arith.constant 640 : i32
    %lt3A = arith.constant 13 : i32
    %lt3A_6 = arith.cmpi slt, %arg1, %lt3A : i32
    %jit3A = arith.constant 8 : i32
    %jit3A_7 = arith.constant 7 : i32
    %select_n3A = arith.select %lt3A_6, %jit3A, %jit3A_7 : i32
    %while3A = arith.constant 0 : i32
    %while3A_8 = arith.constant 0 : i32
    %while3A_9 = arith.subi %select_n3A, %while3A : i32
    %while3A_10 = arith.addi %while3A, %while3A_9 : i32
    %while3A_11 = arith.constant 1 : i32
    %while3A_12 = arith.divsi %while3A_9, %while3A_11 : i32
    %while3A_13 = arith.muli %while3A_12, %while3A_11 : i32
    %while3A_14 = arith.addi %while3A, %while3A_13 : i32
    %while3A_15 = arith.constant 1 : i32
    %while3A_16 = scf.for %while3A_108 = %while3A to %while3A_14 step %while3A_15 iter_args(%while3A_109 = %while3A_8) -> (i32)  : i32 {
      %mul3A_110 = arith.constant 16 : i32
      %mul3A_111 = arith.muli %while3A_108, %mul3A_110 : i32
      %add3A_112 = arith.addi %mul3A_111, %arg1 : i32
      %mul3A_113 = arith.constant 80 : i32
      %mul3A_114 = arith.muli %add3A_112, %mul3A_113 : i32
      %multiple_of3A_115 = tpu.assume_multiple %mul3A_114, 8 : i32
      "tpu.region"() ({
        %run_scoped3A = tpu.sem_alloc : memref<!tpu.dma_semaphore, #tpu.memory_space<semaphore_mem>>
        %dma_start3A_117 = arith.constant 0 : i32
        %dma_start3A_118 = arith.constant 0 : i32
        %dma_start3A_119 = tpu.memref_slice %arg12[%dma_start3A_117, %dma_start3A_118] : memref<128x128xf32, #tpu.memory_space<vmem>> -> memref<80x128xf32, #tpu.memory_space<vmem>>
        %dma_start3A_120 = arith.constant 0 : i32
        %dma_start3A_121 = tpu.memref_slice %arg15[%multiple_of3A_115, %dma_start3A_120] : memref<10000x128xf32, #tpu.memory_space<vmem_shared>> -> memref<80x128xf32, #tpu.memory_space<vmem_shared>>
        %dma_start3A_122 = arith.constant 0 : i32
        %dma_start3A_123 = tpu.memref_slice %arg15[%multiple_of3A_115, %dma_start3A_122] : memref<10000x128xf32, #tpu.memory_space<vmem_shared>> -> memref<80x128xf32, #tpu.memory_space<vmem_shared>>
        %dma_start3A_124 = arith.constant 0 : i32
        %dma_start3A_125 = arith.constant 0 : i32
        %dma_start3A_126 = tpu.memref_slice %arg12[%dma_start3A_124, %dma_start3A_125] : memref<128x128xf32, #tpu.memory_space<vmem>> -> memref<80x128xf32, #tpu.memory_space<vmem>>
        tpu.enqueue_dma source(%dma_start3A_126 : memref<80x128xf32, #tpu.memory_space<vmem>>) target(%dma_start3A_123 : memref<80x128xf32, #tpu.memory_space<vmem_shared>>) target_semaphore(%run_scoped3A : memref<!tpu.dma_semaphore, #tpu.memory_space<semaphore_mem>>)
        %dma_wait3A_127 = arith.constant 0 : i32
        %dma_wait3A_128 = arith.constant 0 : i32
        %dma_wait3A_129 = tpu.memref_slice %arg12[%dma_wait3A_127, %dma_wait3A_128] : memref<128x128xf32, #tpu.memory_space<vmem>> -> memref<80x128xf32, #tpu.memory_space<vmem>>
        %dma_wait3A_130 = arith.constant 0 : i32
        %dma_wait3A_131 = tpu.memref_slice %arg15[%multiple_of3A_115, %dma_wait3A_130] : memref<10000x128xf32, #tpu.memory_space<vmem_shared>> -> memref<80x128xf32, #tpu.memory_space<vmem_shared>>
        %dma_wait3A_132 = arith.constant 0 : i32
        %dma_wait3A_133 = tpu.memref_slice %arg15[%multiple_of3A_115, %dma_wait3A_132] : memref<10000x128xf32, #tpu.memory_space<vmem_shared>> -> memref<80x128xf32, #tpu.memory_space<vmem_shared>>
        %dma_wait3A_134 = arith.constant 0 : i32
        %dma_wait3A_135 = arith.constant 0 : i32
        %dma_wait3A_136 = tpu.memref_slice %arg12[%dma_wait3A_134, %dma_wait3A_135] : memref<128x128xf32, #tpu.memory_space<vmem>> -> memref<80x128xf32, #tpu.memory_space<vmem>>
        tpu.wait_dma2 semaphore(%run_scoped3A : memref<!tpu.dma_semaphore, #tpu.memory_space<semaphore_mem>>) src(%dma_wait3A_136 : memref<80x128xf32, #tpu.memory_space<vmem>>) dst(%dma_wait3A_133 : memref<80x128xf32, #tpu.memory_space<vmem_shared>>)
        tpu.yield
      }) : () -> ()
      %while3A_116 = arith.constant 0 : i32
      scf.yield %while3A_116 : i32
    }
    %while3A_17 = arith.constant 1 : i32
    %while3A_18 = scf.for %while3A_108 = %while3A_14 to %while3A_10 step %while3A_17 iter_args(%while3A_109 = %while3A_16) -> (i32)  : i32 {
      %mul3A_110 = arith.constant 16 : i32
      %mul3A_111 = arith.muli %while3A_108, %mul3A_110 : i32
      %add3A_112 = arith.addi %mul3A_111, %arg1 : i32
      %mul3A_113 = arith.constant 80 : i32
      %mul3A_114 = arith.muli %add3A_112, %mul3A_113 : i32
      %multiple_of3A_115 = tpu.assume_multiple %mul3A_114, 8 : i32
      "tpu.region"() ({
        %run_scoped3A = tpu.sem_alloc : memref<!tpu.dma_semaphore, #tpu.memory_space<semaphore_mem>>
        %dma_start3A_117 = arith.constant 0 : i32
        %dma_start3A_118 = arith.constant 0 : i32
        %dma_start3A_119 = tpu.memref_slice %arg12[%dma_start3A_117, %dma_start3A_118] : memref<128x128xf32, #tpu.memory_space<vmem>> -> memref<80x128xf32, #tpu.memory_space<vmem>>
        %dma_start3A_120 = arith.constant 0 : i32
        %dma_start3A_121 = tpu.memref_slice %arg15[%multiple_of3A_115, %dma_start3A_120] : memref<10000x128xf32, #tpu.memory_space<vmem_shared>> -> memref<80x128xf32, #tpu.memory_space<vmem_shared>>
        %dma_start3A_122 = arith.constant 0 : i32
        %dma_start3A_123 = tpu.memref_slice %arg15[%multiple_of3A_115, %dma_start3A_122] : memref<10000x128xf32, #tpu.memory_space<vmem_shared>> -> memref<80x128xf32, #tpu.memory_space<vmem_shared>>
        %dma_start3A_124 = arith.constant 0 : i32
        %dma_start3A_125 = arith.constant 0 : i32
        %dma_start3A_126 = tpu.memref_slice %arg12[%dma_start3A_124, %dma_start3A_125] : memref<128x128xf32, #tpu.memory_space<vmem>> -> memref<80x128xf32, #tpu.memory_space<vmem>>
        tpu.enqueue_dma source(%dma_start3A_126 : memref<80x128xf32, #tpu.memory_space<vmem>>) target(%dma_start3A_123 : memref<80x128xf32, #tpu.memory_space<vmem_shared>>) target_semaphore(%run_scoped3A : memref<!tpu.dma_semaphore, #tpu.memory_space<semaphore_mem>>)
        %dma_wait3A_127 = arith.constant 0 : i32
        %dma_wait3A_128 = arith.constant 0 : i32
        %dma_wait3A_129 = tpu.memref_slice %arg12[%dma_wait3A_127, %dma_wait3A_128] : memref<128x128xf32, #tpu.memory_space<vmem>> -> memref<80x128xf32, #tpu.memory_space<vmem>>
        %dma_wait3A_130 = arith.constant 0 : i32
        %dma_wait3A_131 = tpu.memref_slice %arg15[%multiple_of3A_115, %dma_wait3A_130] : memref<10000x128xf32, #tpu.memory_space<vmem_shared>> -> memref<80x128xf32, #tpu.memory_space<vmem_shared>>
        %dma_wait3A_132 = arith.constant 0 : i32
        %dma_wait3A_133 = tpu.memref_slice %arg15[%multiple_of3A_115, %dma_wait3A_132] : memref<10000x128xf32, #tpu.memory_space<vmem_shared>> -> memref<80x128xf32, #tpu.memory_space<vmem_shared>>
        %dma_wait3A_134 = arith.constant 0 : i32
        %dma_wait3A_135 = arith.constant 0 : i32
        %dma_wait3A_136 = tpu.memref_slice %arg12[%dma_wait3A_134, %dma_wait3A_135] : memref<128x128xf32, #tpu.memory_space<vmem>> -> memref<80x128xf32, #tpu.memory_space<vmem>>
        tpu.wait_dma2 semaphore(%run_scoped3A : memref<!tpu.dma_semaphore, #tpu.memory_space<semaphore_mem>>) src(%dma_wait3A_136 : memref<80x128xf32, #tpu.memory_space<vmem>>) dst(%dma_wait3A_133 : memref<80x128xf32, #tpu.memory_space<vmem_shared>>)
        tpu.yield
      }) : () -> ()
      %while3A_116 = arith.constant 0 : i32
      scf.yield %while3A_116 : i32
    }
    %barrier3A = arith.constant 0 : index
    tpu.barrier barrier_id(%barrier3A)
    %lt3A_19 = arith.constant 2 : i32
    %lt3A_20 = arith.cmpi slt, %arg1, %lt3A_19 : i32
    %jit3A_21 = arith.constant 79 : i32
    %jit3A_22 = arith.constant 78 : i32
    %select_n3A_23 = arith.select %lt3A_20, %jit3A_21, %jit3A_22 : i32
    %mul3A = arith.constant 0 : i32
    %mul3A_24 = arith.constant 16 : i32
    %mul3A_25 = arith.muli %mul3A, %mul3A_24 : i32
    %add3A = arith.addi %mul3A_25, %arg1 : i32
    %mul3A_26 = arith.constant 128 : i32
    %mul3A_27 = arith.muli %add3A, %mul3A_26 : i32
    %multiple_of3A = tpu.assume_multiple %mul3A_27, 8 : i32
    %mul3A_28 = arith.constant 160000 : i32
    %mul3A_29 = arith.muli %arg0, %mul3A_28 : i32
    %add3A_30 = arith.addi %mul3A_29, %multiple_of3A : i32
    %dma_start3A = tpu.memref_slice %arg3[%add3A_30] : memref<320000xi32, #tpu.memory_space<hbm>> -> memref<128xi32, #tpu.memory_space<hbm>>
    %dma_start3A_31 = tpu.memref_slice %arg3[%add3A_30] : memref<320000xi32, #tpu.memory_space<hbm>> -> memref<128xi32, #tpu.memory_space<hbm>>
    tpu.enqueue_dma source(%dma_start3A_31 : memref<128xi32, #tpu.memory_space<hbm>>) target(%arg6 : memref<128xi32, #tpu.memory_space<vmem>>) target_semaphore(%arg19 : memref<!tpu.dma_semaphore, #tpu.memory_space<semaphore_mem>>)
    %dma_start3A_32 = tpu.memref_slice %arg4[%multiple_of3A] : memref<160000xi32, #tpu.memory_space<hbm>> -> memref<128xi32, #tpu.memory_space<hbm>>
    %dma_start3A_33 = tpu.memref_slice %arg4[%multiple_of3A] : memref<160000xi32, #tpu.memory_space<hbm>> -> memref<128xi32, #tpu.memory_space<hbm>>
    tpu.enqueue_dma source(%dma_start3A_33 : memref<128xi32, #tpu.memory_space<hbm>>) target(%arg9 : memref<128xi32, #tpu.memory_space<vmem>>) target_semaphore(%arg19 : memref<!tpu.dma_semaphore, #tpu.memory_space<semaphore_mem>>)
    %mul3A_34 = arith.constant 1 : i32
    %mul3A_35 = arith.constant 16 : i32
    %mul3A_36 = arith.muli %mul3A_34, %mul3A_35 : i32
    %add3A_37 = arith.addi %mul3A_36, %arg1 : i32
    %mul3A_38 = arith.constant 128 : i32
    %mul3A_39 = arith.muli %add3A_37, %mul3A_38 : i32
    %multiple_of3A_40 = tpu.assume_multiple %mul3A_39, 8 : i32
    %mul3A_41 = arith.constant 160000 : i32
    %mul3A_42 = arith.muli %arg0, %mul3A_41 : i32
    %add3A_43 = arith.addi %mul3A_42, %multiple_of3A_40 : i32
    %dma_start3A_44 = tpu.memref_slice %arg3[%add3A_43] : memref<320000xi32, #tpu.memory_space<hbm>> -> memref<128xi32, #tpu.memory_space<hbm>>
    %dma_start3A_45 = tpu.memref_slice %arg3[%add3A_43] : memref<320000xi32, #tpu.memory_space<hbm>> -> memref<128xi32, #tpu.memory_space<hbm>>
    tpu.enqueue_dma source(%dma_start3A_45 : memref<128xi32, #tpu.memory_space<hbm>>) target(%arg7 : memref<128xi32, #tpu.memory_space<vmem>>) target_semaphore(%arg20 : memref<!tpu.dma_semaphore, #tpu.memory_space<semaphore_mem>>)
    %dma_start3A_46 = tpu.memref_slice %arg4[%multiple_of3A_40] : memref<160000xi32, #tpu.memory_space<hbm>> -> memref<128xi32, #tpu.memory_space<hbm>>
    %dma_start3A_47 = tpu.memref_slice %arg4[%multiple_of3A_40] : memref<160000xi32, #tpu.memory_space<hbm>> -> memref<128xi32, #tpu.memory_space<hbm>>
    tpu.enqueue_dma source(%dma_start3A_47 : memref<128xi32, #tpu.memory_space<hbm>>) target(%arg10 : memref<128xi32, #tpu.memory_space<vmem>>) target_semaphore(%arg20 : memref<!tpu.dma_semaphore, #tpu.memory_space<semaphore_mem>>)
    %mul3A_48 = arith.constant 2 : i32
    %mul3A_49 = arith.constant 16 : i32
    %mul3A_50 = arith.muli %mul3A_48, %mul3A_49 : i32
    %add3A_51 = arith.addi %mul3A_50, %arg1 : i32
    %mul3A_52 = arith.constant 128 : i32
    %mul3A_53 = arith.muli %add3A_51, %mul3A_52 : i32
    %multiple_of3A_54 = tpu.assume_multiple %mul3A_53, 8 : i32
    %mul3A_55 = arith.constant 160000 : i32
    %mul3A_56 = arith.muli %arg0, %mul3A_55 : i32
    %add3A_57 = arith.addi %mul3A_56, %multiple_of3A_54 : i32
    %dma_start3A_58 = tpu.memref_slice %arg3[%add3A_57] : memref<320000xi32, #tpu.memory_space<hbm>> -> memref<128xi32, #tpu.memory_space<hbm>>
    %dma_start3A_59 = tpu.memref_slice %arg3[%add3A_57] : memref<320000xi32, #tpu.memory_space<hbm>> -> memref<128xi32, #tpu.memory_space<hbm>>
    tpu.enqueue_dma source(%dma_start3A_59 : memref<128xi32, #tpu.memory_space<hbm>>) target(%arg8 : memref<128xi32, #tpu.memory_space<vmem>>) target_semaphore(%arg21 : memref<!tpu.dma_semaphore, #tpu.memory_space<semaphore_mem>>)
    %dma_start3A_60 = tpu.memref_slice %arg4[%multiple_of3A_54] : memref<160000xi32, #tpu.memory_space<hbm>> -> memref<128xi32, #tpu.memory_space<hbm>>
    %dma_start3A_61 = tpu.memref_slice %arg4[%multiple_of3A_54] : memref<160000xi32, #tpu.memory_space<hbm>> -> memref<128xi32, #tpu.memory_space<hbm>>
    tpu.enqueue_dma source(%dma_start3A_61 : memref<128xi32, #tpu.memory_space<hbm>>) target(%arg11 : memref<128xi32, #tpu.memory_space<vmem>>) target_semaphore(%arg21 : memref<!tpu.dma_semaphore, #tpu.memory_space<semaphore_mem>>)
    %dma_wait3A = arith.constant 0 : i32
    %dma_wait3A_62 = tpu.memref_slice %arg3[%dma_wait3A] : memref<320000xi32, #tpu.memory_space<hbm>> -> memref<128xi32, #tpu.memory_space<hbm>>
    %dma_wait3A_63 = arith.constant 0 : i32
    %dma_wait3A_64 = tpu.memref_slice %arg3[%dma_wait3A_63] : memref<320000xi32, #tpu.memory_space<hbm>> -> memref<128xi32, #tpu.memory_space<hbm>>
    tpu.wait_dma2 semaphore(%arg19 : memref<!tpu.dma_semaphore, #tpu.memory_space<semaphore_mem>>) src(%dma_wait3A_64 : memref<128xi32, #tpu.memory_space<hbm>>) dst(%arg6 : memref<128xi32, #tpu.memory_space<vmem>>)
    %dma_wait3A_65 = arith.constant 0 : i32
    %dma_wait3A_66 = tpu.memref_slice %arg3[%dma_wait3A_65] : memref<320000xi32, #tpu.memory_space<hbm>> -> memref<128xi32, #tpu.memory_space<hbm>>
    %dma_wait3A_67 = arith.constant 0 : i32
    %dma_wait3A_68 = tpu.memref_slice %arg3[%dma_wait3A_67] : memref<320000xi32, #tpu.memory_space<hbm>> -> memref<128xi32, #tpu.memory_space<hbm>>
    tpu.wait_dma2 semaphore(%arg19 : memref<!tpu.dma_semaphore, #tpu.memory_space<semaphore_mem>>) src(%dma_wait3A_68 : memref<128xi32, #tpu.memory_space<hbm>>) dst(%arg9 : memref<128xi32, #tpu.memory_space<vmem>>)
    %dma_start3A_69 = arith.constant 0 : i32
    %dma_start3A_70 = arith.constant 0 : i32
    %dma_start3A_71 = tpu.memref_slice %arg2[%dma_start3A_69, %dma_start3A_70] : memref<20000x128xf32, #tpu.memory_space<hbm>> -> memref<20000x128xf32, #tpu.memory_space<hbm>>
    tpu.enqueue_indirect_dma source(%dma_start3A_71 : memref<20000x128xf32, #tpu.memory_space<hbm>>) target(%arg12 : memref<128x128xf32, #tpu.memory_space<vmem>>) offsets(%arg6 : memref<128xi32, #tpu.memory_space<vmem>>) semaphore(%arg16 : memref<!tpu.dma_semaphore, #tpu.memory_space<semaphore_mem>>)
    %dma_wait3A_72 = arith.constant 0 : i32
    %dma_wait3A_73 = tpu.memref_slice %arg3[%dma_wait3A_72] : memref<320000xi32, #tpu.memory_space<hbm>> -> memref<128xi32, #tpu.memory_space<hbm>>
    %dma_wait3A_74 = arith.constant 0 : i32
    %dma_wait3A_75 = tpu.memref_slice %arg3[%dma_wait3A_74] : memref<320000xi32, #tpu.memory_space<hbm>> -> memref<128xi32, #tpu.memory_space<hbm>>
    tpu.wait_dma2 semaphore(%arg20 : memref<!tpu.dma_semaphore, #tpu.memory_space<semaphore_mem>>) src(%dma_wait3A_75 : memref<128xi32, #tpu.memory_space<hbm>>) dst(%arg7 : memref<128xi32, #tpu.memory_space<vmem>>)
    %dma_wait3A_76 = arith.constant 0 : i32
    %dma_wait3A_77 = tpu.memref_slice %arg3[%dma_wait3A_76] : memref<320000xi32, #tpu.memory_space<hbm>> -> memref<128xi32, #tpu.memory_space<hbm>>
    %dma_wait3A_78 = arith.constant 0 : i32
    %dma_wait3A_79 = tpu.memref_slice %arg3[%dma_wait3A_78] : memref<320000xi32, #tpu.memory_space<hbm>> -> memref<128xi32, #tpu.memory_space<hbm>>
    tpu.wait_dma2 semaphore(%arg20 : memref<!tpu.dma_semaphore, #tpu.memory_space<semaphore_mem>>) src(%dma_wait3A_79 : memref<128xi32, #tpu.memory_space<hbm>>) dst(%arg10 : memref<128xi32, #tpu.memory_space<vmem>>)
    %dma_start3A_80 = arith.constant 0 : i32
    %dma_start3A_81 = arith.constant 0 : i32
    %dma_start3A_82 = tpu.memref_slice %arg2[%dma_start3A_80, %dma_start3A_81] : memref<20000x128xf32, #tpu.memory_space<hbm>> -> memref<20000x128xf32, #tpu.memory_space<hbm>>
    tpu.enqueue_indirect_dma source(%dma_start3A_82 : memref<20000x128xf32, #tpu.memory_space<hbm>>) target(%arg13 : memref<128x128xf32, #tpu.memory_space<vmem>>) offsets(%arg7 : memref<128xi32, #tpu.memory_space<vmem>>) semaphore(%arg17 : memref<!tpu.dma_semaphore, #tpu.memory_space<semaphore_mem>>)
    %scan3A_83 = arith.constant 0 : i32
    %scan3A_84 = arith.constant 0 : i32
    %scan3A_85 = arith.constant 27 : i32
    %scan3A_86 = arith.addi %scan3A_84, %scan3A_85 : i32
    %scan3A_87 = arith.constant 1 : i32
    %scan3A_88 = scf.for %scan3A_108 = %scan3A_84 to %scan3A_86 step %scan3A_87 iter_args(%scan3A_109 = %scan3A_83) -> (i32)  : i32 {
      %mul3A_110 = arith.constant 3 : i32
      %mul3A_111 = arith.muli %mul3A_110, %scan3A_108 : i32
      %add3A_112 = arith.constant 0 : i32
      %add3A_113 = arith.addi %mul3A_111, %add3A_112 : i32
      %lt3A_114 = arith.cmpi slt, %add3A_113, %select_n3A_23 : i32
      %convert_element_type3A = arith.extui %lt3A_114 : i1 to i32
      %cond3A = arith.constant 0 : i32
      %cond3A_115 = arith.cmpi ne, %convert_element_type3A, %cond3A : i32
      scf.if %cond3A_115 {
        %add3A_133 = arith.constant 3 : i32
        %add3A_134 = arith.addi %add3A_113, %add3A_133 : i32
        %sub3A = arith.constant 1 : i32
        %sub3A_135 = arith.subi %add3A_134, %sub3A : i32
        %lt3A_136 = arith.cmpi slt, %sub3A_135, %select_n3A_23 : i32
        %convert_element_type3A_137 = arith.extui %lt3A_136 : i1 to i32
        %cond3A_138 = arith.constant 0 : i32
        %cond3A_139 = arith.cmpi ne, %convert_element_type3A_137, %cond3A_138 : i32
        scf.if %cond3A_139 {
          %dma_wait3A_149 = arith.constant 0 : i32
          %dma_wait3A_150 = tpu.memref_slice %arg3[%dma_wait3A_149] : memref<320000xi32, #tpu.memory_space<hbm>> -> memref<128xi32, #tpu.memory_space<hbm>>
          %dma_wait3A_151 = arith.constant 0 : i32
          %dma_wait3A_152 = tpu.memref_slice %arg3[%dma_wait3A_151] : memref<320000xi32, #tpu.memory_space<hbm>> -> memref<128xi32, #tpu.memory_space<hbm>>
          tpu.wait_dma2 semaphore(%arg21 : memref<!tpu.dma_semaphore, #tpu.memory_space<semaphore_mem>>) src(%dma_wait3A_152 : memref<128xi32, #tpu.memory_space<hbm>>) dst(%arg8 : memref<128xi32, #tpu.memory_space<vmem>>)
          %dma_wait3A_153 = arith.constant 0 : i32
          %dma_wait3A_154 = tpu.memref_slice %arg3[%dma_wait3A_153] : memref<320000xi32, #tpu.memory_space<hbm>> -> memref<128xi32, #tpu.memory_space<hbm>>
          %dma_wait3A_155 = arith.constant 0 : i32
          %dma_wait3A_156 = tpu.memref_slice %arg3[%dma_wait3A_155] : memref<320000xi32, #tpu.memory_space<hbm>> -> memref<128xi32, #tpu.memory_space<hbm>>
          tpu.wait_dma2 semaphore(%arg21 : memref<!tpu.dma_semaphore, #tpu.memory_space<semaphore_mem>>) src(%dma_wait3A_156 : memref<128xi32, #tpu.memory_space<hbm>>) dst(%arg11 : memref<128xi32, #tpu.memory_space<vmem>>)
          %dma_start3A_157 = arith.constant 0 : i32
          %dma_start3A_158 = arith.constant 0 : i32
          %dma_start3A_159 = tpu.memref_slice %arg2[%dma_start3A_157, %dma_start3A_158] : memref<20000x128xf32, #tpu.memory_space<hbm>> -> memref<20000x128xf32, #tpu.memory_space<hbm>>
          tpu.enqueue_indirect_dma source(%dma_start3A_159 : memref<20000x128xf32, #tpu.memory_space<hbm>>) target(%arg14 : memref<128x128xf32, #tpu.memory_space<vmem>>) offsets(%arg8 : memref<128xi32, #tpu.memory_space<vmem>>) semaphore(%arg18 : memref<!tpu.dma_semaphore, #tpu.memory_space<semaphore_mem>>)
        } else {
        }
        %dma_wait3A_140 = arith.constant 0 : i32
        %dma_wait3A_141 = arith.constant 0 : i32
        %dma_wait3A_142 = tpu.memref_slice %arg2[%dma_wait3A_140, %dma_wait3A_141] : memref<20000x128xf32, #tpu.memory_space<hbm>> -> memref<20000x128xf32, #tpu.memory_space<hbm>>
        tpu.wait_indirect_dma semaphore(%arg16 : memref<!tpu.dma_semaphore, #tpu.memory_space<semaphore_mem>>) src(%dma_wait3A_142 : memref<20000x128xf32, #tpu.memory_space<hbm>>) dst(%arg12 : memref<128x128xf32, #tpu.memory_space<vmem>>)
        "tpu.region"() ({
          %run_scoped3A = tpu.sem_alloc : memref<!tpu.dma_semaphore, #tpu.memory_space<semaphore_mem>>
          %dma_start3A_149 = arith.constant 0 : i32
          %dma_start3A_150 = arith.constant 0 : i32
          %dma_start3A_151 = tpu.memref_slice %arg15[%dma_start3A_149, %dma_start3A_150] : memref<10000x128xf32, #tpu.memory_space<vmem_shared>> -> memref<10000x128xf32, #tpu.memory_space<vmem_shared>>
          tpu.enqueue_indirect_dma source(%arg12 : memref<128x128xf32, #tpu.memory_space<vmem>>) target(%dma_start3A_151 : memref<10000x128xf32, #tpu.memory_space<vmem_shared>>) offsets(%arg9 : memref<128xi32, #tpu.memory_space<vmem>>) semaphore(%run_scoped3A : memref<!tpu.dma_semaphore, #tpu.memory_space<semaphore_mem>>) {add = true}
          %dma_wait3A_152 = arith.constant 0 : i32
          %dma_wait3A_153 = arith.constant 0 : i32
          %dma_wait3A_154 = tpu.memref_slice %arg15[%dma_wait3A_152, %dma_wait3A_153] : memref<10000x128xf32, #tpu.memory_space<vmem_shared>> -> memref<10000x128xf32, #tpu.memory_space<vmem_shared>>
          tpu.wait_indirect_dma semaphore(%run_scoped3A : memref<!tpu.dma_semaphore, #tpu.memory_space<semaphore_mem>>) src(%arg12 : memref<128x128xf32, #tpu.memory_space<vmem>>) dst(%dma_wait3A_154 : memref<10000x128xf32, #tpu.memory_space<vmem_shared>>)
          tpu.yield
        }) : () -> ()
        %add3A_143 = arith.constant 3 : i32
        %add3A_144 = arith.addi %add3A_113, %add3A_143 : i32
        %lt3A_145 = arith.cmpi slt, %add3A_144, %select_n3A_23 : i32
        %convert_element_type3A_146 = arith.extui %lt3A_145 : i1 to i32
        %cond3A_147 = arith.constant 0 : i32
        %cond3A_148 = arith.cmpi ne, %convert_element_type3A_146, %cond3A_147 : i32
        scf.if %cond3A_148 {
          %add3A_149 = arith.constant 3 : i32
          %add3A_150 = arith.addi %add3A_113, %add3A_149 : i32
          %mul3A_151 = arith.constant 16 : i32
          %mul3A_152 = arith.muli %add3A_150, %mul3A_151 : i32
          %add3A_153 = arith.addi %mul3A_152, %arg1 : i32
          %mul3A_154 = arith.constant 128 : i32
          %mul3A_155 = arith.muli %add3A_153, %mul3A_154 : i32
          %multiple_of3A_156 = tpu.assume_multiple %mul3A_155, 8 : i32
          %mul3A_157 = arith.constant 160000 : i32
          %mul3A_158 = arith.muli %arg0, %mul3A_157 : i32
          %add3A_159 = arith.addi %mul3A_158, %multiple_of3A_156 : i32
          %dma_start3A_160 = tpu.memref_slice %arg3[%add3A_159] : memref<320000xi32, #tpu.memory_space<hbm>> -> memref<128xi32, #tpu.memory_space<hbm>>
          %dma_start3A_161 = tpu.memref_slice %arg3[%add3A_159] : memref<320000xi32, #tpu.memory_space<hbm>> -> memref<128xi32, #tpu.memory_space<hbm>>
          tpu.enqueue_dma source(%dma_start3A_161 : memref<128xi32, #tpu.memory_space<hbm>>) target(%arg6 : memref<128xi32, #tpu.memory_space<vmem>>) target_semaphore(%arg19 : memref<!tpu.dma_semaphore, #tpu.memory_space<semaphore_mem>>)
          %dma_start3A_162 = tpu.memref_slice %arg4[%multiple_of3A_156] : memref<160000xi32, #tpu.memory_space<hbm>> -> memref<128xi32, #tpu.memory_space<hbm>>
          %dma_start3A_163 = tpu.memref_slice %arg4[%multiple_of3A_156] : memref<160000xi32, #tpu.memory_space<hbm>> -> memref<128xi32, #tpu.memory_space<hbm>>
          tpu.enqueue_dma source(%dma_start3A_163 : memref<128xi32, #tpu.memory_space<hbm>>) target(%arg9 : memref<128xi32, #tpu.memory_space<vmem>>) target_semaphore(%arg19 : memref<!tpu.dma_semaphore, #tpu.memory_space<semaphore_mem>>)
        } else {
        }
      } else {
      }
      %mul3A_116 = arith.constant 3 : i32
      %mul3A_117 = arith.muli %mul3A_116, %scan3A_108 : i32
      %add3A_118 = arith.constant 1 : i32
      %add3A_119 = arith.addi %mul3A_117, %add3A_118 : i32
      %lt3A_120 = arith.cmpi slt, %add3A_119, %select_n3A_23 : i32
      %convert_element_type3A_121 = arith.extui %lt3A_120 : i1 to i32
      %cond3A_122 = arith.constant 0 : i32
      %cond3A_123 = arith.cmpi ne, %convert_element_type3A_121, %cond3A_122 : i32
      scf.if %cond3A_123 {
        %add3A_133 = arith.constant 3 : i32
        %add3A_134 = arith.addi %add3A_119, %add3A_133 : i32
        %sub3A = arith.constant 1 : i32
        %sub3A_135 = arith.subi %add3A_134, %sub3A : i32
        %lt3A_136 = arith.cmpi slt, %sub3A_135, %select_n3A_23 : i32
        %convert_element_type3A_137 = arith.extui %lt3A_136 : i1 to i32
        %cond3A_138 = arith.constant 0 : i32
        %cond3A_139 = arith.cmpi ne, %convert_element_type3A_137, %cond3A_138 : i32
        scf.if %cond3A_139 {
          %dma_wait3A_149 = arith.constant 0 : i32
          %dma_wait3A_150 = tpu.memref_slice %arg3[%dma_wait3A_149] : memref<320000xi32, #tpu.memory_space<hbm>> -> memref<128xi32, #tpu.memory_space<hbm>>
          %dma_wait3A_151 = arith.constant 0 : i32
          %dma_wait3A_152 = tpu.memref_slice %arg3[%dma_wait3A_151] : memref<320000xi32, #tpu.memory_space<hbm>> -> memref<128xi32, #tpu.memory_space<hbm>>
          tpu.wait_dma2 semaphore(%arg19 : memref<!tpu.dma_semaphore, #tpu.memory_space<semaphore_mem>>) src(%dma_wait3A_152 : memref<128xi32, #tpu.memory_space<hbm>>) dst(%arg6 : memref<128xi32, #tpu.memory_space<vmem>>)
          %dma_wait3A_153 = arith.constant 0 : i32
          %dma_wait3A_154 = tpu.memref_slice %arg3[%dma_wait3A_153] : memref<320000xi32, #tpu.memory_space<hbm>> -> memref<128xi32, #tpu.memory_space<hbm>>
          %dma_wait3A_155 = arith.constant 0 : i32
          %dma_wait3A_156 = tpu.memref_slice %arg3[%dma_wait3A_155] : memref<320000xi32, #tpu.memory_space<hbm>> -> memref<128xi32, #tpu.memory_space<hbm>>
          tpu.wait_dma2 semaphore(%arg19 : memref<!tpu.dma_semaphore, #tpu.memory_space<semaphore_mem>>) src(%dma_wait3A_156 : memref<128xi32, #tpu.memory_space<hbm>>) dst(%arg9 : memref<128xi32, #tpu.memory_space<vmem>>)
          %dma_start3A_157 = arith.constant 0 : i32
          %dma_start3A_158 = arith.constant 0 : i32
          %dma_start3A_159 = tpu.memref_slice %arg2[%dma_start3A_157, %dma_start3A_158] : memref<20000x128xf32, #tpu.memory_space<hbm>> -> memref<20000x128xf32, #tpu.memory_space<hbm>>
          tpu.enqueue_indirect_dma source(%dma_start3A_159 : memref<20000x128xf32, #tpu.memory_space<hbm>>) target(%arg12 : memref<128x128xf32, #tpu.memory_space<vmem>>) offsets(%arg6 : memref<128xi32, #tpu.memory_space<vmem>>) semaphore(%arg16 : memref<!tpu.dma_semaphore, #tpu.memory_space<semaphore_mem>>)
        } else {
        }
        %dma_wait3A_140 = arith.constant 0 : i32
        %dma_wait3A_141 = arith.constant 0 : i32
        %dma_wait3A_142 = tpu.memref_slice %arg2[%dma_wait3A_140, %dma_wait3A_141] : memref<20000x128xf32, #tpu.memory_space<hbm>> -> memref<20000x128xf32, #tpu.memory_space<hbm>>
        tpu.wait_indirect_dma semaphore(%arg17 : memref<!tpu.dma_semaphore, #tpu.memory_space<semaphore_mem>>) src(%dma_wait3A_142 : memref<20000x128xf32, #tpu.memory_space<hbm>>) dst(%arg13 : memref<128x128xf32, #tpu.memory_space<vmem>>)
        "tpu.region"() ({
          %run_scoped3A = tpu.sem_alloc : memref<!tpu.dma_semaphore, #tpu.memory_space<semaphore_mem>>
          %dma_start3A_149 = arith.constant 0 : i32
          %dma_start3A_150 = arith.constant 0 : i32
          %dma_start3A_151 = tpu.memref_slice %arg15[%dma_start3A_149, %dma_start3A_150] : memref<10000x128xf32, #tpu.memory_space<vmem_shared>> -> memref<10000x128xf32, #tpu.memory_space<vmem_shared>>
          tpu.enqueue_indirect_dma source(%arg13 : memref<128x128xf32, #tpu.memory_space<vmem>>) target(%dma_start3A_151 : memref<10000x128xf32, #tpu.memory_space<vmem_shared>>) offsets(%arg10 : memref<128xi32, #tpu.memory_space<vmem>>) semaphore(%run_scoped3A : memref<!tpu.dma_semaphore, #tpu.memory_space<semaphore_mem>>) {add = true}
          %dma_wait3A_152 = arith.constant 0 : i32
          %dma_wait3A_153 = arith.constant 0 : i32
          %dma_wait3A_154 = tpu.memref_slice %arg15[%dma_wait3A_152, %dma_wait3A_153] : memref<10000x128xf32, #tpu.memory_space<vmem_shared>> -> memref<10000x128xf32, #tpu.memory_space<vmem_shared>>
          tpu.wait_indirect_dma semaphore(%run_scoped3A : memref<!tpu.dma_semaphore, #tpu.memory_space<semaphore_mem>>) src(%arg13 : memref<128x128xf32, #tpu.memory_space<vmem>>) dst(%dma_wait3A_154 : memref<10000x128xf32, #tpu.memory_space<vmem_shared>>)
          tpu.yield
        }) : () -> ()
        %add3A_143 = arith.constant 3 : i32
        %add3A_144 = arith.addi %add3A_119, %add3A_143 : i32
        %lt3A_145 = arith.cmpi slt, %add3A_144, %select_n3A_23 : i32
        %convert_element_type3A_146 = arith.extui %lt3A_145 : i1 to i32
        %cond3A_147 = arith.constant 0 : i32
        %cond3A_148 = arith.cmpi ne, %convert_element_type3A_146, %cond3A_147 : i32
        scf.if %cond3A_148 {
          %add3A_149 = arith.constant 3 : i32
          %add3A_150 = arith.addi %add3A_119, %add3A_149 : i32
          %mul3A_151 = arith.constant 16 : i32
          %mul3A_152 = arith.muli %add3A_150, %mul3A_151 : i32
          %add3A_153 = arith.addi %mul3A_152, %arg1 : i32
          %mul3A_154 = arith.constant 128 : i32
          %mul3A_155 = arith.muli %add3A_153, %mul3A_154 : i32
          %multiple_of3A_156 = tpu.assume_multiple %mul3A_155, 8 : i32
          %mul3A_157 = arith.constant 160000 : i32
          %mul3A_158 = arith.muli %arg0, %mul3A_157 : i32
          %add3A_159 = arith.addi %mul3A_158, %multiple_of3A_156 : i32
          %dma_start3A_160 = tpu.memref_slice %arg3[%add3A_159] : memref<320000xi32, #tpu.memory_space<hbm>> -> memref<128xi32, #tpu.memory_space<hbm>>
          %dma_start3A_161 = tpu.memref_slice %arg3[%add3A_159] : memref<320000xi32, #tpu.memory_space<hbm>> -> memref<128xi32, #tpu.memory_space<hbm>>
          tpu.enqueue_dma source(%dma_start3A_161 : memref<128xi32, #tpu.memory_space<hbm>>) target(%arg7 : memref<128xi32, #tpu.memory_space<vmem>>) target_semaphore(%arg20 : memref<!tpu.dma_semaphore, #tpu.memory_space<semaphore_mem>>)
          %dma_start3A_162 = tpu.memref_slice %arg4[%multiple_of3A_156] : memref<160000xi32, #tpu.memory_space<hbm>> -> memref<128xi32, #tpu.memory_space<hbm>>
          %dma_start3A_163 = tpu.memref_slice %arg4[%multiple_of3A_156] : memref<160000xi32, #tpu.memory_space<hbm>> -> memref<128xi32, #tpu.memory_space<hbm>>
          tpu.enqueue_dma source(%dma_start3A_163 : memref<128xi32, #tpu.memory_space<hbm>>) target(%arg10 : memref<128xi32, #tpu.memory_space<vmem>>) target_semaphore(%arg20 : memref<!tpu.dma_semaphore, #tpu.memory_space<semaphore_mem>>)
        } else {
        }
      } else {
      }
      %mul3A_124 = arith.constant 3 : i32
      %mul3A_125 = arith.muli %mul3A_124, %scan3A_108 : i32
      %add3A_126 = arith.constant 2 : i32
      %add3A_127 = arith.addi %mul3A_125, %add3A_126 : i32
      %lt3A_128 = arith.cmpi slt, %add3A_127, %select_n3A_23 : i32
      %convert_element_type3A_129 = arith.extui %lt3A_128 : i1 to i32
      %cond3A_130 = arith.constant 0 : i32
      %cond3A_131 = arith.cmpi ne, %convert_element_type3A_129, %cond3A_130 : i32
      scf.if %cond3A_131 {
        %add3A_133 = arith.constant 3 : i32
        %add3A_134 = arith.addi %add3A_127, %add3A_133 : i32
        %sub3A = arith.constant 1 : i32
        %sub3A_135 = arith.subi %add3A_134, %sub3A : i32
        %lt3A_136 = arith.cmpi slt, %sub3A_135, %select_n3A_23 : i32
        %convert_element_type3A_137 = arith.extui %lt3A_136 : i1 to i32
        %cond3A_138 = arith.constant 0 : i32
        %cond3A_139 = arith.cmpi ne, %convert_element_type3A_137, %cond3A_138 : i32
        scf.if %cond3A_139 {
          %dma_wait3A_149 = arith.constant 0 : i32
          %dma_wait3A_150 = tpu.memref_slice %arg3[%dma_wait3A_149] : memref<320000xi32, #tpu.memory_space<hbm>> -> memref<128xi32, #tpu.memory_space<hbm>>
          %dma_wait3A_151 = arith.constant 0 : i32
          %dma_wait3A_152 = tpu.memref_slice %arg3[%dma_wait3A_151] : memref<320000xi32, #tpu.memory_space<hbm>> -> memref<128xi32, #tpu.memory_space<hbm>>
          tpu.wait_dma2 semaphore(%arg20 : memref<!tpu.dma_semaphore, #tpu.memory_space<semaphore_mem>>) src(%dma_wait3A_152 : memref<128xi32, #tpu.memory_space<hbm>>) dst(%arg7 : memref<128xi32, #tpu.memory_space<vmem>>)
          %dma_wait3A_153 = arith.constant 0 : i32
          %dma_wait3A_154 = tpu.memref_slice %arg3[%dma_wait3A_153] : memref<320000xi32, #tpu.memory_space<hbm>> -> memref<128xi32, #tpu.memory_space<hbm>>
          %dma_wait3A_155 = arith.constant 0 : i32
          %dma_wait3A_156 = tpu.memref_slice %arg3[%dma_wait3A_155] : memref<320000xi32, #tpu.memory_space<hbm>> -> memref<128xi32, #tpu.memory_space<hbm>>
          tpu.wait_dma2 semaphore(%arg20 : memref<!tpu.dma_semaphore, #tpu.memory_space<semaphore_mem>>) src(%dma_wait3A_156 : memref<128xi32, #tpu.memory_space<hbm>>) dst(%arg10 : memref<128xi32, #tpu.memory_space<vmem>>)
          %dma_start3A_157 = arith.constant 0 : i32
          %dma_start3A_158 = arith.constant 0 : i32
          %dma_start3A_159 = tpu.memref_slice %arg2[%dma_start3A_157, %dma_start3A_158] : memref<20000x128xf32, #tpu.memory_space<hbm>> -> memref<20000x128xf32, #tpu.memory_space<hbm>>
          tpu.enqueue_indirect_dma source(%dma_start3A_159 : memref<20000x128xf32, #tpu.memory_space<hbm>>) target(%arg13 : memref<128x128xf32, #tpu.memory_space<vmem>>) offsets(%arg7 : memref<128xi32, #tpu.memory_space<vmem>>) semaphore(%arg17 : memref<!tpu.dma_semaphore, #tpu.memory_space<semaphore_mem>>)
        } else {
        }
        %dma_wait3A_140 = arith.constant 0 : i32
        %dma_wait3A_141 = arith.constant 0 : i32
        %dma_wait3A_142 = tpu.memref_slice %arg2[%dma_wait3A_140, %dma_wait3A_141] : memref<20000x128xf32, #tpu.memory_space<hbm>> -> memref<20000x128xf32, #tpu.memory_space<hbm>>
        tpu.wait_indirect_dma semaphore(%arg18 : memref<!tpu.dma_semaphore, #tpu.memory_space<semaphore_mem>>) src(%dma_wait3A_142 : memref<20000x128xf32, #tpu.memory_space<hbm>>) dst(%arg14 : memref<128x128xf32, #tpu.memory_space<vmem>>)
        "tpu.region"() ({
          %run_scoped3A = tpu.sem_alloc : memref<!tpu.dma_semaphore, #tpu.memory_space<semaphore_mem>>
          %dma_start3A_149 = arith.constant 0 : i32
          %dma_start3A_150 = arith.constant 0 : i32
          %dma_start3A_151 = tpu.memref_slice %arg15[%dma_start3A_149, %dma_start3A_150] : memref<10000x128xf32, #tpu.memory_space<vmem_shared>> -> memref<10000x128xf32, #tpu.memory_space<vmem_shared>>
          tpu.enqueue_indirect_dma source(%arg14 : memref<128x128xf32, #tpu.memory_space<vmem>>) target(%dma_start3A_151 : memref<10000x128xf32, #tpu.memory_space<vmem_shared>>) offsets(%arg11 : memref<128xi32, #tpu.memory_space<vmem>>) semaphore(%run_scoped3A : memref<!tpu.dma_semaphore, #tpu.memory_space<semaphore_mem>>) {add = true}
          %dma_wait3A_152 = arith.constant 0 : i32
          %dma_wait3A_153 = arith.constant 0 : i32
          %dma_wait3A_154 = tpu.memref_slice %arg15[%dma_wait3A_152, %dma_wait3A_153] : memref<10000x128xf32, #tpu.memory_space<vmem_shared>> -> memref<10000x128xf32, #tpu.memory_space<vmem_shared>>
          tpu.wait_indirect_dma semaphore(%run_scoped3A : memref<!tpu.dma_semaphore, #tpu.memory_space<semaphore_mem>>) src(%arg14 : memref<128x128xf32, #tpu.memory_space<vmem>>) dst(%dma_wait3A_154 : memref<10000x128xf32, #tpu.memory_space<vmem_shared>>)
          tpu.yield
        }) : () -> ()
        %add3A_143 = arith.constant 3 : i32
        %add3A_144 = arith.addi %add3A_127, %add3A_143 : i32
        %lt3A_145 = arith.cmpi slt, %add3A_144, %select_n3A_23 : i32
        %convert_element_type3A_146 = arith.extui %lt3A_145 : i1 to i32
        %cond3A_147 = arith.constant 0 : i32
        %cond3A_148 = arith.cmpi ne, %convert_element_type3A_146, %cond3A_147 : i32
        scf.if %cond3A_148 {
          %add3A_149 = arith.constant 3 : i32
          %add3A_150 = arith.addi %add3A_127, %add3A_149 : i32
          %mul3A_151 = arith.constant 16 : i32
          %mul3A_152 = arith.muli %add3A_150, %mul3A_151 : i32
          %add3A_153 = arith.addi %mul3A_152, %arg1 : i32
          %mul3A_154 = arith.constant 128 : i32
          %mul3A_155 = arith.muli %add3A_153, %mul3A_154 : i32
          %multiple_of3A_156 = tpu.assume_multiple %mul3A_155, 8 : i32
          %mul3A_157 = arith.constant 160000 : i32
          %mul3A_158 = arith.muli %arg0, %mul3A_157 : i32
          %add3A_159 = arith.addi %mul3A_158, %multiple_of3A_156 : i32
          %dma_start3A_160 = tpu.memref_slice %arg3[%add3A_159] : memref<320000xi32, #tpu.memory_space<hbm>> -> memref<128xi32, #tpu.memory_space<hbm>>
          %dma_start3A_161 = tpu.memref_slice %arg3[%add3A_159] : memref<320000xi32, #tpu.memory_space<hbm>> -> memref<128xi32, #tpu.memory_space<hbm>>
          tpu.enqueue_dma source(%dma_start3A_161 : memref<128xi32, #tpu.memory_space<hbm>>) target(%arg8 : memref<128xi32, #tpu.memory_space<vmem>>) target_semaphore(%arg21 : memref<!tpu.dma_semaphore, #tpu.memory_space<semaphore_mem>>)
          %dma_start3A_162 = tpu.memref_slice %arg4[%multiple_of3A_156] : memref<160000xi32, #tpu.memory_space<hbm>> -> memref<128xi32, #tpu.memory_space<hbm>>
          %dma_start3A_163 = tpu.memref_slice %arg4[%multiple_of3A_156] : memref<160000xi32, #tpu.memory_space<hbm>> -> memref<128xi32, #tpu.memory_space<hbm>>
          tpu.enqueue_dma source(%dma_start3A_163 : memref<128xi32, #tpu.memory_space<hbm>>) target(%arg11 : memref<128xi32, #tpu.memory_space<vmem>>) target_semaphore(%arg21 : memref<!tpu.dma_semaphore, #tpu.memory_space<semaphore_mem>>)
        } else {
        }
      } else {
      }
      %scan3A_132 = arith.constant 0 : i32
      scf.yield %scan3A_132 : i32
    }
    %scan3A_89 = arith.constant 27 : i32
    %barrier3A_90 = arith.constant 0 : index
    tpu.barrier barrier_id(%barrier3A_90)
    %lt3A_91 = arith.constant 9 : i32
    %lt3A_92 = arith.cmpi slt, %arg1, %lt3A_91 : i32
    %jit3A_93 = arith.constant 2 : i32
    %jit3A_94 = arith.constant 1 : i32
    %select_n3A_95 = arith.select %lt3A_92, %jit3A_93, %jit3A_94 : i32
    %while3A_96 = arith.constant 0 : i32
    %while3A_97 = arith.constant 0 : i32
    %while3A_98 = arith.subi %select_n3A_95, %while3A_96 : i32
    %while3A_99 = arith.addi %while3A_96, %while3A_98 : i32
    %while3A_100 = arith.constant 1 : i32
    %while3A_101 = arith.divsi %while3A_98, %while3A_100 : i32
    %while3A_102 = arith.muli %while3A_101, %while3A_100 : i32
    %while3A_103 = arith.addi %while3A_96, %while3A_102 : i32
    %while3A_104 = arith.constant 1 : i32
    %while3A_105 = scf.for %while3A_108 = %while3A_96 to %while3A_103 step %while3A_104 iter_args(%while3A_109 = %while3A_97) -> (i32)  : i32 {
      %mul3A_110 = arith.constant 16 : i32
      %mul3A_111 = arith.muli %while3A_108, %mul3A_110 : i32
      %add3A_112 = arith.addi %mul3A_111, %arg1 : i32
      %mul3A_113 = arith.constant 400 : i32
      %mul3A_114 = arith.muli %add3A_112, %mul3A_113 : i32
      %multiple_of3A_115 = tpu.assume_multiple %mul3A_114, 8 : i32
      %mul3A_116 = arith.constant 10000 : i32
      %mul3A_117 = arith.muli %arg0, %mul3A_116 : i32
      %mul3A_118 = arith.constant 16 : i32
      %mul3A_119 = arith.muli %while3A_108, %mul3A_118 : i32
      %add3A_120 = arith.addi %mul3A_119, %arg1 : i32
      %mul3A_121 = arith.constant 400 : i32
      %mul3A_122 = arith.muli %add3A_120, %mul3A_121 : i32
      %add3A_123 = arith.addi %mul3A_117, %mul3A_122 : i32
      %multiple_of3A_124 = tpu.assume_multiple %add3A_123, 8 : i32
      "tpu.region"() ({
        %run_scoped3A = tpu.sem_alloc : memref<!tpu.dma_semaphore, #tpu.memory_space<semaphore_mem>>
        %dma_start3A_126 = arith.constant 0 : i32
        %dma_start3A_127 = tpu.memref_slice %arg5[%multiple_of3A_124, %dma_start3A_126] : memref<20000x128xf32, #tpu.memory_space<hbm>> -> memref<400x128xf32, #tpu.memory_space<hbm>>
        %dma_start3A_128 = arith.constant 0 : i32
        %dma_start3A_129 = tpu.memref_slice %arg15[%multiple_of3A_115, %dma_start3A_128] : memref<10000x128xf32, #tpu.memory_space<vmem_shared>> -> memref<400x128xf32, #tpu.memory_space<vmem_shared>>
        tpu.enqueue_dma source(%dma_start3A_129 : memref<400x128xf32, #tpu.memory_space<vmem_shared>>) target(%dma_start3A_127 : memref<400x128xf32, #tpu.memory_space<hbm>>) target_semaphore(%run_scoped3A : memref<!tpu.dma_semaphore, #tpu.memory_space<semaphore_mem>>)
        %dma_wait3A_130 = arith.constant 0 : i32
        %dma_wait3A_131 = tpu.memref_slice %arg5[%multiple_of3A_124, %dma_wait3A_130] : memref<20000x128xf32, #tpu.memory_space<hbm>> -> memref<400x128xf32, #tpu.memory_space<hbm>>
        %dma_wait3A_132 = arith.constant 0 : i32
        %dma_wait3A_133 = tpu.memref_slice %arg15[%multiple_of3A_115, %dma_wait3A_132] : memref<10000x128xf32, #tpu.memory_space<vmem_shared>> -> memref<400x128xf32, #tpu.memory_space<vmem_shared>>
        tpu.wait_dma2 semaphore(%run_scoped3A : memref<!tpu.dma_semaphore, #tpu.memory_space<semaphore_mem>>) src(%dma_wait3A_133 : memref<400x128xf32, #tpu.memory_space<vmem_shared>>) dst(%dma_wait3A_131 : memref<400x128xf32, #tpu.memory_space<hbm>>)
        tpu.yield
      }) : () -> ()
      %while3A_125 = arith.constant 0 : i32
      scf.yield %while3A_125 : i32
    }
    %while3A_106 = arith.constant 1 : i32
    %while3A_107 = scf.for %while3A_108 = %while3A_103 to %while3A_99 step %while3A_106 iter_args(%while3A_109 = %while3A_105) -> (i32)  : i32 {
      %mul3A_110 = arith.constant 16 : i32
      %mul3A_111 = arith.muli %while3A_108, %mul3A_110 : i32
      %add3A_112 = arith.addi %mul3A_111, %arg1 : i32
      %mul3A_113 = arith.constant 400 : i32
      %mul3A_114 = arith.muli %add3A_112, %mul3A_113 : i32
      %multiple_of3A_115 = tpu.assume_multiple %mul3A_114, 8 : i32
      %mul3A_116 = arith.constant 10000 : i32
      %mul3A_117 = arith.muli %arg0, %mul3A_116 : i32
      %mul3A_118 = arith.constant 16 : i32
      %mul3A_119 = arith.muli %while3A_108, %mul3A_118 : i32
      %add3A_120 = arith.addi %mul3A_119, %arg1 : i32
      %mul3A_121 = arith.constant 400 : i32
      %mul3A_122 = arith.muli %add3A_120, %mul3A_121 : i32
      %add3A_123 = arith.addi %mul3A_117, %mul3A_122 : i32
      %multiple_of3A_124 = tpu.assume_multiple %add3A_123, 8 : i32
      "tpu.region"() ({
        %run_scoped3A = tpu.sem_alloc : memref<!tpu.dma_semaphore, #tpu.memory_space<semaphore_mem>>
        %dma_start3A_126 = arith.constant 0 : i32
        %dma_start3A_127 = tpu.memref_slice %arg5[%multiple_of3A_124, %dma_start3A_126] : memref<20000x128xf32, #tpu.memory_space<hbm>> -> memref<400x128xf32, #tpu.memory_space<hbm>>
        %dma_start3A_128 = arith.constant 0 : i32
        %dma_start3A_129 = tpu.memref_slice %arg15[%multiple_of3A_115, %dma_start3A_128] : memref<10000x128xf32, #tpu.memory_space<vmem_shared>> -> memref<400x128xf32, #tpu.memory_space<vmem_shared>>
        tpu.enqueue_dma source(%dma_start3A_129 : memref<400x128xf32, #tpu.memory_space<vmem_shared>>) target(%dma_start3A_127 : memref<400x128xf32, #tpu.memory_space<hbm>>) target_semaphore(%run_scoped3A : memref<!tpu.dma_semaphore, #tpu.memory_space<semaphore_mem>>)
        %dma_wait3A_130 = arith.constant 0 : i32
        %dma_wait3A_131 = tpu.memref_slice %arg5[%multiple_of3A_124, %dma_wait3A_130] : memref<20000x128xf32, #tpu.memory_space<hbm>> -> memref<400x128xf32, #tpu.memory_space<hbm>>
        %dma_wait3A_132 = arith.constant 0 : i32
        %dma_wait3A_133 = tpu.memref_slice %arg15[%multiple_of3A_115, %dma_wait3A_132] : memref<10000x128xf32, #tpu.memory_space<vmem_shared>> -> memref<400x128xf32, #tpu.memory_space<vmem_shared>>
        tpu.wait_dma2 semaphore(%run_scoped3A : memref<!tpu.dma_semaphore, #tpu.memory_space<semaphore_mem>>) src(%dma_wait3A_133 : memref<400x128xf32, #tpu.memory_space<vmem_shared>>) dst(%dma_wait3A_131 : memref<400x128xf32, #tpu.memory_space<hbm>>)
        tpu.yield
      }) : () -> ()
      %while3A_125 = arith.constant 0 : i32
      scf.yield %while3A_125 : i32
    }
    return
  }
}

module attributes {stable_mosaic.version = 14 : i64} {
  func.func @_tca_body(%arg0: i32, %arg1: memref<1000x256xf32, #tpu.memory_space<vmem>>, %arg2: memref<256x256xf32, #tpu.memory_space<vmem>>, %arg3: memref<2x1000x128xf32, #tpu.memory_space<vmem>>, %arg4: memref<2x1000x128xf32, #tpu.memory_space<vmem>>, %arg5: memref<1000x128xf32, #tpu.memory_space<vmem>>) attributes {dimension_semantics = [#tpu.dimension_semantics<arbitrary>], iteration_bounds = array<i64: 10>, scalar_prefetch = 0 : i64, scratch_operands = 0 : i64, tpu.core_type = #tpu.core_type<tc>, window_params = [{transform_indices = @transform_0, window_bounds = array<i64: 1000, 256>}, {pipeline_mode = #tpu.pipeline_mode<synchronous>, transform_indices = @transform_1, window_bounds = array<i64: 256, 256>}, {transform_indices = @transform_2, window_bounds = array<i64: 2, 1000, 128>}, {transform_indices = @transform_3, window_bounds = array<i64: 2, 1000, 128>}, {transform_indices = @transform_4, window_bounds = array<i64: 1000, 128>}]} {
    %get3A = arith.constant 0 : index
    %get3A_0 = arith.constant 0 : index
    %get3A_1 = vector.load %arg1[%get3A, %get3A_0] : memref<1000x256xf32, #tpu.memory_space<vmem>>, vector<1000x256xf32>
    %get3A_2 = arith.constant 0 : index
    %get3A_3 = arith.constant 0 : index
    %get3A_4 = vector.load %arg2[%get3A_2, %get3A_3] : memref<256x256xf32, #tpu.memory_space<vmem>>, vector<256x256xf32>
    %dot_general3A = arith.constant dense<0.000000e+00> : vector<1000x256xf32>
    %dot_general3A_5 = tpu.matmul %get3A_1, %get3A_4, %dot_general3A {dimension_numbers = #tpu.dot_dimension_numbers<[1], [0], [0], [1], [0, 0, 1, 1], [], []>, transpose_lhs_hint = false} : vector<1000x256xf32>, vector<256x256xf32>, vector<1000x256xf32> -> vector<1000x256xf32>
    %get3A_6 = arith.constant 0 : index
    %get3A_7 = arith.constant 0 : index
    %get3A_8 = arith.constant 0 : index
    %get3A_9 = vector.load %arg3[%get3A_6, %get3A_7, %get3A_8] : memref<2x1000x128xf32, #tpu.memory_space<vmem>>, vector<2x1000x128xf32>
    %slice3A = vector.extract_strided_slice %get3A_9 {offsets = [0, 0, 0], sizes = [1, 1000, 1], strides = [1, 1, 1]} : vector<2x1000x128xf32> to vector<1x1000x1xf32>
    %squeeze3A = vector.shape_cast %slice3A : vector<1x1000x1xf32> to vector<1000xf32>
    %slice3A_10 = vector.extract_strided_slice %get3A_9 {offsets = [1, 0, 0], sizes = [1, 1000, 1], strides = [1, 1, 1]} : vector<2x1000x128xf32> to vector<1x1000x1xf32>
    %squeeze3A_11 = vector.shape_cast %slice3A_10 : vector<1x1000x1xf32> to vector<1000xf32>
    %add3A = arith.addf %squeeze3A, %squeeze3A_11 : vector<1000xf32>
    %add3A_12 = arith.constant 1.000000e+00 : f32
    %add3A_13 = vector.broadcast %add3A_12 : f32 to vector<1000xf32>
    %add3A_14 = arith.addf %add3A, %add3A_13 : vector<1000xf32>
    %rsqrt3A = math.rsqrt %add3A_14 : vector<1000xf32>
    %broadcast_in_dim3A = vector.shape_cast %rsqrt3A : vector<1000xf32> to vector<1000x1xf32>
    %mul3A = vector.broadcast %broadcast_in_dim3A : vector<1000x1xf32> to vector<1000x256xf32>
    %mul3A_15 = arith.mulf %dot_general3A_5, %mul3A : vector<1000x256xf32>
    %slice3A_16 = vector.extract_strided_slice %mul3A_15 {offsets = [0, 0], sizes = [1000, 128], strides = [1, 1]} : vector<1000x256xf32> to vector<1000x128xf32>
    %swap3A = arith.constant 0 : index
    %swap3A_17 = arith.constant 0 : index
    %swap3A_18 = arith.constant 0 : index
    %swap3A_19 = vector.load %arg4[%swap3A, %swap3A_17, %swap3A_18] : memref<2x1000x128xf32, #tpu.memory_space<vmem>>, vector<1x1000x128xf32>
    %swap3A_20 = vector.shape_cast %swap3A_19 : vector<1x1000x128xf32> to vector<1000x128xf32>
    %swap3A_21 = vector.shape_cast %slice3A_16 : vector<1000x128xf32> to vector<1x1000x128xf32>
    tpu.vector_store %arg4[%swap3A, %swap3A_17, %swap3A_18], %swap3A_21 {strides = array<i32>} : memref<2x1000x128xf32, #tpu.memory_space<vmem>>, vector<1x1000x128xf32>,
    %slice3A_22 = vector.extract_strided_slice %mul3A_15 {offsets = [0, 128], sizes = [1000, 128], strides = [1, 1]} : vector<1000x256xf32> to vector<1000x128xf32>
    %swap3A_23 = arith.constant 1 : index
    %swap3A_24 = arith.constant 0 : index
    %swap3A_25 = arith.constant 0 : index
    %swap3A_26 = vector.load %arg4[%swap3A_23, %swap3A_24, %swap3A_25] : memref<2x1000x128xf32, #tpu.memory_space<vmem>>, vector<1x1000x128xf32>
    %swap3A_27 = vector.shape_cast %swap3A_26 : vector<1x1000x128xf32> to vector<1000x128xf32>
    %swap3A_28 = vector.shape_cast %slice3A_22 : vector<1000x128xf32> to vector<1x1000x128xf32>
    tpu.vector_store %arg4[%swap3A_23, %swap3A_24, %swap3A_25], %swap3A_28 {strides = array<i32>} : memref<2x1000x128xf32, #tpu.memory_space<vmem>>, vector<1x1000x128xf32>,
    %broadcast_in_dim3A_29 = vector.shape_cast %broadcast_in_dim3A : vector<1000x1xf32> to vector<1000x1xf32>
    %broadcast_in_dim3A_30 = vector.broadcast %broadcast_in_dim3A_29 : vector<1000x1xf32> to vector<1000x128xf32>
    %swap3A_31 = arith.constant 0 : index
    %swap3A_32 = arith.constant 0 : index
    %swap3A_33 = vector.load %arg5[%swap3A_31, %swap3A_32] : memref<1000x128xf32, #tpu.memory_space<vmem>>, vector<1000x128xf32>
    tpu.vector_store %arg5[%swap3A_31, %swap3A_32], %broadcast_in_dim3A_30 {strides = array<i32>} : memref<1000x128xf32, #tpu.memory_space<vmem>>, vector<1000x128xf32>,
    return
  }
  func.func @transform_0(%arg0: i32) -> (i32, i32) {
    %c0_i32 = arith.constant 0 : i32
    %c0_i32_0 = arith.constant 0 : i32
    return %arg0, %c0_i32 : i32, i32
  }
  func.func @transform_1(%arg0: i32) -> (i32, i32) {
    %c0_i32 = arith.constant 0 : i32
    %c0_i32_0 = arith.constant 0 : i32
    %c0_i32_1 = arith.constant 0 : i32
    return %c0_i32, %c0_i32_0 : i32, i32
  }
  func.func @transform_2(%arg0: i32) -> (i32, i32, i32) {
    %c0_i32 = arith.constant 0 : i32
    %c0_i32_0 = arith.constant 0 : i32
    %c0_i32_1 = arith.constant 0 : i32
    return %c0_i32, %arg0, %c0_i32_0 : i32, i32, i32
  }
  func.func @transform_3(%arg0: i32) -> (i32, i32, i32) {
    %c0_i32 = arith.constant 0 : i32
    %c0_i32_0 = arith.constant 0 : i32
    %c0_i32_1 = arith.constant 0 : i32
    return %c0_i32, %arg0, %c0_i32_0 : i32, i32, i32
  }
  func.func @transform_4(%arg0: i32) -> (i32, i32) {
    %c0_i32 = arith.constant 0 : i32
    %c0_i32_0 = arith.constant 0 : i32
    return %arg0, %c0_i32 : i32, i32
  }
}

module attributes {stable_mosaic.version = 14 : i64} {
  func.func @_tcb_body(%arg0: i32, %arg1: memref<2x1000x128xf32, #tpu.memory_space<vmem>>, %arg2: memref<2x1000x128xf32, #tpu.memory_space<vmem>>, %arg3: memref<1000x128xf32, #tpu.memory_space<vmem>>, %arg4: memref<256x256xf32, #tpu.memory_space<vmem>>, %arg5: memref<1x256xf32, #tpu.memory_space<vmem>>, %arg6: memref<2x1000x128xf32, #tpu.memory_space<vmem>>) attributes {dimension_semantics = [#tpu.dimension_semantics<arbitrary>], iteration_bounds = array<i64: 10>, scalar_prefetch = 0 : i64, scratch_operands = 0 : i64, tpu.core_type = #tpu.core_type<tc>, window_params = [{transform_indices = @transform_0, window_bounds = array<i64: 2, 1000, 128>}, {transform_indices = @transform_1, window_bounds = array<i64: 2, 1000, 128>}, {transform_indices = @transform_2, window_bounds = array<i64: 1000, 128>}, {pipeline_mode = #tpu.pipeline_mode<synchronous>, transform_indices = @transform_3, window_bounds = array<i64: 256, 256>}, {pipeline_mode = #tpu.pipeline_mode<synchronous>, transform_indices = @transform_4, window_bounds = array<i64: 1, 256>}, {transform_indices = @transform_5, window_bounds = array<i64: 2, 1000, 128>}]} {
    %get3A = arith.constant 0 : index
    %get3A_0 = arith.constant 0 : index
    %get3A_1 = arith.constant 0 : index
    %get3A_2 = vector.load %arg1[%get3A, %get3A_0, %get3A_1] : memref<2x1000x128xf32, #tpu.memory_space<vmem>>, vector<1x1000x128xf32>
    %get3A_3 = vector.shape_cast %get3A_2 : vector<1x1000x128xf32> to vector<1000x128xf32>
    %get3A_4 = arith.constant 0 : index
    %get3A_5 = arith.constant 0 : index
    %get3A_6 = arith.constant 0 : index
    %get3A_7 = vector.load %arg2[%get3A_4, %get3A_5, %get3A_6] : memref<2x1000x128xf32, #tpu.memory_space<vmem>>, vector<1x1000x128xf32>
    %get3A_8 = vector.shape_cast %get3A_7 : vector<1x1000x128xf32> to vector<1000x128xf32>
    %add3A = arith.addf %get3A_3, %get3A_8 : vector<1000x128xf32>
    %get3A_9 = arith.constant 1 : index
    %get3A_10 = arith.constant 0 : index
    %get3A_11 = arith.constant 0 : index
    %get3A_12 = vector.load %arg1[%get3A_9, %get3A_10, %get3A_11] : memref<2x1000x128xf32, #tpu.memory_space<vmem>>, vector<1x1000x128xf32>
    %get3A_13 = vector.shape_cast %get3A_12 : vector<1x1000x128xf32> to vector<1000x128xf32>
    %get3A_14 = arith.constant 1 : index
    %get3A_15 = arith.constant 0 : index
    %get3A_16 = arith.constant 0 : index
    %get3A_17 = vector.load %arg2[%get3A_14, %get3A_15, %get3A_16] : memref<2x1000x128xf32, #tpu.memory_space<vmem>>, vector<1x1000x128xf32>
    %get3A_18 = vector.shape_cast %get3A_17 : vector<1x1000x128xf32> to vector<1000x128xf32>
    %add3A_19 = arith.addf %get3A_13, %get3A_18 : vector<1000x128xf32>
    %concatenate3A = tpu.concatenate %add3A, %add3A_19 in 1 : vector<1000x128xf32>, vector<1000x128xf32> -> vector<1000x256xf32>
    %get3A_20 = arith.constant 0 : index
    %get3A_21 = arith.constant 0 : index
    %get3A_22 = vector.load %arg3[%get3A_20, %get3A_21] : memref<1000x128xf32, #tpu.memory_space<vmem>>, vector<1000x1xf32>
    %mul3A = vector.broadcast %get3A_22 : vector<1000x1xf32> to vector<1000x256xf32>
    %mul3A_23 = arith.mulf %concatenate3A, %mul3A : vector<1000x256xf32>
    %get3A_24 = arith.constant 0 : index
    %get3A_25 = arith.constant 0 : index
    %get3A_26 = vector.load %arg5[%get3A_24, %get3A_25] : memref<1x256xf32, #tpu.memory_space<vmem>>, vector<1x256xf32>
    %add3A_27 = vector.broadcast %get3A_26 : vector<1x256xf32> to vector<1000x256xf32>
    %add3A_28 = arith.addf %mul3A_23, %add3A_27 : vector<1000x256xf32>
    %max3A = arith.constant 0.000000e+00 : f32
    %max3A_29 = vector.broadcast %max3A : f32 to vector<1000x256xf32>
    %max3A_30 = arith.maximumf %add3A_28, %max3A_29 : vector<1000x256xf32>
    %get3A_31 = arith.constant 0 : index
    %get3A_32 = arith.constant 0 : index
    %get3A_33 = vector.load %arg4[%get3A_31, %get3A_32] : memref<256x256xf32, #tpu.memory_space<vmem>>, vector<256x256xf32>
    %dot_general3A = arith.constant dense<0.000000e+00> : vector<1000x256xf32>
    %dot_general3A_34 = tpu.matmul %max3A_30, %get3A_33, %dot_general3A {dimension_numbers = #tpu.dot_dimension_numbers<[1], [0], [0], [1], [0, 0, 1, 1], [], []>, transpose_lhs_hint = false} : vector<1000x256xf32>, vector<256x256xf32>, vector<1000x256xf32> -> vector<1000x256xf32>
    %mul3A_35 = vector.broadcast %get3A_22 : vector<1000x1xf32> to vector<1000x256xf32>
    %mul3A_36 = arith.mulf %dot_general3A_34, %mul3A_35 : vector<1000x256xf32>
    %slice3A = vector.extract_strided_slice %mul3A_36 {offsets = [0, 0], sizes = [1000, 128], strides = [1, 1]} : vector<1000x256xf32> to vector<1000x128xf32>
    %swap3A = arith.constant 0 : index
    %swap3A_37 = arith.constant 0 : index
    %swap3A_38 = arith.constant 0 : index
    %swap3A_39 = vector.load %arg6[%swap3A, %swap3A_37, %swap3A_38] : memref<2x1000x128xf32, #tpu.memory_space<vmem>>, vector<1x1000x128xf32>
    %swap3A_40 = vector.shape_cast %swap3A_39 : vector<1x1000x128xf32> to vector<1000x128xf32>
    %swap3A_41 = vector.shape_cast %slice3A : vector<1000x128xf32> to vector<1x1000x128xf32>
    tpu.vector_store %arg6[%swap3A, %swap3A_37, %swap3A_38], %swap3A_41 {strides = array<i32>} : memref<2x1000x128xf32, #tpu.memory_space<vmem>>, vector<1x1000x128xf32>,
    %slice3A_42 = vector.extract_strided_slice %mul3A_36 {offsets = [0, 128], sizes = [1000, 128], strides = [1, 1]} : vector<1000x256xf32> to vector<1000x128xf32>
    %swap3A_43 = arith.constant 1 : index
    %swap3A_44 = arith.constant 0 : index
    %swap3A_45 = arith.constant 0 : index
    %swap3A_46 = vector.load %arg6[%swap3A_43, %swap3A_44, %swap3A_45] : memref<2x1000x128xf32, #tpu.memory_space<vmem>>, vector<1x1000x128xf32>
    %swap3A_47 = vector.shape_cast %swap3A_46 : vector<1x1000x128xf32> to vector<1000x128xf32>
    %swap3A_48 = vector.shape_cast %slice3A_42 : vector<1000x128xf32> to vector<1x1000x128xf32>
    tpu.vector_store %arg6[%swap3A_43, %swap3A_44, %swap3A_45], %swap3A_48 {strides = array<i32>} : memref<2x1000x128xf32, #tpu.memory_space<vmem>>, vector<1x1000x128xf32>,
    return
  }
  func.func @transform_0(%arg0: i32) -> (i32, i32, i32) {
    %c0_i32 = arith.constant 0 : i32
    %c0_i32_0 = arith.constant 0 : i32
    %c0_i32_1 = arith.constant 0 : i32
    return %c0_i32, %arg0, %c0_i32_0 : i32, i32, i32
  }
  func.func @transform_1(%arg0: i32) -> (i32, i32, i32) {
    %c0_i32 = arith.constant 0 : i32
    %c0_i32_0 = arith.constant 0 : i32
    %c0_i32_1 = arith.constant 0 : i32
    return %c0_i32, %arg0, %c0_i32_0 : i32, i32, i32
  }
  func.func @transform_2(%arg0: i32) -> (i32, i32) {
    %c0_i32 = arith.constant 0 : i32
    %c0_i32_0 = arith.constant 0 : i32
    return %arg0, %c0_i32 : i32, i32
  }
  func.func @transform_3(%arg0: i32) -> (i32, i32) {
    %c0_i32 = arith.constant 0 : i32
    %c0_i32_0 = arith.constant 0 : i32
    %c0_i32_1 = arith.constant 0 : i32
    return %c0_i32, %c0_i32_0 : i32, i32
  }
  func.func @transform_4(%arg0: i32) -> (i32, i32) {
    %c0_i32 = arith.constant 0 : i32
    %c0_i32_0 = arith.constant 0 : i32
    %c0_i32_1 = arith.constant 0 : i32
    return %c0_i32, %c0_i32_0 : i32, i32
  }
  func.func @transform_5(%arg0: i32) -> (i32, i32, i32) {
    %c0_i32 = arith.constant 0 : i32
    %c0_i32_0 = arith.constant 0 : i32
    %c0_i32_1 = arith.constant 0 : i32
    return %c0_i32, %arg0, %c0_i32_0 : i32, i32, i32
  }
}

module attributes {stable_mosaic.version = 14 : i64} {
  func.func @_tcc_body(%arg0: i32, %arg1: memref<2x1000x128xf32, #tpu.memory_space<vmem>>, %arg2: memref<2x1000x128xf32, #tpu.memory_space<vmem>>, %arg3: memref<1000x128xf32, #tpu.memory_space<vmem>>, %arg4: memref<1x256xf32, #tpu.memory_space<vmem>>, %arg5: memref<1000x256xf32, #tpu.memory_space<vmem>>) attributes {dimension_semantics = [#tpu.dimension_semantics<arbitrary>], iteration_bounds = array<i64: 10>, scalar_prefetch = 0 : i64, scratch_operands = 0 : i64, tpu.core_type = #tpu.core_type<tc>, window_params = [{transform_indices = @transform_0, window_bounds = array<i64: 2, 1000, 128>}, {transform_indices = @transform_1, window_bounds = array<i64: 2, 1000, 128>}, {transform_indices = @transform_2, window_bounds = array<i64: 1000, 128>}, {pipeline_mode = #tpu.pipeline_mode<synchronous>, transform_indices = @transform_3, window_bounds = array<i64: 1, 256>}, {transform_indices = @transform_4, window_bounds = array<i64: 1000, 256>}]} {
    %get3A = arith.constant 0 : index
    %get3A_0 = arith.constant 0 : index
    %get3A_1 = arith.constant 0 : index
    %get3A_2 = vector.load %arg1[%get3A, %get3A_0, %get3A_1] : memref<2x1000x128xf32, #tpu.memory_space<vmem>>, vector<1x1000x128xf32>
    %get3A_3 = vector.shape_cast %get3A_2 : vector<1x1000x128xf32> to vector<1000x128xf32>
    %get3A_4 = arith.constant 0 : index
    %get3A_5 = arith.constant 0 : index
    %get3A_6 = arith.constant 0 : index
    %get3A_7 = vector.load %arg2[%get3A_4, %get3A_5, %get3A_6] : memref<2x1000x128xf32, #tpu.memory_space<vmem>>, vector<1x1000x128xf32>
    %get3A_8 = vector.shape_cast %get3A_7 : vector<1x1000x128xf32> to vector<1000x128xf32>
    %add3A = arith.addf %get3A_3, %get3A_8 : vector<1000x128xf32>
    %get3A_9 = arith.constant 1 : index
    %get3A_10 = arith.constant 0 : index
    %get3A_11 = arith.constant 0 : index
    %get3A_12 = vector.load %arg1[%get3A_9, %get3A_10, %get3A_11] : memref<2x1000x128xf32, #tpu.memory_space<vmem>>, vector<1x1000x128xf32>
    %get3A_13 = vector.shape_cast %get3A_12 : vector<1x1000x128xf32> to vector<1000x128xf32>
    %get3A_14 = arith.constant 1 : index
    %get3A_15 = arith.constant 0 : index
    %get3A_16 = arith.constant 0 : index
    %get3A_17 = vector.load %arg2[%get3A_14, %get3A_15, %get3A_16] : memref<2x1000x128xf32, #tpu.memory_space<vmem>>, vector<1x1000x128xf32>
    %get3A_18 = vector.shape_cast %get3A_17 : vector<1x1000x128xf32> to vector<1000x128xf32>
    %add3A_19 = arith.addf %get3A_13, %get3A_18 : vector<1000x128xf32>
    %concatenate3A = tpu.concatenate %add3A, %add3A_19 in 1 : vector<1000x128xf32>, vector<1000x128xf32> -> vector<1000x256xf32>
    %get3A_20 = arith.constant 0 : index
    %get3A_21 = arith.constant 0 : index
    %get3A_22 = vector.load %arg3[%get3A_20, %get3A_21] : memref<1000x128xf32, #tpu.memory_space<vmem>>, vector<1000x1xf32>
    %mul3A = vector.broadcast %get3A_22 : vector<1000x1xf32> to vector<1000x256xf32>
    %mul3A_23 = arith.mulf %concatenate3A, %mul3A : vector<1000x256xf32>
    %get3A_24 = arith.constant 0 : index
    %get3A_25 = arith.constant 0 : index
    %get3A_26 = vector.load %arg4[%get3A_24, %get3A_25] : memref<1x256xf32, #tpu.memory_space<vmem>>, vector<1x256xf32>
    %add3A_27 = vector.broadcast %get3A_26 : vector<1x256xf32> to vector<1000x256xf32>
    %add3A_28 = arith.addf %mul3A_23, %add3A_27 : vector<1000x256xf32>
    %swap3A = arith.constant 0 : index
    %swap3A_29 = arith.constant 0 : index
    %swap3A_30 = vector.load %arg5[%swap3A, %swap3A_29] : memref<1000x256xf32, #tpu.memory_space<vmem>>, vector<1000x256xf32>
    tpu.vector_store %arg5[%swap3A, %swap3A_29], %add3A_28 {strides = array<i32>} : memref<1000x256xf32, #tpu.memory_space<vmem>>, vector<1000x256xf32>,
    return
  }
  func.func @transform_0(%arg0: i32) -> (i32, i32, i32) {
    %c0_i32 = arith.constant 0 : i32
    %c0_i32_0 = arith.constant 0 : i32
    %c0_i32_1 = arith.constant 0 : i32
    return %c0_i32, %arg0, %c0_i32_0 : i32, i32, i32
  }
  func.func @transform_1(%arg0: i32) -> (i32, i32, i32) {
    %c0_i32 = arith.constant 0 : i32
    %c0_i32_0 = arith.constant 0 : i32
    %c0_i32_1 = arith.constant 0 : i32
    return %c0_i32, %arg0, %c0_i32_0 : i32, i32, i32
  }
  func.func @transform_2(%arg0: i32) -> (i32, i32) {
    %c0_i32 = arith.constant 0 : i32
    %c0_i32_0 = arith.constant 0 : i32
    return %arg0, %c0_i32 : i32, i32
  }
  func.func @transform_3(%arg0: i32) -> (i32, i32) {
    %c0_i32 = arith.constant 0 : i32
    %c0_i32_0 = arith.constant 0 : i32
    %c0_i32_1 = arith.constant 0 : i32
    return %c0_i32, %c0_i32_0 : i32, i32
  }
  func.func @transform_4(%arg0: i32) -> (i32, i32) {
    %c0_i32 = arith.constant 0 : i32
    %c0_i32_0 = arith.constant 0 : i32
    return %arg0, %c0_i32 : i32, i32
  }
}

</mosaic_0001>

<sc_bundles>
// kernel: kernel.11.cloned.1.call-start
scs
__scs_entry_jumppad:
0x0: {  	(pc) =	sbr.rel $0x88, $3  }
0x1: {  	(tag) =	ssettag $0x0;
	lr =	simm.s32 $0x1  }
0x2: {  	[smem:$0x3F9B] =	sst lr;
	_ =	strace $0xD0000000  }
0x3: {  	_ = 	snop  }
0x4: {  	_ = 	snop  }
0x5: {  	_ = 	snop  }
0x6: {  	_ = 	snop  }
0x7: {  	_ = 	snop  }
__scs_overlays_trampoline_lowered:
0x8: {  	[smem:$0x3FAA] =	sst s0  }
0x9: {  	[smem:$0x3FAB] =	sst s1  }
0xa: {  	[smem:$0x3FAC] =	sst s2  }
0xb: {  	[smem:$0x3FAD] =	sst s3  }
0xc: {  	[smem:$0x3FAE] =	sst s4  }
0xd: {  	[smem:$0x3FAF] =	sst s5  }
0xe: {  	[smem:$0x3FB0] =	sst s6  }
0xf: {  	[smem:$0x3FB1] =	sst s7  }
0x10: {  	[smem:$0x3FB2] =	sst s8  }
0x11: {  	[smem:$0x3FB3] =	sst s9;
	s0 =	simm.s32 @!p0 $0x0  }
0x12: {  	s1 =	sld [smem:$0x3F99];
	s0 =	simm.s32 @p0 $0x1  }
0x13: {  	[smem:$0x3FB4] =	sst s0;
	s0 =	simm.s32 @!p1 $0x0  }
0x14: {  	s2 =	sld [smem:$0x3F98];
	s0 =	simm.s32 @p1 $0x1  }
0x15: {  	[smem:$0x3FB5] =	sst s0;
	s0 =	simm.s32 @!p2 $0x0  }
0x16: {  	s3 =	sld [smem:$0x3FDB];
	s0 =	simm.s32 @p2 $0x1  }
0x17: {  	s4 =	simm.s32 $0x1BF5;
	[smem:$0x3FB7] =	sst s0  }
0x18: {  	s0 =	sld [smem:$0x3F9A];
	_ =	swait.ge [sflag:s4], $0x0  }
0x19: {  	s7 =	sld [smem:$0x3F9B]  }
0x1a: {  	s8 =	sadd.s32 $0xFFFFE003, lr  }
0x1b: {  	s9 =	sadd.s32 $0xFFFFFEF7, lr;
	s5 =	simm.s32 $0xFFFFFFFF;
	p2 =	slt.u32 s8, $0xFFFFF086  }
0x1c: {  	p1 =	slt.u32 s9, $0xF7A;
	s5 =	simm.s32 @!p2 $0x0  }
0x1d: {  	s5 =	simm.s32 @p1 $0x1;
	p0 =	seq.s32 s7, s2  }
0x1e: {  	s7 =	smul.u32 @!p0 $0xF7A, s2;
	p2 =	seq.s32 @!p0 s5, $0x0  }
0x1f: {  	s9 =	smul.u32 $0xF7A, s1;
	s8 =	simm.s32 @!p0 $0x1BF5;
	p2 =	por !p2, p0  }
0x20: {  	[sflag:s8] =	ssyncset.s32 @!p0 $0xFFFFF086;
	s6 =	sadd.s32 @!p0 s3, s7;
	s7 =	simm.s32 @!p0 $0x108  }
0x21: {  	s3 =	sadd.s32 s3, s9;
	s6 =	sadd.s32 @!p0 $0x88, s6;
	s7 =	simm.s32 @p2 $0x1082  }
0x22: {  	[simem:s7], [sflag:s8] =	dma.local @!p0 [hbm:s6], $0xF7A  }
0x23: {  	s9 =	sor.u32 $0xD0000000, s2;
	s6 =	simm.s32 $0x108;
	_ =	swait.ge @!p0 [sflag:s8], $0x0  }
0x24: {  	s3 =	sadd.s32 $0x88, s3;
	s6 =	simm.s32 @!p1 $0x1082;
	[sflag:s4] =	ssyncset.s32 $0xFFFFF086  }
0x25: {  	[simem:s6], [sflag:s4] =	dma.local [hbm:s3], $0xF7A  }
0x26: {  	[smem:$0x3F9B] =	sst s1;
	(tag) =	ssettag s2;
	_ =	strace s9  }
0x27: {  	s1 =	sld [smem:$0x3FAB]  }
0x28: {  	s2 =	sld [smem:$0x3FAC]  }
0x29: {  	s4 =	sld [smem:$0x3FAE]  }
0x2a: {  	p0 =	seq.s32 s5, $0x0;
	s5 =	sld [smem:$0x3FAF]  }
0x2b: {  	s6 =	sld [smem:$0x3FB0]  }
0x2c: {  	s7 =	sld [smem:$0x3FB1]  }
0x2d: {  	s3 =	simm.s32 $0x108;
	s8 =	sld [smem:$0x3FB2]  }
0x2e: {  	s3 =	simm.s32 @!p0 $0x1082;
	s9 =	sld [smem:$0x3FB3]  }
0x2f: {  	lr =	sadd.s32 s0, s3;
	s0 =	sld [smem:$0x3FAA]  }
0x30: {  	s3 =	sld [smem:$0x3FAD]  }
0x31: {  	[smem:$0x3FB6] =	sst s10  }
0x32: {  	s10 =	sld [smem:$0x3FB4];
	_ =	sdelay $0x3  }
0x33: {  	p0 =	seq.s32 s10, $0x1;
	s10 =	sld [smem:$0x3FB6];
	_ =	sdelay $0x3  }
0x34: {  	[smem:$0x3FB6] =	sst s10  }
0x35: {  	s10 =	sld [smem:$0x3FB5];
	_ =	sdelay $0x3  }
0x36: {  	p1 =	seq.s32 s10, $0x1;
	s10 =	sld [smem:$0x3FB6];
	_ =	sdelay $0x3  }
0x37: {  	[smem:$0x3FB6] =	sst s10  }
0x38: {  	s10 =	sld [smem:$0x3FB7]  }
0x39: {  	_ = 	snop;
	(pc) =	sbr.ind lr, $3  }
0x3a: {  	_ = 	snop  }
0x3b: {  	_ = 	snop  }
0x3c: {  	p2 =	seq.s32 s10, $0x1;
	s10 =	sld [smem:$0x3FB6]  }
0x3d: {  	_ =	shalt  }
0x3e: {  	_ =	shalt  }
0x3f: {  	_ =	shalt  }
0x40: {  	_ =	shalt  }
0x41: {  	_ =	shalt  }
0x42: {  	_ =	shalt  }
0x43: {  	_ =	shalt  }
0x44: {  	_ =	shalt  }
0x45: {  	_ =	shalt  }
0x46: {  	_ =	shalt  }
0x47: {  	_ =	shalt  }
0x48: {  	_ =	shalt  }
0x49: {  	_ =	shalt  }
0x4a: {  	_ =	shalt  }
0x4b: {  	_ =	shalt  }
0x4c: {  	_ =	shalt  }
0x4d: {  	_ =	shalt  }
0x4e: {  	_ =	shalt  }
0x4f: {  	_ =	shalt  }
0x50: {  	_ =	shalt  }
0x51: {  	_ =	shalt  }
0x52: {  	_ =	shalt  }
0x53: {  	_ =	shalt  }
0x54: {  	_ =	shalt  }
0x55: {  	_ =	shalt  }
0x56: {  	_ =	shalt  }
0x57: {  	_ =	shalt  }
0x58: {  	_ =	shalt  }
0x59: {  	_ =	shalt  }
0x5a: {  	_ =	shalt  }
0x5b: {  	_ =	shalt  }
0x5c: {  	_ =	shalt  }
0x5d: {  	_ =	shalt  }
0x5e: {  	_ =	shalt  }
0x5f: {  	_ =	shalt  }
0x60: {  	_ =	shalt  }
0x61: {  	_ =	shalt  }
0x62: {  	_ =	shalt  }
0x63: {  	_ =	shalt  }
0x64: {  	_ =	shalt  }
0x65: {  	_ =	shalt  }
0x66: {  	_ =	shalt  }
0x67: {  	_ =	shalt  }
0x68: {  	_ =	shalt  }
0x69: {  	_ =	shalt  }
0x6a: {  	_ =	shalt  }
0x6b: {  	_ =	shalt  }
0x6c: {  	_ =	shalt  }
0x6d: {  	_ =	shalt  }
0x6e: {  	_ =	shalt  }
0x6f: {  	_ =	shalt  }
0x70: {  	_ =	shalt  }
0x71: {  	_ =	shalt  }
0x72: {  	_ =	shalt  }
0x73: {  	_ =	shalt  }
0x74: {  	_ =	shalt  }
0x75: {  	_ =	shalt  }
0x76: {  	_ =	shalt  }
0x77: {  	_ =	shalt  }
0x78: {  	_ =	shalt  }
0x79: {  	_ =	shalt  }
0x7a: {  	_ =	shalt  }
0x7b: {  	_ =	shalt  }
0x7c: {  	_ =	shalt  }
0x7d: {  	_ =	shalt  }
0x7e: {  	_ =	shalt  }
0x7f: {  	_ =	shalt  }
0x80: {  	_ =	shalt  }
0x81: {  	_ =	shalt  }
0x82: {  	_ =	shalt  }
0x83: {  	_ =	shalt  }
0x84: {  	_ =	shalt  }
0x85: {  	_ =	shalt  }
0x86: {  	_ =	shalt  }
0x87: {  	_ =	shalt  }
.Lfunc_end0:
.L_simem_size_0:
called_computation.1_lowered:
.L_overlay_start_0:
0x88: {  	s2 =	sld [smem:$0x3FD9]  }
0x89: {  	s3 =	sld [smem:$0x3FFE];
	_ =	sdelay $0x1  }
0x8a: {  	s1 =	srdreg.scid  }
0x8b: {  	s0 =	sand.u32 $0x1, s1  }
0x8c: {  	s17 =	sshll.u32 s0, $0xA;
	s2 =	sadd.s32 s3, s2  }
0x8d: {  	s2 =	sadd.s32 s2, s17  }
0x8e: {  	[smem:$0x3FC2] =	sst s2  }
0x8f: {  	_ = 	snop  }
0x90: {  	s2 =	sld [smem:$0x3FD0];
	(tm) =	ssettm $0x1  }
0x91: {  	s18 =	sld [smem:$0x3FFB];
	_ =	sdelay $0x3  }
0x92: {  	_ =	strace s18  }
0x93: {  	s3 =	sld [smem:$0x3FFC];
	_ =	sdelay $0x3  }
0x94: {  	_ =	strace s3  }
0x95: {  	s3 =	sld [smem:$0x3FFD];
	_ =	sdelay $0x3  }
0x96: {  	_ =	strace s3  }
0x97: {  	_ =	strace $0x8FFFFFFF  }
0x98: {  	s19 =	sld [smem:$0x3FDB];
	_ =	sdelay $0x1  }
0x99: {  	s4 =	simm.s32 $_scs_section_size  }
0x9a: {  	s5 =	simm.s32 $_size__tile_overlayer_lowered;
	s6 =	simm.s32 $_tile_overlayer_lowered  }
0x9b: {  	s22 =	simm.s32 $0x1BFF;
	s21 =	sshll.u32 s6, $0x1;
	s3 =	sadd.s32 s4, s19  }
0x9c: {  	s7 =	simm.s32 $0x0;
	s20 =	sshll.u32 s5, $0x1;
	s5 =	sadd.s32 s21, s3  }
0x9d: {  	[timem:s7], [sflag:s22] =	dma.local [hbm:s5], s20  }
0x9e: {  	_ =	swait.ge [sflag:s22], s20  }
0x9f: {  	s4 =	ssub.s32 $0x0, s20;
	[sflag:s22] =	ssyncset.done $0x0  }
0xa0: {  	[sflag:s22] =	ssyncadd.s32 s4;
	_ =	sdelay $0x1  }
0xa1: {  	s23 =	simm.s32 $0x1B8B  }
0xa2: {  	_ =	swait.ge [sflag:s23], $0x1  }
0xa3: {  	[sflag:s23] =	ssyncset.done $0x0  }
0xa4: {  	s25 =	simm.s32 $0x1B8E;
	s24 =	sld [smem:$0x3FFE];
	[sflag:s23] =	ssyncadd.s32 $0xFFFFFFFF  }
0xa5: {  	s26 =	simm.s32 $execute0_lowered;
	[smem:$0x3FD2] =	sst s25  }
0xa6: {  	s5 =	sshll.u32 s26, $0x1;
	_ =	strace $0x80000049;
	[dreg:$0x1] =	wrdreg $0xFFFFFFFF  }
0xa7: {  	s28 =	simm.s32 $_size_execute0_lowered;
	s3 =	sadd.s32 s3, s5;
	[dreg:$0x0] =	wrdreg $0x0  }
0xa8: {  	s5 =	sshll.u32 s28, $0x1;
	[dreg:$0x2] =	wrdreg s3  }
0xa9: {  	[dreg:$0x3] =	wrdreg s5  }
0xaa: {  	[dreg:$0x4] =	wrdreg $0xC0  }
0xab: {  	_ =	task [dreg:s7], $0x5FFFF  }
0xac: {  	[dreg:$0x1] =	wrdreg $0xFFFFFFFF  }
0xad: {  	[dreg:$0x0] =	wrdreg $0x60  }
0xae: {  	[dreg:$0x2] =	wrdreg s2  }
0xaf: {  	[dreg:$0x3] =	wrdreg s24  }
0xb0: {  	[dreg:$0x4] =	wrdreg $0xC3000  }
0xb1: {  	[dreg:$0x5] =	wrdreg $0x9  }
0xb2: {  	_ =	task.clear_ibuf [dreg:s7], $0x6FFFF;
	_ =	strace $0x90000049  }
0xb3: {  	s29 =	simm.s32 $0x9;
	_ =	strace $0x8000004B  }
0xb4: {  	_ =	swait.ge [sflag:s29], $0x1  }
0xb5: {  	[sflag:s29] =	ssyncadd.s32 $0xFFFFFFFF  }
0xb6: {  	_ =	strace $0x9000004B  }
0xb7: {  	_ =	sfence  }
0xb8: {  	s30 =	sld [smem:$0x0];
	_ =	sdelay $0x2  }
0xb9: {  	s31 =	sshll.u32 s1, $0xD;
	s1 =	sshrl.u32 s1, $0x2  }
0xba: {  	s3 =	sand.u32 $0x4000, s31;
	s1 =	sadd.s32 s1, s30  }
0xbb: {  	s0 =	sor.u32 s3, s0;
	s1 =	sshll.u32 s1, $0x11  }
0xbc: {  	s0 =	sor.u32 s1, s0  }
0xbd: {  	s0 =	sadd.s32 $0x8F2B, s0  }
0xbe: {  	[sflag:s0] =	ssyncadd.remote.s32 $0x1  }
0xbf: {  	_ =	sfence.sel $0xFFFF  }
0xc0: {  	[dreg:$0x0] =	wrdreg $0xFFFFFFFF;
	(pc) =	sbr.abs _section_cstart, $3  }
0xc1: {  	[dreg:$0x1] =	wrdreg $0xFFFFFFFF  }
0xc2: {  	_ =	task.clear_ibuf [dreg:s7], $0x2FFFF;
	_ =	strace $0x9FFFFFFF  }
0xc3: {  	(tm) =	ssettm $0x7FFFFFFF  }
tec
execute0_lowered:
.L_overlay_start_1:
0x0: {  	(tag) =	ssettag $0x1  }
0x1: {  	s1 =	rddreg [dreg:$0x0]  }
0x2: {  	s0 =	rddreg [dreg:$0x1]  }
0x3: {  	s2 =	rddreg [dreg:$0x2];
	s3 =	simm.s32 $0x0  }
0x4: {  	s26 =	srdreg.scid;
	s22 =	stileid.u32;
	s6 =	simm.s32 $0x8  }
0x5: {  	s30 =	simm.s32 $0x4;
	s31 =	simm.s32 $0x5;
	[smem:$0x7FF] =	sst s3  }
0x6: {  	s4 =	sadd.s32 $0x6400, s0;
	s3 =	sand.u32 $0x1, s26;
	s5 =	sadd.s32 $0x1400, s0  }
0x7: {  	s0 =	sadd.s32 $0x10200, s0;
	p0 =	slt.u32 s22, $0xD;
	s18 =	smul.u32 $0x190, s22  }
0x8: {  	s9 =	sshll.u32 s22, $0x7;
	s13 =	sshll.u32 s22, $0x4;
	s19 =	smul.u32 $0x32000, s22  }
0x9: {  	s20 =	sor.u32 $0x10, s22;
	s26 =	smul.u32 $0xA000, s22;
	_ =	strace $0x8000004A  }
0xa: {  	s7 =	ssub.s32 $0x2, s3;
	s10 =	smul.u32 $0x27100, s3;
	s6 =	simm.s32 @!p0 $0x7  }
0xb: {  	p0 =	slt.u32 s22, $0x2;
	s28 =	sor.u32 $0x800, s9;
	s3 =	smul.u32 $0x2710, s3  }
0xc: {  	s15 =	sor.u32 $0x1000, s9;
	s23 =	smul.u32 $0x32000, s20;
	s8 =	sshrl.u32 s7, $0x1  }
0xd: {  	s8 =	ssub.s32 s7, s8;
	s11 =	sadd.s32 s9, s10;
	s7 =	simm.s32 $0x4F  }
0xe: {  	s14 =	sadd.s32 s10, s28;
	s9 =	sadd.s32 s5, s13;
	s10 =	sadd.s32 s10, s15  }
0xf: {  	s21 =	sadd.s32 s3, s18;
	s24 =	sshrl.u32 s23, $0x2;
	s23 =	simm.s32 $0x80  }
0x10: {  	s12 =	sshrl.u32 s11, $0x3;
	s7 =	simm.s32 @!p0 $0x4E;
	s29 =	sshrl.u32 s14, $0x3  }
0x11: {  	s10 =	sshrl.u32 s10, $0x3;
	s14 =	sshrl.u32 s15, $0x3;
	s8 =	smax.u32 s8, $0x1  }
0x12: {  	s25 =	sadd.s32 $0x2800, s11;
	s12 =	sadd.s32 s4, s12;
	[dreg:$0xe] =	wrdreg s8  }
0x13: {  	p0 =	sgt.u32 s22, $0x8;
	s13 =	sadd.s32 s4, s29;
	[dreg:$0x9] =	wrdreg s12  }
0x14: {  	s22 =	simm.s32 $0x0;
	s10 =	sadd.s32 s4, s10;
	[dreg:$0xa] =	wrdreg s13  }
0x15: {  	s15 =	sadd.s32 $0xFFFFFFFF, s7;
	s16 =	sadd.s32 $0xFFFFFFFD, s7;
	[dreg:$0xc] =	wrdreg s10  }
0x16: {  	s17 =	sadd.s32 $0xFFFFFFFC, s7;
	s8 =	sshll.u32 s21, $0x4;
	[dreg:$0x4] =	wrdreg s15  }
0x17: {  	s21 =	simm.s32 $0x7;
	s12 =	sshrl.u32 s28, $0x3;
	[dreg:$0x5] =	wrdreg s16  }
0x18: {  	[dreg:$0x7] =	wrdreg s17;
	s16 =	sadd.s32 s0, s8;
	s8 =	sadd.s32 s24, s2  }
0x19: {  	s28 =	sadd.s32 $0x2000, s11;
	s10 =	sshrl.u32 s26, $0x2;
	s12 =	sadd.s32 s5, s12  }
0x1a: {  	s5 =	sadd.s32 s5, s14;
	s14 =	sadd.s32 $0xFFFFFFFE, s7;
	[dreg:$0xb] =	wrdreg s12  }
0x1b: {  	[dreg:$0xd] =	wrdreg s5;
	s5 =	sshrl.u32 s19, $0x2;
	s12 =	smul.u32 $0x190, s20  }
0x1c: {  	s18 =	sadd.s32 s10, s2;
	s19 =	sadd.s32 s5, s2;
	s5 =	sshrl.u32 s25, $0x3  }
0x1d: {  	s20 =	simm.s32 $0x300;
	s3 =	sadd.s32 s3, s12;
	s5 =	sadd.s32 s5, s4  }
0x1e: {  	s12 =	sshrl.u32 s28, $0x3;
	s3 =	sshll.u32 s3, $0x4;
	[dreg:$0x8] =	wrdreg s5  }
0x1f: {  	s29 =	sadd.s32 s12, s4;
	s17 =	sadd.s32 s0, s3;
	s0 =	simm.s32 @!p0 $0x0  }
0x20: {  	s25 =	sshrl.u32 @!p0 s8, $0x3;
	[dreg:$0x6] =	wrdreg s29;
	s0 =	simm.s32 @p0 $0x1  }
0x21: {  	v0 =	vimm.f32 $0.0e+00;
	s24 =	sshrl.u32 s19, $0x3;
	s5 =	sadd.s32 $0x1800, s11;
	[smem:$0x7FD] =	sst s0  }
.LBB2_1:
0x22: {  	s3 =	simm.s32 $0x0  }
0x23: {  	s0 =	sand.u32 $0xFE00, s3  }
0x24: {  	s3 =	sand.u32 $0x70, s3;
	s8 =	sshrl.u32 s0, $0x2  }
0x25: {  	s0 =	simm.s32 $0x40;
	s8 =	sor.u32 s3, s8;
	s3 =	simm.s32 $0x0  }
.LBB2_2:
0x26: {  	p0 =	sne.s32 s0, $0x9FC0  }
0x27: {  	[tilespmem:s8+$0x300] =	vst v0;
	s3 =	sadd.s32 $0x10, s3;
	s8 =	smov.u32 s0;
	s0 =	sadd.s32 $0x40, s0  }
.Ltmp0:
0x28: {  	(pc) =	sbr.rel @p0 .LBB2_2-.Ltmp0, $4  }
0x29: {  	_ = 	snop  }
0x2a: {  	s8 =	sand.u32 $0xFE00, s8  }
0x2b: {  	s10 =	sand.u32 $0x70, s3;
	s8 =	sshrl.u32 s8, $0x2  }
0x2c: {  	s8 =	sor.u32 s10, s8  }
0x2d: {  	p0 =	sne.s32 s6, $0x1  }
.Ltmp1:
0x2e: {  	_ = 	snop;
	(pc) =	sbr.rel @!p0 .LBB2_5-.Ltmp1, $4  }
0x2f: {  	[tilespmem:s8+$0x300] =	vst v0  }
0x30: {  	[spmem:s18] =	stream.linear.scatter [tilespmem:s20], [sflag:$0x7], $0x2800, $0x38;
	[tilespmem:$0x1FB80] =	vst v63  }
0x31: {  	_ =	swait.ge [sflag:s21], $0x2800  }
0x32: {  	s0 =	sadd.s32 $0xFFFFFFFF, s6;
	s3 =	smov.u32 s18;
	[sflag:s21] =	ssyncset.done $0x0  }
.LBB2_4:
0x33: {  	p0 =	sne.s32 s0, $0x1;
	[sflag:s21] =	ssyncadd.s32 $0xFFFFD800;
	s3 =	sadd.s32 $0x28000, s3  }
.Ltmp2:
0x34: {  	s0 =	sadd.s32 $0xFFFFFFFF, s0;
	(pc) =	sbr.rel @p0 .LBB2_4-.Ltmp2, $4  }
0x35: {  	_ = 	snop  }
0x36: {  	[spmem:s3] =	stream.linear.scatter [tilespmem:s20], [sflag:$0x7], $0x2800, $0x38;
	[tilespmem:$0x1FB80] =	vst v63  }
0x37: {  	_ =	swait.ge [sflag:s21], $0x2800  }
0x38: {  	[sflag:s21] =	ssyncset.done $0x0  }
.LBB2_5:
0x39: {  	[sflag:s21] =	ssyncadd.s32 $0xFFFFD800  }
0x3a: {  	[bflag:$0x0] =	sbarrier.arrive $0xFFFF  }
0x3b: {  	s26 =	simm.s32 $0x0;
	s0 =	rddreg [dreg:$0x9]  }
0x3c: {  	[tilespmem:s26], [sflag:$0x4] =	stream.linear.gather [hbm4b:s0+s26], $0x80, $0x38;
	[tilespmem:$0x1FB80] =	vst v63  }
0x3d: {  	s19 =	simm.s32 $0x180  }
0x3e: {  	[tilespmem:s19], [sflag:$0x4] =	stream.linear.gather [hbm4b:s9+s26], $0x80, $0x38;
	[tilespmem:$0x1FB80] =	vst v63  }
0x3f: {  	s3 =	rddreg [dreg:$0xa]  }
0x40: {  	[tilespmem:s23], [sflag:$0x5] =	stream.linear.gather [hbm4b:s3+s26], $0x80, $0x38;
	[tilespmem:$0x1FB80] =	vst v63  }
0x41: {  	s8 =	rddreg [dreg:$0xb];
	s3 =	simm.s32 $0x200  }
0x42: {  	[tilespmem:s3], [sflag:$0x5] =	stream.linear.gather [hbm4b:s8+s26], $0x80, $0x38;
	[tilespmem:$0x1FB80] =	vst v63  }
0x43: {  	s11 =	simm.s32 $0x100;
	s10 =	rddreg [dreg:$0xc]  }
0x44: {  	[tilespmem:s11], [sflag:$0x6] =	stream.linear.gather [hbm4b:s10+s26], $0x80, $0x38;
	[tilespmem:$0x1FB80] =	vst v63  }
0x45: {  	s13 =	simm.s32 $0x280;
	s12 =	rddreg [dreg:$0xd]  }
0x46: {  	[tilespmem:s13], [sflag:$0x6] =	stream.linear.gather [hbm4b:s12+s26], $0x80, $0x38;
	[tilespmem:$0x1FB80] =	vst v63  }
0x47: {  	_ =	swait.ge [sflag:s30], $0x80  }
0x48: {  	[sflag:s30] =	ssyncset.done $0x0  }
0x49: {  	[sflag:s30] =	ssyncadd.s32 $0xFFFFFF80  }
0x4a: {  	_ =	swait.ge [sflag:s30], $0x80  }
0x4b: {  	[sflag:s30] =	ssyncset.done $0x0  }
0x4c: {  	[sflag:s30] =	ssyncadd.s32 $0xFFFFFF80  }
0x4d: {  	[tilespmem:s20], [sflag:$0x1] =	stream.indirect.gather [hbm4b:s1+s23], $0x80, s26, s23, $0xb8;
	[tilespmem:$0x1FB80] =	vst v63  }
0x4e: {  	_ =	swait.ge [sflag:s31], $0x80  }
0x4f: {  	[sflag:s31] =	ssyncset.done $0x0  }
0x50: {  	p1 =	sle.u32 s7, $0x0;
	[sflag:s31] =	ssyncadd.s32 $0xFFFFFF80  }
0x51: {  	p0 =	sle.u32 @!p1 s14, $0x0;
	_ =	swait.ge [sflag:s31], $0x80  }
0x52: {  	p0 =	por p0, p1;
	[sflag:s31] =	ssyncset.done $0x0  }
0x53: {  	s15 =	simm.s32 $0x4300;
	s0 =	simm.s32 @!p0 $0x6;
	[sflag:s31] =	ssyncadd.s32 $0xFFFFFF80  }
0x54: {  	[tilespmem:s15], [sflag:$0x2] =	stream.indirect.gather [hbm4b:s1+s23], $0x80, s23, s23, $0xb8;
	[tilespmem:$0x1FB80] =	vst v63  }
0x55: {  	_ =	swait.ge @!p0 [sflag:s0], $0x80  }
0x56: {  	[sflag:s0] =	ssyncset.done @!p0 $0x0  }
0x57: {  	[sflag:s0] =	ssyncadd.s32 @!p0 $0xFFFFFF80  }
0x58: {  	_ =	swait.ge @!p0 [sflag:s0], $0x80  }
0x59: {  	s29 =	simm.s32 $0x300;
	s3 =	simm.s32 @!p0 $0x8300;
	[sflag:s0] =	ssyncset.done @!p0 $0x0  }
0x5a: {  	s10 =	simm.s32 @!p0 $0x100;
	[sflag:s0] =	ssyncadd.s32 @!p0 $0xFFFFFF80;
	s0 =	simm.s32 @!p0 $0x80  }
0x5b: {  	[tilespmem:s3], [sflag:$0x3] =	stream.indirect.gather @!p0 [hbm4b:s1+s0], $0x80, s10, s0, $0xb8;
	[tilespmem:$0x1FB80] =	vst v63  }
0x5c: {  	s28 =	simm.s32 $0x0;
	s8 =	simm.s32 @!p1 $0x1;
	p0 =	sle.u32 @!p1 s7, $0x3  }
0x5d: {  	s0 =	simm.s32 @!p1 $0x300;
	s3 =	simm.s32 @!p1 $0x7;
	_ =	swait.ge @!p1 [sflag:s8], $0x4000  }
0x5e: {  	s10 =	simm.s32 @!p1 $0x180;
	p3 =	por p0, p1;
	[sflag:s8] =	ssyncset.done @!p1 $0x0  }
0x5f: {  	s11 =	simm.s32 @!p3 $0x0;
	[sflag:s8] =	ssyncadd.s32 @!p1 $0xFFFFC000;
	s8 =	simm.s32 @!p1 $0x80  }
0x60: {  	[spmem:s2] =	stream.indirect.scatter.add.f32 @!p1 [tilespmem:s0], [sflag:$0x7], $0x80, s10, s8, $0xb8;
	[tilespmem:$0x1FB80] =	vst v63  }
0x61: {  	s0 =	sshrl.u32 @!p3 s5, $0x3;
	s10 =	simm.s32 @!p3 $0x180;
	_ =	swait.ge @!p1 [sflag:s3], $0x4000  }
0x62: {  	s0 =	sadd.s32 @!p3 s4, s0;
	[sflag:s3] =	ssyncset.done @!p1 $0x0;
	s19 =	rddreg [dreg:$0x4]  }
0x63: {  	[sflag:s3] =	ssyncadd.s32 @!p1 $0xFFFFC000;
	s3 =	rddreg [dreg:$0x5];
	p5 =	sle.u32 s19, $0x0  }
0x64: {  	[tilespmem:s11], [sflag:$0x4] =	stream.linear.gather @!p3 [hbm4b:s0+s11], $0x80, $0x38;
	[tilespmem:$0x1FB80] =	vst v63  }
0x65: {  	s19 =	smov.u32 s5;
	s0 =	sadd.s32 @!p3 $0x0, s9;
	p0 =	sle.u32 @!p5 s3, $0x0  }
0x66: {  	s8 =	simm.s32 @!p5 $0x4;
	s12 =	sadd.s32 @!p3 $0x300, s0;
	s0 =	simm.s32 $0x3  }
.LBB2_6:
0x67: {  	s3 =	smov.u32 s29;
	s29 =	sadd.s32 $0x300, s29  }
0x68: {  	[tilespmem:s10], [sflag:$0x4] =	stream.linear.gather @!p3 [hbm4b:s12+s11], $0x80, $0x38;
	[tilespmem:$0x1FB80] =	vst v63  }
0x69: {  	p1 =	sne.s32 s29, $0x5100  }
0x6a: {  	s10 =	simm.s32 @!p1 $0x0  }
0x6b: {  	p0 =	por p0, p5;
	s10 =	simm.s32 @p1 $0x1  }
0x6c: {  	[smem:$0x7FC] =	sst s10;
	s10 =	simm.s32 @!p0 $0x4  }
0x6d: {  	_ =	swait.ge @!p0 [sflag:s10], $0x80  }
0x6e: {  	[sflag:s10] =	ssyncset.done @!p0 $0x0  }
0x6f: {  	p2 =	sge.u32 s0, s7;
	[sflag:s10] =	ssyncadd.s32 @!p0 $0xFFFFFF80  }
0x70: {  	s12 =	simm.s32 @!p5 $0x2;
	s11 =	sadd.s32 @!p2 $0x3, s0;
	_ =	swait.ge @!p0 [sflag:s10], $0x80  }
0x71: {  	s13 =	simm.s32 @!p0 $0x0;
	p3 =	sge.u32 @!p2 s11, s7;
	[sflag:s10] =	ssyncset.done @!p0 $0x0  }
0x72: {  	s11 =	simm.s32 @!p0 $0x300;
	[sflag:s10] =	ssyncadd.s32 @!p0 $0xFFFFFF80;
	s10 =	simm.s32 @!p0 $0x80  }
0x73: {  	[tilespmem:s11], [sflag:$0x1] =	stream.indirect.gather @!p0 [hbm4b:s1+s10], $0x80, s13, s10, $0xb8;
	[tilespmem:$0x1FB80] =	vst v63  }
0x74: {  	_ =	swait.ge @!p5 [sflag:s12], $0x4000  }
0x75: {  	s10 =	simm.s32 @!p5 $0x4300;
	s11 =	simm.s32 @!p5 $0x7;
	[sflag:s12] =	ssyncset.done @!p5 $0x0  }
0x76: {  	s13 =	simm.s32 @!p5 $0x200;
	[sflag:s12] =	ssyncadd.s32 @!p5 $0xFFFFC000;
	s12 =	simm.s32 @!p5 $0x80  }
0x77: {  	[spmem:s2] =	stream.indirect.scatter.add.f32 @!p5 [tilespmem:s10], [sflag:$0x7], $0x80, s13, s12, $0xb8;
	[tilespmem:$0x1FB80] =	vst v63  }
0x78: {  	p0 =	sge.u32 @!p5 s8, s7;
	_ =	swait.ge @!p5 [sflag:s11], $0x4000  }
0x79: {  	p6 =	sge.u32 s26, s14;
	p1 =	por p0, p5;
	s10 =	rddreg [dreg:$0x6]  }
0x7a: {  	s12 =	simm.s32 @!p1 $0x0;
	s8 =	rddreg [dreg:$0x7];
	[sflag:s11] =	ssyncset.done @!p5 $0x0  }
0x7b: {  	s10 =	sadd.s32 @!p1 s28, s10;
	[sflag:s11] =	ssyncadd.s32 @!p5 $0xFFFFC000;
	p0 =	sge.u32 @!p6 s26, s8  }
0x7c: {  	s11 =	sadd.s32 @!p1 s28, s9;
	s8 =	simm.s32 @!p1 $0x80;
	p0 =	por p0, p6  }
0x7d: {  	[tilespmem:s8], [sflag:$0x5] =	stream.linear.gather @!p1 [hbm4b:s10+s12], $0x80, $0x38;
	[tilespmem:$0x1FB80] =	vst v63  }
0x7e: {  	s11 =	sadd.s32 @!p1 $0x400, s11;
	s8 =	simm.s32 @!p1 $0x200;
	s10 =	simm.s32 @!p0 $0x5  }
0x7f: {  	[tilespmem:s8], [sflag:$0x5] =	stream.linear.gather @!p1 [hbm4b:s11+s12], $0x80, $0x38;
	[tilespmem:$0x1FB80] =	vst v63  }
0x80: {  	_ =	swait.ge @!p0 [sflag:s10], $0x80  }
0x81: {  	[sflag:s10] =	ssyncset.done @!p0 $0x0  }
0x82: {  	[sflag:s10] =	ssyncadd.s32 @!p0 $0xFFFFFF80  }
0x83: {  	p4 =	sge.u32 @!p2 s0, s14;
	_ =	swait.ge @!p0 [sflag:s10], $0x80  }
0x84: {  	s13 =	sadd.s32 @!p6 $0x5, s26;
	s8 =	simm.s32 @!p0 $0x80;
	[sflag:s10] =	ssyncset.done @!p0 $0x0  }
0x85: {  	s11 =	simm.s32 @!p0 $0x4300;
	s12 =	simm.s32 @!p6 $0x3;
	[sflag:s10] =	ssyncadd.s32 @!p0 $0xFFFFFF80  }
0x86: {  	[tilespmem:s11], [sflag:$0x2] =	stream.indirect.gather @!p0 [hbm4b:s1+s8], $0x80, s8, s8, $0xb8;
	[tilespmem:$0x1FB80] =	vst v63  }
0x87: {  	p5 =	sge.u32 @!p6 s13, s7;
	s13 =	simm.s32 @!p6 $0x7;
	_ =	swait.ge @!p6 [sflag:s12], $0x4000  }
0x88: {  	s10 =	simm.s32 @!p6 $0x8300;
	s8 =	simm.s32 @!p6 $0x80;
	[sflag:s12] =	ssyncset.done @!p6 $0x0  }
0x89: {  	s11 =	simm.s32 @!p6 $0x280;
	p0 =	por p5, p6;
	[sflag:s12] =	ssyncadd.s32 @!p6 $0xFFFFC000  }
0x8a: {  	[spmem:s2] =	stream.indirect.scatter.add.f32 @!p6 [tilespmem:s10], [sflag:$0x7], $0x80, s11, s8, $0xb8;
	[tilespmem:$0x1FB80] =	vst v63  }
0x8b: {  	p4 =	por p4, p2;
	s12 =	sadd.s32 @!p0 s28, s9;
	_ =	swait.ge @!p6 [sflag:s13], $0x4000  }
0x8c: {  	s10 =	simm.s32 @!p0 $0x0;
	[sflag:s13] =	ssyncset.done @!p6 $0x0;
	s8 =	rddreg [dreg:$0x8]  }
0x8d: {  	s11 =	simm.s32 @!p0 $0x100;
	[sflag:s13] =	ssyncadd.s32 @!p6 $0xFFFFC000;
	s8 =	sadd.s32 @!p0 s28, s8  }
0x8e: {  	[tilespmem:s11], [sflag:$0x6] =	stream.linear.gather @!p0 [hbm4b:s8+s10], $0x80, $0x38;
	[tilespmem:$0x1FB80] =	vst v63  }
0x8f: {  	s12 =	sadd.s32 @!p0 $0x500, s12;
	s13 =	simm.s32 @!p0 $0x280;
	s8 =	simm.s32 @!p4 $0x6  }
0x90: {  	[tilespmem:s13], [sflag:$0x6] =	stream.linear.gather @!p0 [hbm4b:s12+s10], $0x80, $0x38;
	[tilespmem:$0x1FB80] =	vst v63  }
0x91: {  	_ =	swait.ge @!p4 [sflag:s8], $0x80  }
0x92: {  	[sflag:s8] =	ssyncset.done @!p4 $0x0  }
0x93: {  	[sflag:s8] =	ssyncadd.s32 @!p4 $0xFFFFFF80  }
0x94: {  	s28 =	smov.u32 s3;
	_ =	swait.ge @!p4 [sflag:s8], $0x80  }
0x95: {  	s3 =	simm.s32 @!p4 $0x8300;
	s11 =	simm.s32 @!p2 $0x1;
	[sflag:s8] =	ssyncset.done @!p4 $0x0  }
0x96: {  	s10 =	simm.s32 @!p4 $0x100;
	[sflag:s8] =	ssyncadd.s32 @!p4 $0xFFFFFF80;
	s8 =	simm.s32 @!p4 $0x80  }
0x97: {  	[tilespmem:s3], [sflag:$0x3] =	stream.indirect.gather @!p4 [hbm4b:s1+s8], $0x80, s10, s8, $0xb8;
	[tilespmem:$0x1FB80] =	vst v63  }
0x98: {  	_ =	swait.ge @!p2 [sflag:s11], $0x4000  }
0x99: {  	s12 =	simm.s32 @!p2 $0x300;
	s13 =	simm.s32 @!p2 $0x7;
	[sflag:s11] =	ssyncset.done @!p2 $0x0  }
0x9a: {  	s3 =	simm.s32 @!p2 $0x180;
	[sflag:s11] =	ssyncadd.s32 @!p2 $0xFFFFC000;
	s11 =	simm.s32 @!p2 $0x80  }
0x9b: {  	[spmem:s2] =	stream.indirect.scatter.add.f32 @!p2 [tilespmem:s12], [sflag:$0x7], $0x80, s3, s11, $0xb8;
	[tilespmem:$0x1FB80] =	vst v63  }
0x9c: {  	_ =	swait.ge @!p2 [sflag:s13], $0x4000  }
0x9d: {  	s15 =	rddreg [dreg:$0x4]  }
0x9e: {  	p5 =	sge.u32 s0, s15;
	s15 =	sld [smem:$0x7FC];
	_ =	sdelay $0x1  }
0x9f: {  	s19 =	sadd.s32 $0x1800, s19;
	p3 =	por p3, p2  }
0xa0: {  	s26 =	smov.u32 s0;
	s8 =	sshrl.u32 @!p3 s19, $0x3;
	p1 =	seq.s32 s15, $0x1  }
.Ltmp3:
0xa1: {  	s10 =	simm.s32 @!p3 $0x180;
	s8 =	sadd.s32 @!p3 s4, s8;
	(pc) =	sbr.rel @p1 .LBB2_6-.Ltmp3, $4  }
0xa2: {  	s11 =	simm.s32 @!p3 $0x0;
	s3 =	sadd.s32 @!p3 s28, s9;
	[sflag:s13] =	ssyncset.done @!p2 $0x0  }
0xa3: {  	s12 =	sadd.s32 @!p3 $0x300, s3;
	s3 =	rddreg [dreg:$0x5];
	[sflag:s13] =	ssyncadd.s32 @!p2 $0xFFFFC000  }
0xa4: {  	[tilespmem:s11], [sflag:$0x4] =	stream.linear.gather @!p3 [hbm4b:s8+s11], $0x80, $0x38;
	[tilespmem:$0x1FB80] =	vst v63  }
0xa5: {  	s0 =	sadd.s32 $0x3, s0;
	p0 =	sge.u32 @!p5 s26, s3;
	s8 =	sadd.s32 @!p5 $0x4, s26  }
0xa6: {  	[tilespmem:s10], [sflag:$0x4] =	stream.linear.gather @!p3 [hbm4b:s12+s11], $0x80, $0x38;
	[tilespmem:$0x1FB80] =	vst v63  }
0xa7: {  	p0 =	por p0, p5  }
0xa8: {  	s0 =	simm.s32 @!p0 $0x4  }
0xa9: {  	_ =	swait.ge @!p0 [sflag:s0], $0x80  }
0xaa: {  	[sflag:s0] =	ssyncset.done @!p0 $0x0  }
0xab: {  	[sflag:s0] =	ssyncadd.s32 @!p0 $0xFFFFFF80  }
0xac: {  	_ =	swait.ge @!p0 [sflag:s0], $0x80  }
0xad: {  	s10 =	simm.s32 @!p5 $0x2;
	s3 =	simm.s32 @!p0 $0x300;
	[sflag:s0] =	ssyncset.done @!p0 $0x0  }
0xae: {  	s11 =	simm.s32 @!p0 $0x0;
	[sflag:s0] =	ssyncadd.s32 @!p0 $0xFFFFFF80;
	s0 =	simm.s32 @!p0 $0x80  }
0xaf: {  	[tilespmem:s3], [sflag:$0x1] =	stream.indirect.gather @!p0 [hbm4b:s1+s0], $0x80, s11, s0, $0xb8;
	[tilespmem:$0x1FB80] =	vst v63  }
0xb0: {  	_ =	swait.ge @!p5 [sflag:s10], $0x4000  }
0xb1: {  	s0 =	simm.s32 @!p5 $0x4300;
	s3 =	simm.s32 @!p5 $0x7;
	[sflag:s10] =	ssyncset.done @!p5 $0x0  }
0xb2: {  	s11 =	simm.s32 @!p5 $0x200;
	[sflag:s10] =	ssyncadd.s32 @!p5 $0xFFFFC000;
	s10 =	simm.s32 @!p5 $0x80  }
0xb3: {  	[spmem:s2] =	stream.indirect.scatter.add.f32 @!p5 [tilespmem:s0], [sflag:$0x7], $0x80, s11, s10, $0xb8;
	[tilespmem:$0x1FB80] =	vst v63  }
0xb4: {  	p0 =	sge.u32 @!p5 s8, s7;
	_ =	swait.ge @!p5 [sflag:s3], $0x4000  }
0xb5: {  	p1 =	sge.u32 s26, s14;
	p2 =	por p0, p5;
	s0 =	rddreg [dreg:$0x6]  }
0xb6: {  	s10 =	simm.s32 @!p2 $0x0;
	s8 =	rddreg [dreg:$0x7];
	[sflag:s3] =	ssyncset.done @!p5 $0x0  }
0xb7: {  	s0 =	sadd.s32 @!p2 s28, s0;
	[sflag:s3] =	ssyncadd.s32 @!p5 $0xFFFFC000;
	p0 =	sge.u32 @!p1 s26, s8  }
0xb8: {  	s3 =	sadd.s32 @!p2 s28, s9;
	s8 =	simm.s32 @!p2 $0x80;
	p0 =	por p0, p1  }
0xb9: {  	[tilespmem:s8], [sflag:$0x5] =	stream.linear.gather @!p2 [hbm4b:s0+s10], $0x80, $0x38;
	[tilespmem:$0x1FB80] =	vst v63  }
0xba: {  	s0 =	sadd.s32 @!p2 $0x400, s3;
	s3 =	simm.s32 @!p2 $0x200;
	s8 =	simm.s32 @!p0 $0x5  }
0xbb: {  	[tilespmem:s3], [sflag:$0x5] =	stream.linear.gather @!p2 [hbm4b:s0+s10], $0x80, $0x38;
	[tilespmem:$0x1FB80] =	vst v63  }
0xbc: {  	_ =	swait.ge @!p0 [sflag:s8], $0x80  }
0xbd: {  	[sflag:s8] =	ssyncset.done @!p0 $0x0  }
0xbe: {  	[sflag:s8] =	ssyncadd.s32 @!p0 $0xFFFFFF80  }
0xbf: {  	_ =	swait.ge @!p0 [sflag:s8], $0x80  }
0xc0: {  	s0 =	simm.s32 @!p0 $0x80;
	[sflag:s8] =	ssyncset.done @!p0 $0x0  }
0xc1: {  	s3 =	simm.s32 @!p0 $0x4300;
	s10 =	simm.s32 @!p1 $0x3;
	[sflag:s8] =	ssyncadd.s32 @!p0 $0xFFFFFF80  }
0xc2: {  	[tilespmem:s3], [sflag:$0x2] =	stream.indirect.gather @!p0 [hbm4b:s1+s0], $0x80, s0, s0, $0xb8;
	[tilespmem:$0x1FB80] =	vst v63  }
0xc3: {  	_ =	swait.ge @!p1 [sflag:s10], $0x4000  }
0xc4: {  	s8 =	simm.s32 @!p1 $0x280;
	[sflag:s10] =	ssyncset.done @!p1 $0x0  }
0xc5: {  	s0 =	simm.s32 @!p1 $0x8300;
	s3 =	simm.s32 @!p1 $0x80;
	[sflag:s10] =	ssyncadd.s32 @!p1 $0xFFFFC000  }
0xc6: {  	[spmem:s2] =	stream.indirect.scatter.add.f32 @!p1 [tilespmem:s0], [sflag:$0x7], $0x80, s8, s3, $0xb8;
	[tilespmem:$0x1FB80] =	vst v63  }
0xc7: {  	s11 =	simm.s32 @!p1 $0x7;
	s0 =	sadd.s32 @!p1 $0x5, s26  }
0xc8: {  	_ =	swait.ge @!p1 [sflag:s11], $0x4000;
	p0 =	sge.u32 @!p1 s0, s7  }
0xc9: {  	[sflag:s11] =	ssyncset.done @!p1 $0x0;
	p0 =	por p0, p1  }
0xca: {  	s0 =	rddreg [dreg:$0x8];
	[sflag:s11] =	ssyncadd.s32 @!p1 $0xFFFFC000;
	s3 =	simm.s32 @!p0 $0x0  }
0xcb: {  	s8 =	simm.s32 @!p0 $0x100;
	s10 =	sadd.s32 @!p0 s28, s9;
	s0 =	sadd.s32 @!p0 s28, s0  }
0xcc: {  	[tilespmem:s8], [sflag:$0x6] =	stream.linear.gather @!p0 [hbm4b:s0+s3], $0x80, $0x38;
	[tilespmem:$0x1FB80] =	vst v63  }
0xcd: {  	s26 =	stileid.u32;
	s0 =	simm.s32 @!p0 $0x280;
	s8 =	sadd.s32 @!p0 $0x500, s10  }
0xce: {  	[tilespmem:s0], [sflag:$0x6] =	stream.linear.gather @!p0 [hbm4b:s8+s3], $0x80, $0x38;
	[tilespmem:$0x1FB80] =	vst v63  }
0xcf: {  	s0 =	sshll.u32 s26, $0x6  }
0xd0: {  	[bflag:$0x0] =	sbarrier.arrive $0xFFFF;
	s0 =	sor.u32 $0x1C07, s0  }
0xd1: {  	[hbm:s16], [sflag:s0] =	dma.local [spmem:s24], $0x1900  }
0xd2: {  	_ =	swait.ge [sflag:s21], $0x1900  }
0xd3: {  	s28 =	sld [smem:$0x7FD];
	_ =	sdelay $0x1  }
0xd4: {  	[sflag:s21] =	ssyncset.done $0x0  }
0xd5: {  	[sflag:s21] =	ssyncadd.s32 $0xFFFFE700;
	p1 =	seq.s32 s28, $0x1  }
0xd6: {  	[hbm:s17], [sflag:s0] =	dma.local @!p1 [spmem:s25], $0x1900  }
0xd7: {  	s0 =	simm.s32 @!p1 $0x7  }
0xd8: {  	_ =	swait.ge @!p1 [sflag:s0], $0x1900  }
0xd9: {  	s22 =	sadd.s32 $0x1, s22;
	s29 =	rddreg [dreg:$0xe]  }
0xda: {  	p0 =	sne.s32 s22, s29  }
.Ltmp4:
0xdb: {  	_ = 	snop;
	(pc) =	sbr.rel @p0 .LBB2_1-.Ltmp4, $3  }
0xdc: {  	_ =	sdelay $0x1  }
0xdd: {  	[sflag:s0] =	ssyncset.done @!p1 $0x0  }
0xde: {  	[sflag:s0] =	ssyncadd.s32 @!p1 $0xFFFFE700  }
0xdf: {  	_ =	sfence.sel $0x180000  }
0xe0: {  	[bflag:$0x0] =	sbarrier.arrive $0xFFFF  }
0xe1: {  	_ =	strace $0x9000004A  }
0xe2: {  	s0 =	stileid.u32;
	[bflag:$0x2] =	sbarrier.arrive $0xFFFF  }
0xe3: {  	p0 =	sne.s32 s0, $0x0;
	s0 =	rddreg [dreg:$0x3]  }
0xe4: {  	s0 =	sadd.s32 @!p0 $0x100000, s0  }
0xe5: {  	[sflag:s0] =	ssyncadd.tile.s32 @!p0 $0x1;
	_ =	shalt  }
.Lfunc_end2:
_tile_overlayer_lowered:
.L_overlay_start_2:
0xe6: {  	(tag) =	ssettag $0x2  }
0xe7: {  	s0 =	rddreg [dreg:$0x0];
	s2 =	stileid.u32  }
0xe8: {  	s1 =	rddreg [dreg:$0x1];
	p0 =	sne.s32 s2, $0x0  }
0xe9: {  	s3 =	rddreg [dreg:$0x2];
	[bflag:$0x3] =	sbarrier.arrive $0xFFFF;
	s2 =	simm.s32 @!p0 $0x1C07  }
0xea: {  	[timem:s3], [sflag:s2] =	dma.local @!p0 [hbm:s0], s1  }
0xeb: {  	s0 =	simm.s32 @!p0 $0x7  }
0xec: {  	_ =	swait.ge @!p0 [sflag:s0], s1  }
0xed: {  	s1 =	ssub.s32 @!p0 $0x0, s1;
	[sflag:s0] =	ssyncset.done @!p0 $0x0  }
0xee: {  	[sflag:s0] =	ssyncadd.s32 @!p0 s1  }
0xef: {  	[bflag:$0x3] =	sbarrier.arrive $0xFFFF  }
0xf0: {  	_ =	shalt  }

// kernel: kernel.14.cloned.1.call-start
scs
__scs_entry_jumppad:
0x0: {  	(pc) =	sbr.rel $0x88, $3  }
0x1: {  	(tag) =	ssettag $0x0;
	lr =	simm.s32 $0x1  }
0x2: {  	[smem:$0x3F9B] =	sst lr;
	_ =	strace $0xD0000000  }
0x3: {  	_ = 	snop  }
0x4: {  	_ = 	snop  }
0x5: {  	_ = 	snop  }
0x6: {  	_ = 	snop  }
0x7: {  	_ = 	snop  }
__scs_overlays_trampoline_lowered:
0x8: {  	[smem:$0x3FAA] =	sst s0  }
0x9: {  	[smem:$0x3FAB] =	sst s1  }
0xa: {  	[smem:$0x3FAC] =	sst s2  }
0xb: {  	[smem:$0x3FAD] =	sst s3  }
0xc: {  	[smem:$0x3FAE] =	sst s4  }
0xd: {  	[smem:$0x3FAF] =	sst s5  }
0xe: {  	[smem:$0x3FB0] =	sst s6  }
0xf: {  	[smem:$0x3FB1] =	sst s7  }
0x10: {  	[smem:$0x3FB2] =	sst s8  }
0x11: {  	[smem:$0x3FB3] =	sst s9;
	s0 =	simm.s32 @!p0 $0x0  }
0x12: {  	s1 =	sld [smem:$0x3F99];
	s0 =	simm.s32 @p0 $0x1  }
0x13: {  	[smem:$0x3FB4] =	sst s0;
	s0 =	simm.s32 @!p1 $0x0  }
0x14: {  	s2 =	sld [smem:$0x3F98];
	s0 =	simm.s32 @p1 $0x1  }
0x15: {  	[smem:$0x3FB5] =	sst s0;
	s0 =	simm.s32 @!p2 $0x0  }
0x16: {  	s3 =	sld [smem:$0x3FDB];
	s0 =	simm.s32 @p2 $0x1  }
0x17: {  	s4 =	simm.s32 $0x1BF5;
	[smem:$0x3FB7] =	sst s0  }
0x18: {  	s0 =	sld [smem:$0x3F9A];
	_ =	swait.ge [sflag:s4], $0x0  }
0x19: {  	s7 =	sld [smem:$0x3F9B]  }
0x1a: {  	s8 =	sadd.s32 $0xFFFFE003, lr  }
0x1b: {  	s9 =	sadd.s32 $0xFFFFFEF7, lr;
	s5 =	simm.s32 $0xFFFFFFFF;
	p2 =	slt.u32 s8, $0xFFFFF086  }
0x1c: {  	p1 =	slt.u32 s9, $0xF7A;
	s5 =	simm.s32 @!p2 $0x0  }
0x1d: {  	s5 =	simm.s32 @p1 $0x1;
	p0 =	seq.s32 s7, s2  }
0x1e: {  	s7 =	smul.u32 @!p0 $0xF7A, s2;
	p2 =	seq.s32 @!p0 s5, $0x0  }
0x1f: {  	s9 =	smul.u32 $0xF7A, s1;
	s8 =	simm.s32 @!p0 $0x1BF5;
	p2 =	por !p2, p0  }
0x20: {  	[sflag:s8] =	ssyncset.s32 @!p0 $0xFFFFF086;
	s6 =	sadd.s32 @!p0 s3, s7;
	s7 =	simm.s32 @!p0 $0x108  }
0x21: {  	s3 =	sadd.s32 s3, s9;
	s6 =	sadd.s32 @!p0 $0x88, s6;
	s7 =	simm.s32 @p2 $0x1082  }
0x22: {  	[simem:s7], [sflag:s8] =	dma.local @!p0 [hbm:s6], $0xF7A  }
0x23: {  	s9 =	sor.u32 $0xD0000000, s2;
	s6 =	simm.s32 $0x108;
	_ =	swait.ge @!p0 [sflag:s8], $0x0  }
0x24: {  	s3 =	sadd.s32 $0x88, s3;
	s6 =	simm.s32 @!p1 $0x1082;
	[sflag:s4] =	ssyncset.s32 $0xFFFFF086  }
0x25: {  	[simem:s6], [sflag:s4] =	dma.local [hbm:s3], $0xF7A  }
0x26: {  	[smem:$0x3F9B] =	sst s1;
	(tag) =	ssettag s2;
	_ =	strace s9  }
0x27: {  	s1 =	sld [smem:$0x3FAB]  }
0x28: {  	s2 =	sld [smem:$0x3FAC]  }
0x29: {  	s4 =	sld [smem:$0x3FAE]  }
0x2a: {  	p0 =	seq.s32 s5, $0x0;
	s5 =	sld [smem:$0x3FAF]  }
0x2b: {  	s6 =	sld [smem:$0x3FB0]  }
0x2c: {  	s7 =	sld [smem:$0x3FB1]  }
0x2d: {  	s3 =	simm.s32 $0x108;
	s8 =	sld [smem:$0x3FB2]  }
0x2e: {  	s3 =	simm.s32 @!p0 $0x1082;
	s9 =	sld [smem:$0x3FB3]  }
0x2f: {  	lr =	sadd.s32 s0, s3;
	s0 =	sld [smem:$0x3FAA]  }
0x30: {  	s3 =	sld [smem:$0x3FAD]  }
0x31: {  	[smem:$0x3FB6] =	sst s10  }
0x32: {  	s10 =	sld [smem:$0x3FB4];
	_ =	sdelay $0x3  }
0x33: {  	p0 =	seq.s32 s10, $0x1;
	s10 =	sld [smem:$0x3FB6];
	_ =	sdelay $0x3  }
0x34: {  	[smem:$0x3FB6] =	sst s10  }
0x35: {  	s10 =	sld [smem:$0x3FB5];
	_ =	sdelay $0x3  }
0x36: {  	p1 =	seq.s32 s10, $0x1;
	s10 =	sld [smem:$0x3FB6];
	_ =	sdelay $0x3  }
0x37: {  	[smem:$0x3FB6] =	sst s10  }
0x38: {  	s10 =	sld [smem:$0x3FB7]  }
0x39: {  	_ = 	snop;
	(pc) =	sbr.ind lr, $3  }
0x3a: {  	_ = 	snop  }
0x3b: {  	_ = 	snop  }
0x3c: {  	p2 =	seq.s32 s10, $0x1;
	s10 =	sld [smem:$0x3FB6]  }
0x3d: {  	_ =	shalt  }
0x3e: {  	_ =	shalt  }
0x3f: {  	_ =	shalt  }
0x40: {  	_ =	shalt  }
0x41: {  	_ =	shalt  }
0x42: {  	_ =	shalt  }
0x43: {  	_ =	shalt  }
0x44: {  	_ =	shalt  }
0x45: {  	_ =	shalt  }
0x46: {  	_ =	shalt  }
0x47: {  	_ =	shalt  }
0x48: {  	_ =	shalt  }
0x49: {  	_ =	shalt  }
0x4a: {  	_ =	shalt  }
0x4b: {  	_ =	shalt  }
0x4c: {  	_ =	shalt  }
0x4d: {  	_ =	shalt  }
0x4e: {  	_ =	shalt  }
0x4f: {  	_ =	shalt  }
0x50: {  	_ =	shalt  }
0x51: {  	_ =	shalt  }
0x52: {  	_ =	shalt  }
0x53: {  	_ =	shalt  }
0x54: {  	_ =	shalt  }
0x55: {  	_ =	shalt  }
0x56: {  	_ =	shalt  }
0x57: {  	_ =	shalt  }
0x58: {  	_ =	shalt  }
0x59: {  	_ =	shalt  }
0x5a: {  	_ =	shalt  }
0x5b: {  	_ =	shalt  }
0x5c: {  	_ =	shalt  }
0x5d: {  	_ =	shalt  }
0x5e: {  	_ =	shalt  }
0x5f: {  	_ =	shalt  }
0x60: {  	_ =	shalt  }
0x61: {  	_ =	shalt  }
0x62: {  	_ =	shalt  }
0x63: {  	_ =	shalt  }
0x64: {  	_ =	shalt  }
0x65: {  	_ =	shalt  }
0x66: {  	_ =	shalt  }
0x67: {  	_ =	shalt  }
0x68: {  	_ =	shalt  }
0x69: {  	_ =	shalt  }
0x6a: {  	_ =	shalt  }
0x6b: {  	_ =	shalt  }
0x6c: {  	_ =	shalt  }
0x6d: {  	_ =	shalt  }
0x6e: {  	_ =	shalt  }
0x6f: {  	_ =	shalt  }
0x70: {  	_ =	shalt  }
0x71: {  	_ =	shalt  }
0x72: {  	_ =	shalt  }
0x73: {  	_ =	shalt  }
0x74: {  	_ =	shalt  }
0x75: {  	_ =	shalt  }
0x76: {  	_ =	shalt  }
0x77: {  	_ =	shalt  }
0x78: {  	_ =	shalt  }
0x79: {  	_ =	shalt  }
0x7a: {  	_ =	shalt  }
0x7b: {  	_ =	shalt  }
0x7c: {  	_ =	shalt  }
0x7d: {  	_ =	shalt  }
0x7e: {  	_ =	shalt  }
0x7f: {  	_ =	shalt  }
0x80: {  	_ =	shalt  }
0x81: {  	_ =	shalt  }
0x82: {  	_ =	shalt  }
0x83: {  	_ =	shalt  }
0x84: {  	_ =	shalt  }
0x85: {  	_ =	shalt  }
0x86: {  	_ =	shalt  }
0x87: {  	_ =	shalt  }
.Lfunc_end0:
.L_simem_size_0:
called_computation.2_lowered:
.L_overlay_start_0:
0x88: {  	s2 =	sld [smem:$0x3FD9]  }
0x89: {  	s3 =	sld [smem:$0x3FFE];
	_ =	sdelay $0x1  }
0x8a: {  	s1 =	srdreg.scid  }
0x8b: {  	s0 =	sand.u32 $0x1, s1  }
0x8c: {  	s17 =	sshll.u32 s0, $0xA;
	s2 =	sadd.s32 s3, s2  }
0x8d: {  	s2 =	sadd.s32 s2, s17  }
0x8e: {  	[smem:$0x3FC2] =	sst s2  }
0x8f: {  	_ = 	snop  }
0x90: {  	s2 =	sld [smem:$0x3FD0];
	(tm) =	ssettm $0x1  }
0x91: {  	s18 =	sld [smem:$0x3FFB];
	_ =	sdelay $0x3  }
0x92: {  	_ =	strace s18  }
0x93: {  	s3 =	sld [smem:$0x3FFC];
	_ =	sdelay $0x3  }
0x94: {  	_ =	strace s3  }
0x95: {  	s3 =	sld [smem:$0x3FFD];
	_ =	sdelay $0x3  }
0x96: {  	_ =	strace s3  }
0x97: {  	_ =	strace $0x8FFFFFFF  }
0x98: {  	s19 =	sld [smem:$0x3FDB];
	_ =	sdelay $0x1  }
0x99: {  	s4 =	simm.s32 $_scs_section_size  }
0x9a: {  	s5 =	simm.s32 $_size__tile_overlayer_lowered;
	s6 =	simm.s32 $_tile_overlayer_lowered  }
0x9b: {  	s22 =	simm.s32 $0x1BFF;
	s21 =	sshll.u32 s6, $0x1;
	s3 =	sadd.s32 s4, s19  }
0x9c: {  	s7 =	simm.s32 $0x0;
	s20 =	sshll.u32 s5, $0x1;
	s5 =	sadd.s32 s21, s3  }
0x9d: {  	[timem:s7], [sflag:s22] =	dma.local [hbm:s5], s20  }
0x9e: {  	_ =	swait.ge [sflag:s22], s20  }
0x9f: {  	s4 =	ssub.s32 $0x0, s20;
	[sflag:s22] =	ssyncset.done $0x0  }
0xa0: {  	[sflag:s22] =	ssyncadd.s32 s4;
	_ =	sdelay $0x1  }
0xa1: {  	s23 =	simm.s32 $0x1B8B  }
0xa2: {  	_ =	swait.ge [sflag:s23], $0x1  }
0xa3: {  	[sflag:s23] =	ssyncset.done $0x0  }
0xa4: {  	s25 =	simm.s32 $0x1B8E;
	s24 =	sld [smem:$0x3FFE];
	[sflag:s23] =	ssyncadd.s32 $0xFFFFFFFF  }
0xa5: {  	s26 =	simm.s32 $execute0_lowered;
	[smem:$0x3FD2] =	sst s25  }
0xa6: {  	s5 =	sshll.u32 s26, $0x1;
	_ =	strace $0x8000004C;
	[dreg:$0x1] =	wrdreg $0xFFFFFFFF  }
0xa7: {  	s28 =	simm.s32 $_size_execute0_lowered;
	s3 =	sadd.s32 s3, s5;
	[dreg:$0x0] =	wrdreg $0x0  }
0xa8: {  	s5 =	sshll.u32 s28, $0x1;
	[dreg:$0x2] =	wrdreg s3  }
0xa9: {  	[dreg:$0x3] =	wrdreg s5  }
0xaa: {  	[dreg:$0x4] =	wrdreg $0xC0  }
0xab: {  	_ =	task [dreg:s7], $0x5FFFF  }
0xac: {  	[dreg:$0x1] =	wrdreg $0xFFFFFFFF  }
0xad: {  	[dreg:$0x0] =	wrdreg $0x60  }
0xae: {  	[dreg:$0x2] =	wrdreg s24  }
0xaf: {  	[dreg:$0x3] =	wrdreg s2  }
0xb0: {  	[dreg:$0x4] =	wrdreg $0xC3000  }
0xb1: {  	[dreg:$0x5] =	wrdreg $0x9  }
0xb2: {  	_ =	task.clear_ibuf [dreg:s7], $0x6FFFF;
	_ =	strace $0x9000004C  }
0xb3: {  	s29 =	simm.s32 $0x9;
	_ =	strace $0x8000004E  }
0xb4: {  	_ =	swait.ge [sflag:s29], $0x1  }
0xb5: {  	[sflag:s29] =	ssyncadd.s32 $0xFFFFFFFF  }
0xb6: {  	_ =	strace $0x9000004E  }
0xb7: {  	_ =	sfence  }
0xb8: {  	s30 =	sld [smem:$0x0];
	_ =	sdelay $0x2  }
0xb9: {  	s31 =	sshll.u32 s1, $0xD;
	s1 =	sshrl.u32 s1, $0x2  }
0xba: {  	s3 =	sand.u32 $0x4000, s31;
	s1 =	sadd.s32 s1, s30  }
0xbb: {  	s0 =	sor.u32 s3, s0;
	s1 =	sshll.u32 s1, $0x11  }
0xbc: {  	s0 =	sor.u32 s1, s0  }
0xbd: {  	s0 =	sadd.s32 $0x8F2B, s0  }
0xbe: {  	[sflag:s0] =	ssyncadd.remote.s32 $0x1  }
0xbf: {  	_ =	sfence.sel $0xFFFF  }
0xc0: {  	[dreg:$0x0] =	wrdreg $0xFFFFFFFF;
	(pc) =	sbr.abs _section_cstart, $3  }
0xc1: {  	[dreg:$0x1] =	wrdreg $0xFFFFFFFF  }
0xc2: {  	_ =	task.clear_ibuf [dreg:s7], $0x2FFFF;
	_ =	strace $0x9FFFFFFF  }
0xc3: {  	(tm) =	ssettm $0x7FFFFFFF  }
tec
execute0_lowered:
.L_overlay_start_1:
0x0: {  	(tag) =	ssettag $0x1  }
0x1: {  	s2 =	rddreg [dreg:$0x0]  }
0x2: {  	s0 =	rddreg [dreg:$0x1]  }
0x3: {  	s1 =	rddreg [dreg:$0x2];
	s3 =	simm.s32 $0x0  }
0x4: {  	s4 =	srdreg.scid;
	s19 =	stileid.u32;
	s6 =	simm.s32 $0x8  }
0x5: {  	s30 =	simm.s32 $0x4;
	s31 =	simm.s32 $0x5;
	[smem:$0x7FF] =	sst s3  }
0x6: {  	s3 =	sadd.s32 $0x10200, s2;
	s4 =	sand.u32 $0x1, s4;
	s5 =	sadd.s32 $0x6400, s2  }
0x7: {  	s2 =	sadd.s32 $0x1400, s2;
	p0 =	slt.u32 s19, $0xD;
	s20 =	smul.u32 $0x190, s19  }
0x8: {  	s9 =	sshll.u32 s19, $0x7;
	s13 =	sshll.u32 s19, $0x4;
	s21 =	smul.u32 $0x32000, s19  }
0x9: {  	s22 =	sor.u32 $0x10, s19;
	s28 =	smul.u32 $0xA000, s19;
	_ =	strace $0x8000004D  }
0xa: {  	s7 =	ssub.s32 $0x2, s4;
	s10 =	smul.u32 $0x27100, s4;
	s6 =	simm.s32 @!p0 $0x7  }
0xb: {  	p0 =	slt.u32 s19, $0x2;
	s29 =	sor.u32 $0x800, s9;
	s4 =	smul.u32 $0x2710, s4  }
0xc: {  	s15 =	sor.u32 $0x1000, s9;
	s24 =	smul.u32 $0x32000, s22;
	s8 =	sshrl.u32 s7, $0x1  }
0xd: {  	s8 =	ssub.s32 s7, s8;
	s11 =	sadd.s32 s9, s10;
	s7 =	simm.s32 $0x4F  }
0xe: {  	s14 =	sadd.s32 s10, s29;
	s9 =	sadd.s32 s2, s13;
	s10 =	sadd.s32 s10, s15  }
0xf: {  	s15 =	sshrl.u32 s15, $0x3;
	s23 =	sadd.s32 s4, s20;
	s25 =	sshrl.u32 s24, $0x2  }
0x10: {  	s20 =	simm.s32 $0x300;
	s12 =	sshrl.u32 s11, $0x3;
	s7 =	simm.s32 @!p0 $0x4E  }
0x11: {  	s14 =	sshrl.u32 s14, $0x3;
	s10 =	sshrl.u32 s10, $0x3;
	s8 =	smax.u32 s8, $0x1  }
0x12: {  	s26 =	sadd.s32 $0x2800, s11;
	s12 =	sadd.s32 s5, s12;
	[dreg:$0xe] =	wrdreg s8  }
0x13: {  	p0 =	sgt.u32 s19, $0x8;
	s13 =	sadd.s32 s5, s14;
	[dreg:$0x9] =	wrdreg s12  }
0x14: {  	s10 =	sadd.s32 s5, s10;
	s14 =	sadd.s32 $0xFFFFFFFE, s7;
	[dreg:$0xa] =	wrdreg s13  }
0x15: {  	s16 =	sadd.s32 $0xFFFFFFFF, s7;
	s17 =	sadd.s32 $0xFFFFFFFD, s7;
	[dreg:$0xc] =	wrdreg s10  }
0x16: {  	s18 =	sadd.s32 $0xFFFFFFFC, s7;
	s8 =	sshll.u32 s23, $0x4;
	[dreg:$0x4] =	wrdreg s16  }
0x17: {  	s23 =	simm.s32 $0x80;
	s12 =	sshrl.u32 s29, $0x3;
	[dreg:$0x5] =	wrdreg s17  }
0x18: {  	[dreg:$0x7] =	wrdreg s18;
	s16 =	sadd.s32 s0, s8;
	s8 =	sadd.s32 s25, s1  }
0x19: {  	s10 =	sshrl.u32 s26, $0x3;
	s17 =	sadd.s32 $0x2000, s11;
	s12 =	sadd.s32 s2, s12  }
0x1a: {  	s2 =	sadd.s32 s2, s15;
	s10 =	sadd.s32 s10, s5;
	[dreg:$0xb] =	wrdreg s12  }
0x1b: {  	s17 =	sshrl.u32 s17, $0x3;
	[dreg:$0xd] =	wrdreg s2;
	s12 =	smul.u32 $0x190, s22  }
0x1c: {  	s25 =	sshrl.u32 @!p0 s8, $0x3;
	s2 =	sshrl.u32 s21, $0x2;
	[dreg:$0x8] =	wrdreg s10  }
0x1d: {  	s29 =	sadd.s32 s17, s5;
	s21 =	simm.s32 $0x7;
	s4 =	sadd.s32 s4, s12  }
0x1e: {  	s22 =	simm.s32 $0x0;
	s2 =	sadd.s32 s2, s1;
	s4 =	sshll.u32 s4, $0x4  }
0x1f: {  	[dreg:$0x6] =	wrdreg s29;
	s17 =	sadd.s32 s0, s4;
	s0 =	simm.s32 @!p0 $0x0  }
0x20: {  	s12 =	sshrl.u32 s28, $0x2;
	s24 =	sshrl.u32 s2, $0x3;
	s0 =	simm.s32 @p0 $0x1  }
0x21: {  	v0 =	vimm.f32 $0.0e+00;
	s18 =	sadd.s32 s12, s1;
	s4 =	sadd.s32 $0x1800, s11;
	[smem:$0x7FD] =	sst s0  }
.LBB2_1:
0x22: {  	s2 =	simm.s32 $0x0  }
0x23: {  	s0 =	sand.u32 $0xFE00, s2  }
0x24: {  	s2 =	sand.u32 $0x70, s2;
	s8 =	sshrl.u32 s0, $0x2  }
0x25: {  	s0 =	simm.s32 $0x40;
	s8 =	sor.u32 s2, s8;
	s2 =	simm.s32 $0x0  }
.LBB2_2:
0x26: {  	p0 =	sne.s32 s0, $0x9FC0  }
0x27: {  	[tilespmem:s8+$0x300] =	vst v0;
	s2 =	sadd.s32 $0x10, s2;
	s8 =	smov.u32 s0;
	s0 =	sadd.s32 $0x40, s0  }
.Ltmp0:
0x28: {  	(pc) =	sbr.rel @p0 .LBB2_2-.Ltmp0, $4  }
0x29: {  	_ = 	snop  }
0x2a: {  	s8 =	sand.u32 $0xFE00, s8  }
0x2b: {  	s10 =	sand.u32 $0x70, s2;
	s8 =	sshrl.u32 s8, $0x2  }
0x2c: {  	s8 =	sor.u32 s10, s8  }
0x2d: {  	p0 =	sne.s32 s6, $0x1  }
.Ltmp1:
0x2e: {  	_ = 	snop;
	(pc) =	sbr.rel @!p0 .LBB2_5-.Ltmp1, $4  }
0x2f: {  	[tilespmem:s8+$0x300] =	vst v0  }
0x30: {  	[spmem:s18] =	stream.linear.scatter [tilespmem:s20], [sflag:$0x7], $0x2800, $0x38;
	[tilespmem:$0x1FB80] =	vst v63  }
0x31: {  	_ =	swait.ge [sflag:s21], $0x2800  }
0x32: {  	s0 =	sadd.s32 $0xFFFFFFFF, s6;
	s2 =	smov.u32 s18;
	[sflag:s21] =	ssyncset.done $0x0  }
.LBB2_4:
0x33: {  	p0 =	sne.s32 s0, $0x1;
	[sflag:s21] =	ssyncadd.s32 $0xFFFFD800;
	s2 =	sadd.s32 $0x28000, s2  }
.Ltmp2:
0x34: {  	s0 =	sadd.s32 $0xFFFFFFFF, s0;
	(pc) =	sbr.rel @p0 .LBB2_4-.Ltmp2, $4  }
0x35: {  	_ = 	snop  }
0x36: {  	[spmem:s2] =	stream.linear.scatter [tilespmem:s20], [sflag:$0x7], $0x2800, $0x38;
	[tilespmem:$0x1FB80] =	vst v63  }
0x37: {  	_ =	swait.ge [sflag:s21], $0x2800  }
0x38: {  	[sflag:s21] =	ssyncset.done $0x0  }
.LBB2_5:
0x39: {  	[sflag:s21] =	ssyncadd.s32 $0xFFFFD800  }
0x3a: {  	[bflag:$0x0] =	sbarrier.arrive $0xFFFF  }
0x3b: {  	s26 =	simm.s32 $0x0;
	s0 =	rddreg [dreg:$0x9]  }
0x3c: {  	[tilespmem:s26], [sflag:$0x4] =	stream.linear.gather [hbm4b:s0+s26], $0x80, $0x38;
	[tilespmem:$0x1FB80] =	vst v63  }
0x3d: {  	s19 =	simm.s32 $0x180  }
0x3e: {  	[tilespmem:s19], [sflag:$0x4] =	stream.linear.gather [hbm4b:s9+s26], $0x80, $0x38;
	[tilespmem:$0x1FB80] =	vst v63  }
0x3f: {  	s2 =	rddreg [dreg:$0xa]  }
0x40: {  	[tilespmem:s23], [sflag:$0x5] =	stream.linear.gather [hbm4b:s2+s26], $0x80, $0x38;
	[tilespmem:$0x1FB80] =	vst v63  }
0x41: {  	s8 =	rddreg [dreg:$0xb];
	s2 =	simm.s32 $0x200  }
0x42: {  	[tilespmem:s2], [sflag:$0x5] =	stream.linear.gather [hbm4b:s8+s26], $0x80, $0x38;
	[tilespmem:$0x1FB80] =	vst v63  }
0x43: {  	s11 =	simm.s32 $0x100;
	s10 =	rddreg [dreg:$0xc]  }
0x44: {  	[tilespmem:s11], [sflag:$0x6] =	stream.linear.gather [hbm4b:s10+s26], $0x80, $0x38;
	[tilespmem:$0x1FB80] =	vst v63  }
0x45: {  	s13 =	simm.s32 $0x280;
	s12 =	rddreg [dreg:$0xd]  }
0x46: {  	[tilespmem:s13], [sflag:$0x6] =	stream.linear.gather [hbm4b:s12+s26], $0x80, $0x38;
	[tilespmem:$0x1FB80] =	vst v63  }
0x47: {  	_ =	swait.ge [sflag:s30], $0x80  }
0x48: {  	[sflag:s30] =	ssyncset.done $0x0  }
0x49: {  	[sflag:s30] =	ssyncadd.s32 $0xFFFFFF80  }
0x4a: {  	_ =	swait.ge [sflag:s30], $0x80  }
0x4b: {  	[sflag:s30] =	ssyncset.done $0x0  }
0x4c: {  	[sflag:s30] =	ssyncadd.s32 $0xFFFFFF80  }
0x4d: {  	[tilespmem:s20], [sflag:$0x1] =	stream.indirect.gather [hbm4b:s3+s23], $0x80, s26, s23, $0xb8;
	[tilespmem:$0x1FB80] =	vst v63  }
0x4e: {  	_ =	swait.ge [sflag:s31], $0x80  }
0x4f: {  	[sflag:s31] =	ssyncset.done $0x0  }
0x50: {  	p1 =	sle.u32 s7, $0x0;
	[sflag:s31] =	ssyncadd.s32 $0xFFFFFF80  }
0x51: {  	p0 =	sle.u32 @!p1 s14, $0x0;
	_ =	swait.ge [sflag:s31], $0x80  }
0x52: {  	p0 =	por p0, p1;
	[sflag:s31] =	ssyncset.done $0x0  }
0x53: {  	s15 =	simm.s32 $0x4300;
	s0 =	simm.s32 @!p0 $0x6;
	[sflag:s31] =	ssyncadd.s32 $0xFFFFFF80  }
0x54: {  	[tilespmem:s15], [sflag:$0x2] =	stream.indirect.gather [hbm4b:s3+s23], $0x80, s23, s23, $0xb8;
	[tilespmem:$0x1FB80] =	vst v63  }
0x55: {  	_ =	swait.ge @!p0 [sflag:s0], $0x80  }
0x56: {  	[sflag:s0] =	ssyncset.done @!p0 $0x0  }
0x57: {  	[sflag:s0] =	ssyncadd.s32 @!p0 $0xFFFFFF80  }
0x58: {  	_ =	swait.ge @!p0 [sflag:s0], $0x80  }
0x59: {  	s29 =	simm.s32 $0x300;
	s2 =	simm.s32 @!p0 $0x8300;
	[sflag:s0] =	ssyncset.done @!p0 $0x0  }
0x5a: {  	s10 =	simm.s32 @!p0 $0x100;
	[sflag:s0] =	ssyncadd.s32 @!p0 $0xFFFFFF80;
	s0 =	simm.s32 @!p0 $0x80  }
0x5b: {  	[tilespmem:s2], [sflag:$0x3] =	stream.indirect.gather @!p0 [hbm4b:s3+s0], $0x80, s10, s0, $0xb8;
	[tilespmem:$0x1FB80] =	vst v63  }
0x5c: {  	s28 =	simm.s32 $0x0;
	s8 =	simm.s32 @!p1 $0x1;
	p0 =	sle.u32 @!p1 s7, $0x3  }
0x5d: {  	s0 =	simm.s32 @!p1 $0x300;
	s2 =	simm.s32 @!p1 $0x7;
	_ =	swait.ge @!p1 [sflag:s8], $0x4000  }
0x5e: {  	s10 =	simm.s32 @!p1 $0x180;
	p3 =	por p0, p1;
	[sflag:s8] =	ssyncset.done @!p1 $0x0  }
0x5f: {  	s11 =	simm.s32 @!p3 $0x0;
	[sflag:s8] =	ssyncadd.s32 @!p1 $0xFFFFC000;
	s8 =	simm.s32 @!p1 $0x80  }
0x60: {  	[spmem:s1] =	stream.indirect.scatter.add.f32 @!p1 [tilespmem:s0], [sflag:$0x7], $0x80, s10, s8, $0xb8;
	[tilespmem:$0x1FB80] =	vst v63  }
0x61: {  	s0 =	sshrl.u32 @!p3 s4, $0x3;
	s10 =	simm.s32 @!p3 $0x180;
	_ =	swait.ge @!p1 [sflag:s2], $0x4000  }
0x62: {  	s0 =	sadd.s32 @!p3 s5, s0;
	[sflag:s2] =	ssyncset.done @!p1 $0x0;
	s19 =	rddreg [dreg:$0x4]  }
0x63: {  	[sflag:s2] =	ssyncadd.s32 @!p1 $0xFFFFC000;
	s2 =	rddreg [dreg:$0x5];
	p5 =	sle.u32 s19, $0x0  }
0x64: {  	[tilespmem:s11], [sflag:$0x4] =	stream.linear.gather @!p3 [hbm4b:s0+s11], $0x80, $0x38;
	[tilespmem:$0x1FB80] =	vst v63  }
0x65: {  	s19 =	smov.u32 s4;
	s0 =	sadd.s32 @!p3 $0x0, s9;
	p0 =	sle.u32 @!p5 s2, $0x0  }
0x66: {  	s8 =	simm.s32 @!p5 $0x4;
	s12 =	sadd.s32 @!p3 $0x300, s0;
	s0 =	simm.s32 $0x3  }
.LBB2_6:
0x67: {  	s2 =	smov.u32 s29;
	s29 =	sadd.s32 $0x300, s29  }
0x68: {  	[tilespmem:s10], [sflag:$0x4] =	stream.linear.gather @!p3 [hbm4b:s12+s11], $0x80, $0x38;
	[tilespmem:$0x1FB80] =	vst v63  }
0x69: {  	p1 =	sne.s32 s29, $0x5100  }
0x6a: {  	s10 =	simm.s32 @!p1 $0x0  }
0x6b: {  	p0 =	por p0, p5;
	s10 =	simm.s32 @p1 $0x1  }
0x6c: {  	[smem:$0x7FC] =	sst s10;
	s10 =	simm.s32 @!p0 $0x4  }
0x6d: {  	_ =	swait.ge @!p0 [sflag:s10], $0x80  }
0x6e: {  	[sflag:s10] =	ssyncset.done @!p0 $0x0  }
0x6f: {  	p2 =	sge.u32 s0, s7;
	[sflag:s10] =	ssyncadd.s32 @!p0 $0xFFFFFF80  }
0x70: {  	s12 =	simm.s32 @!p5 $0x2;
	s11 =	sadd.s32 @!p2 $0x3, s0;
	_ =	swait.ge @!p0 [sflag:s10], $0x80  }
0x71: {  	s13 =	simm.s32 @!p0 $0x0;
	p3 =	sge.u32 @!p2 s11, s7;
	[sflag:s10] =	ssyncset.done @!p0 $0x0  }
0x72: {  	s11 =	simm.s32 @!p0 $0x300;
	[sflag:s10] =	ssyncadd.s32 @!p0 $0xFFFFFF80;
	s10 =	simm.s32 @!p0 $0x80  }
0x73: {  	[tilespmem:s11], [sflag:$0x1] =	stream.indirect.gather @!p0 [hbm4b:s3+s10], $0x80, s13, s10, $0xb8;
	[tilespmem:$0x1FB80] =	vst v63  }
0x74: {  	_ =	swait.ge @!p5 [sflag:s12], $0x4000  }
0x75: {  	s10 =	simm.s32 @!p5 $0x4300;
	s11 =	simm.s32 @!p5 $0x7;
	[sflag:s12] =	ssyncset.done @!p5 $0x0  }
0x76: {  	s13 =	simm.s32 @!p5 $0x200;
	[sflag:s12] =	ssyncadd.s32 @!p5 $0xFFFFC000;
	s12 =	simm.s32 @!p5 $0x80  }
0x77: {  	[spmem:s1] =	stream.indirect.scatter.add.f32 @!p5 [tilespmem:s10], [sflag:$0x7], $0x80, s13, s12, $0xb8;
	[tilespmem:$0x1FB80] =	vst v63  }
0x78: {  	p0 =	sge.u32 @!p5 s8, s7;
	_ =	swait.ge @!p5 [sflag:s11], $0x4000  }
0x79: {  	p6 =	sge.u32 s26, s14;
	p1 =	por p0, p5;
	s10 =	rddreg [dreg:$0x6]  }
0x7a: {  	s12 =	simm.s32 @!p1 $0x0;
	s8 =	rddreg [dreg:$0x7];
	[sflag:s11] =	ssyncset.done @!p5 $0x0  }
0x7b: {  	s10 =	sadd.s32 @!p1 s28, s10;
	[sflag:s11] =	ssyncadd.s32 @!p5 $0xFFFFC000;
	p0 =	sge.u32 @!p6 s26, s8  }
0x7c: {  	s11 =	sadd.s32 @!p1 s28, s9;
	s8 =	simm.s32 @!p1 $0x80;
	p0 =	por p0, p6  }
0x7d: {  	[tilespmem:s8], [sflag:$0x5] =	stream.linear.gather @!p1 [hbm4b:s10+s12], $0x80, $0x38;
	[tilespmem:$0x1FB80] =	vst v63  }
0x7e: {  	s11 =	sadd.s32 @!p1 $0x400, s11;
	s8 =	simm.s32 @!p1 $0x200;
	s10 =	simm.s32 @!p0 $0x5  }
0x7f: {  	[tilespmem:s8], [sflag:$0x5] =	stream.linear.gather @!p1 [hbm4b:s11+s12], $0x80, $0x38;
	[tilespmem:$0x1FB80] =	vst v63  }
0x80: {  	_ =	swait.ge @!p0 [sflag:s10], $0x80  }
0x81: {  	[sflag:s10] =	ssyncset.done @!p0 $0x0  }
0x82: {  	[sflag:s10] =	ssyncadd.s32 @!p0 $0xFFFFFF80  }
0x83: {  	p4 =	sge.u32 @!p2 s0, s14;
	_ =	swait.ge @!p0 [sflag:s10], $0x80  }
0x84: {  	s13 =	sadd.s32 @!p6 $0x5, s26;
	s8 =	simm.s32 @!p0 $0x80;
	[sflag:s10] =	ssyncset.done @!p0 $0x0  }
0x85: {  	s11 =	simm.s32 @!p0 $0x4300;
	s12 =	simm.s32 @!p6 $0x3;
	[sflag:s10] =	ssyncadd.s32 @!p0 $0xFFFFFF80  }
0x86: {  	[tilespmem:s11], [sflag:$0x2] =	stream.indirect.gather @!p0 [hbm4b:s3+s8], $0x80, s8, s8, $0xb8;
	[tilespmem:$0x1FB80] =	vst v63  }
0x87: {  	p5 =	sge.u32 @!p6 s13, s7;
	s13 =	simm.s32 @!p6 $0x7;
	_ =	swait.ge @!p6 [sflag:s12], $0x4000  }
0x88: {  	s10 =	simm.s32 @!p6 $0x8300;
	s8 =	simm.s32 @!p6 $0x80;
	[sflag:s12] =	ssyncset.done @!p6 $0x0  }
0x89: {  	s11 =	simm.s32 @!p6 $0x280;
	p0 =	por p5, p6;
	[sflag:s12] =	ssyncadd.s32 @!p6 $0xFFFFC000  }
0x8a: {  	[spmem:s1] =	stream.indirect.scatter.add.f32 @!p6 [tilespmem:s10], [sflag:$0x7], $0x80, s11, s8, $0xb8;
	[tilespmem:$0x1FB80] =	vst v63  }
0x8b: {  	p4 =	por p4, p2;
	s12 =	sadd.s32 @!p0 s28, s9;
	_ =	swait.ge @!p6 [sflag:s13], $0x4000  }
0x8c: {  	s10 =	simm.s32 @!p0 $0x0;
	[sflag:s13] =	ssyncset.done @!p6 $0x0;
	s8 =	rddreg [dreg:$0x8]  }
0x8d: {  	s11 =	simm.s32 @!p0 $0x100;
	[sflag:s13] =	ssyncadd.s32 @!p6 $0xFFFFC000;
	s8 =	sadd.s32 @!p0 s28, s8  }
0x8e: {  	[tilespmem:s11], [sflag:$0x6] =	stream.linear.gather @!p0 [hbm4b:s8+s10], $0x80, $0x38;
	[tilespmem:$0x1FB80] =	vst v63  }
0x8f: {  	s12 =	sadd.s32 @!p0 $0x500, s12;
	s13 =	simm.s32 @!p0 $0x280;
	s8 =	simm.s32 @!p4 $0x6  }
0x90: {  	[tilespmem:s13], [sflag:$0x6] =	stream.linear.gather @!p0 [hbm4b:s12+s10], $0x80, $0x38;
	[tilespmem:$0x1FB80] =	vst v63  }
0x91: {  	_ =	swait.ge @!p4 [sflag:s8], $0x80  }
0x92: {  	[sflag:s8] =	ssyncset.done @!p4 $0x0  }
0x93: {  	[sflag:s8] =	ssyncadd.s32 @!p4 $0xFFFFFF80  }
0x94: {  	s28 =	smov.u32 s2;
	_ =	swait.ge @!p4 [sflag:s8], $0x80  }
0x95: {  	s2 =	simm.s32 @!p4 $0x8300;
	s11 =	simm.s32 @!p2 $0x1;
	[sflag:s8] =	ssyncset.done @!p4 $0x0  }
0x96: {  	s10 =	simm.s32 @!p4 $0x100;
	[sflag:s8] =	ssyncadd.s32 @!p4 $0xFFFFFF80;
	s8 =	simm.s32 @!p4 $0x80  }
0x97: {  	[tilespmem:s2], [sflag:$0x3] =	stream.indirect.gather @!p4 [hbm4b:s3+s8], $0x80, s10, s8, $0xb8;
	[tilespmem:$0x1FB80] =	vst v63  }
0x98: {  	_ =	swait.ge @!p2 [sflag:s11], $0x4000  }
0x99: {  	s12 =	simm.s32 @!p2 $0x300;
	s13 =	simm.s32 @!p2 $0x7;
	[sflag:s11] =	ssyncset.done @!p2 $0x0  }
0x9a: {  	s2 =	simm.s32 @!p2 $0x180;
	[sflag:s11] =	ssyncadd.s32 @!p2 $0xFFFFC000;
	s11 =	simm.s32 @!p2 $0x80  }
0x9b: {  	[spmem:s1] =	stream.indirect.scatter.add.f32 @!p2 [tilespmem:s12], [sflag:$0x7], $0x80, s2, s11, $0xb8;
	[tilespmem:$0x1FB80] =	vst v63  }
0x9c: {  	_ =	swait.ge @!p2 [sflag:s13], $0x4000  }
0x9d: {  	s15 =	rddreg [dreg:$0x4]  }
0x9e: {  	p5 =	sge.u32 s0, s15;
	s15 =	sld [smem:$0x7FC];
	_ =	sdelay $0x1  }
0x9f: {  	s19 =	sadd.s32 $0x1800, s19;
	p3 =	por p3, p2  }
0xa0: {  	s26 =	smov.u32 s0;
	s8 =	sshrl.u32 @!p3 s19, $0x3;
	p1 =	seq.s32 s15, $0x1  }
.Ltmp3:
0xa1: {  	s10 =	simm.s32 @!p3 $0x180;
	s8 =	sadd.s32 @!p3 s5, s8;
	(pc) =	sbr.rel @p1 .LBB2_6-.Ltmp3, $4  }
0xa2: {  	s11 =	simm.s32 @!p3 $0x0;
	s2 =	sadd.s32 @!p3 s28, s9;
	[sflag:s13] =	ssyncset.done @!p2 $0x0  }
0xa3: {  	s12 =	sadd.s32 @!p3 $0x300, s2;
	s2 =	rddreg [dreg:$0x5];
	[sflag:s13] =	ssyncadd.s32 @!p2 $0xFFFFC000  }
0xa4: {  	[tilespmem:s11], [sflag:$0x4] =	stream.linear.gather @!p3 [hbm4b:s8+s11], $0x80, $0x38;
	[tilespmem:$0x1FB80] =	vst v63  }
0xa5: {  	s0 =	sadd.s32 $0x3, s0;
	p0 =	sge.u32 @!p5 s26, s2;
	s8 =	sadd.s32 @!p5 $0x4, s26  }
0xa6: {  	[tilespmem:s10], [sflag:$0x4] =	stream.linear.gather @!p3 [hbm4b:s12+s11], $0x80, $0x38;
	[tilespmem:$0x1FB80] =	vst v63  }
0xa7: {  	p0 =	por p0, p5  }
0xa8: {  	s0 =	simm.s32 @!p0 $0x4  }
0xa9: {  	_ =	swait.ge @!p0 [sflag:s0], $0x80  }
0xaa: {  	[sflag:s0] =	ssyncset.done @!p0 $0x0  }
0xab: {  	[sflag:s0] =	ssyncadd.s32 @!p0 $0xFFFFFF80  }
0xac: {  	_ =	swait.ge @!p0 [sflag:s0], $0x80  }
0xad: {  	s10 =	simm.s32 @!p5 $0x2;
	s2 =	simm.s32 @!p0 $0x300;
	[sflag:s0] =	ssyncset.done @!p0 $0x0  }
0xae: {  	s11 =	simm.s32 @!p0 $0x0;
	[sflag:s0] =	ssyncadd.s32 @!p0 $0xFFFFFF80;
	s0 =	simm.s32 @!p0 $0x80  }
0xaf: {  	[tilespmem:s2], [sflag:$0x1] =	stream.indirect.gather @!p0 [hbm4b:s3+s0], $0x80, s11, s0, $0xb8;
	[tilespmem:$0x1FB80] =	vst v63  }
0xb0: {  	_ =	swait.ge @!p5 [sflag:s10], $0x4000  }
0xb1: {  	s0 =	simm.s32 @!p5 $0x4300;
	s2 =	simm.s32 @!p5 $0x7;
	[sflag:s10] =	ssyncset.done @!p5 $0x0  }
0xb2: {  	s11 =	simm.s32 @!p5 $0x200;
	[sflag:s10] =	ssyncadd.s32 @!p5 $0xFFFFC000;
	s10 =	simm.s32 @!p5 $0x80  }
0xb3: {  	[spmem:s1] =	stream.indirect.scatter.add.f32 @!p5 [tilespmem:s0], [sflag:$0x7], $0x80, s11, s10, $0xb8;
	[tilespmem:$0x1FB80] =	vst v63  }
0xb4: {  	p0 =	sge.u32 @!p5 s8, s7;
	_ =	swait.ge @!p5 [sflag:s2], $0x4000  }
0xb5: {  	p1 =	sge.u32 s26, s14;
	p2 =	por p0, p5;
	s0 =	rddreg [dreg:$0x6]  }
0xb6: {  	s10 =	simm.s32 @!p2 $0x0;
	s8 =	rddreg [dreg:$0x7];
	[sflag:s2] =	ssyncset.done @!p5 $0x0  }
0xb7: {  	s0 =	sadd.s32 @!p2 s28, s0;
	[sflag:s2] =	ssyncadd.s32 @!p5 $0xFFFFC000;
	p0 =	sge.u32 @!p1 s26, s8  }
0xb8: {  	s2 =	sadd.s32 @!p2 s28, s9;
	s8 =	simm.s32 @!p2 $0x80;
	p0 =	por p0, p1  }
0xb9: {  	[tilespmem:s8], [sflag:$0x5] =	stream.linear.gather @!p2 [hbm4b:s0+s10], $0x80, $0x38;
	[tilespmem:$0x1FB80] =	vst v63  }
0xba: {  	s0 =	sadd.s32 @!p2 $0x400, s2;
	s2 =	simm.s32 @!p2 $0x200;
	s8 =	simm.s32 @!p0 $0x5  }
0xbb: {  	[tilespmem:s2], [sflag:$0x5] =	stream.linear.gather @!p2 [hbm4b:s0+s10], $0x80, $0x38;
	[tilespmem:$0x1FB80] =	vst v63  }
0xbc: {  	_ =	swait.ge @!p0 [sflag:s8], $0x80  }
0xbd: {  	[sflag:s8] =	ssyncset.done @!p0 $0x0  }
0xbe: {  	[sflag:s8] =	ssyncadd.s32 @!p0 $0xFFFFFF80  }
0xbf: {  	_ =	swait.ge @!p0 [sflag:s8], $0x80  }
0xc0: {  	s0 =	simm.s32 @!p0 $0x80;
	[sflag:s8] =	ssyncset.done @!p0 $0x0  }
0xc1: {  	s2 =	simm.s32 @!p0 $0x4300;
	s10 =	simm.s32 @!p1 $0x3;
	[sflag:s8] =	ssyncadd.s32 @!p0 $0xFFFFFF80  }
0xc2: {  	[tilespmem:s2], [sflag:$0x2] =	stream.indirect.gather @!p0 [hbm4b:s3+s0], $0x80, s0, s0, $0xb8;
	[tilespmem:$0x1FB80] =	vst v63  }
0xc3: {  	_ =	swait.ge @!p1 [sflag:s10], $0x4000  }
0xc4: {  	s8 =	simm.s32 @!p1 $0x280;
	[sflag:s10] =	ssyncset.done @!p1 $0x0  }
0xc5: {  	s0 =	simm.s32 @!p1 $0x8300;
	s2 =	simm.s32 @!p1 $0x80;
	[sflag:s10] =	ssyncadd.s32 @!p1 $0xFFFFC000  }
0xc6: {  	[spmem:s1] =	stream.indirect.scatter.add.f32 @!p1 [tilespmem:s0], [sflag:$0x7], $0x80, s8, s2, $0xb8;
	[tilespmem:$0x1FB80] =	vst v63  }
0xc7: {  	s11 =	simm.s32 @!p1 $0x7;
	s0 =	sadd.s32 @!p1 $0x5, s26  }
0xc8: {  	_ =	swait.ge @!p1 [sflag:s11], $0x4000;
	p0 =	sge.u32 @!p1 s0, s7  }
0xc9: {  	[sflag:s11] =	ssyncset.done @!p1 $0x0;
	p0 =	por p0, p1  }
0xca: {  	s0 =	rddreg [dreg:$0x8];
	[sflag:s11] =	ssyncadd.s32 @!p1 $0xFFFFC000;
	s2 =	simm.s32 @!p0 $0x0  }
0xcb: {  	s8 =	simm.s32 @!p0 $0x100;
	s10 =	sadd.s32 @!p0 s28, s9;
	s0 =	sadd.s32 @!p0 s28, s0  }
0xcc: {  	[tilespmem:s8], [sflag:$0x6] =	stream.linear.gather @!p0 [hbm4b:s0+s2], $0x80, $0x38;
	[tilespmem:$0x1FB80] =	vst v63  }
0xcd: {  	s26 =	stileid.u32;
	s0 =	simm.s32 @!p0 $0x280;
	s8 =	sadd.s32 @!p0 $0x500, s10  }
0xce: {  	[tilespmem:s0], [sflag:$0x6] =	stream.linear.gather @!p0 [hbm4b:s8+s2], $0x80, $0x38;
	[tilespmem:$0x1FB80] =	vst v63  }
0xcf: {  	s0 =	sshll.u32 s26, $0x6  }
0xd0: {  	[bflag:$0x0] =	sbarrier.arrive $0xFFFF;
	s0 =	sor.u32 $0x1C07, s0  }
0xd1: {  	[hbm:s16], [sflag:s0] =	dma.local [spmem:s24], $0x1900  }
0xd2: {  	_ =	swait.ge [sflag:s21], $0x1900  }
0xd3: {  	s28 =	sld [smem:$0x7FD];
	_ =	sdelay $0x1  }
0xd4: {  	[sflag:s21] =	ssyncset.done $0x0  }
0xd5: {  	[sflag:s21] =	ssyncadd.s32 $0xFFFFE700;
	p1 =	seq.s32 s28, $0x1  }
0xd6: {  	[hbm:s17], [sflag:s0] =	dma.local @!p1 [spmem:s25], $0x1900  }
0xd7: {  	s0 =	simm.s32 @!p1 $0x7  }
0xd8: {  	_ =	swait.ge @!p1 [sflag:s0], $0x1900  }
0xd9: {  	s22 =	sadd.s32 $0x1, s22;
	s29 =	rddreg [dreg:$0xe]  }
0xda: {  	p0 =	sne.s32 s22, s29  }
.Ltmp4:
0xdb: {  	_ = 	snop;
	(pc) =	sbr.rel @p0 .LBB2_1-.Ltmp4, $3  }
0xdc: {  	_ =	sdelay $0x1  }
0xdd: {  	[sflag:s0] =	ssyncset.done @!p1 $0x0  }
0xde: {  	[sflag:s0] =	ssyncadd.s32 @!p1 $0xFFFFE700  }
0xdf: {  	_ =	sfence.sel $0x180000  }
0xe0: {  	[bflag:$0x0] =	sbarrier.arrive $0xFFFF  }
0xe1: {  	_ =	strace $0x9000004D  }
0xe2: {  	s0 =	stileid.u32;
	[bflag:$0x2] =	sbarrier.arrive $0xFFFF  }
0xe3: {  	p0 =	sne.s32 s0, $0x0;
	s0 =	rddreg [dreg:$0x3]  }
0xe4: {  	s0 =	sadd.s32 @!p0 $0x100000, s0  }
0xe5: {  	[sflag:s0] =	ssyncadd.tile.s32 @!p0 $0x1;
	_ =	shalt  }
.Lfunc_end2:
_tile_overlayer_lowered:
.L_overlay_start_2:
0xe6: {  	(tag) =	ssettag $0x2  }
0xe7: {  	s0 =	rddreg [dreg:$0x0];
	s2 =	stileid.u32  }
0xe8: {  	s1 =	rddreg [dreg:$0x1];
	p0 =	sne.s32 s2, $0x0  }
0xe9: {  	s3 =	rddreg [dreg:$0x2];
	[bflag:$0x3] =	sbarrier.arrive $0xFFFF;
	s2 =	simm.s32 @!p0 $0x1C07  }
0xea: {  	[timem:s3], [sflag:s2] =	dma.local @!p0 [hbm:s0], s1  }
0xeb: {  	s0 =	simm.s32 @!p0 $0x7  }
0xec: {  	_ =	swait.ge @!p0 [sflag:s0], s1  }
0xed: {  	s1 =	ssub.s32 @!p0 $0x0, s1;
	[sflag:s0] =	ssyncset.done @!p0 $0x0  }
0xee: {  	[sflag:s0] =	ssyncadd.s32 @!p0 s1  }
0xef: {  	[bflag:$0x3] =	sbarrier.arrive $0xFFFF  }
0xf0: {  	_ =	shalt  }

// kernel: kernel.8.cloned.1.call-start
scs
__scs_entry_jumppad:
0x0: {  	(pc) =	sbr.rel $0x88, $3  }
0x1: {  	(tag) =	ssettag $0x0;
	lr =	simm.s32 $0x1  }
0x2: {  	[smem:$0x3F9B] =	sst lr;
	_ =	strace $0xD0000000  }
0x3: {  	_ = 	snop  }
0x4: {  	_ = 	snop  }
0x5: {  	_ = 	snop  }
0x6: {  	_ = 	snop  }
0x7: {  	_ = 	snop  }
__scs_overlays_trampoline_lowered:
0x8: {  	[smem:$0x3FAA] =	sst s0  }
0x9: {  	[smem:$0x3FAB] =	sst s1  }
0xa: {  	[smem:$0x3FAC] =	sst s2  }
0xb: {  	[smem:$0x3FAD] =	sst s3  }
0xc: {  	[smem:$0x3FAE] =	sst s4  }
0xd: {  	[smem:$0x3FAF] =	sst s5  }
0xe: {  	[smem:$0x3FB0] =	sst s6  }
0xf: {  	[smem:$0x3FB1] =	sst s7  }
0x10: {  	[smem:$0x3FB2] =	sst s8  }
0x11: {  	[smem:$0x3FB3] =	sst s9;
	s0 =	simm.s32 @!p0 $0x0  }
0x12: {  	s1 =	sld [smem:$0x3F99];
	s0 =	simm.s32 @p0 $0x1  }
0x13: {  	[smem:$0x3FB4] =	sst s0;
	s0 =	simm.s32 @!p1 $0x0  }
0x14: {  	s2 =	sld [smem:$0x3F98];
	s0 =	simm.s32 @p1 $0x1  }
0x15: {  	[smem:$0x3FB5] =	sst s0;
	s0 =	simm.s32 @!p2 $0x0  }
0x16: {  	s3 =	sld [smem:$0x3FDB];
	s0 =	simm.s32 @p2 $0x1  }
0x17: {  	s4 =	simm.s32 $0x1BF5;
	[smem:$0x3FB7] =	sst s0  }
0x18: {  	s0 =	sld [smem:$0x3F9A];
	_ =	swait.ge [sflag:s4], $0x0  }
0x19: {  	s7 =	sld [smem:$0x3F9B]  }
0x1a: {  	s8 =	sadd.s32 $0xFFFFE003, lr  }
0x1b: {  	s9 =	sadd.s32 $0xFFFFFEF7, lr;
	s5 =	simm.s32 $0xFFFFFFFF;
	p2 =	slt.u32 s8, $0xFFFFF086  }
0x1c: {  	p1 =	slt.u32 s9, $0xF7A;
	s5 =	simm.s32 @!p2 $0x0  }
0x1d: {  	s5 =	simm.s32 @p1 $0x1;
	p0 =	seq.s32 s7, s2  }
0x1e: {  	s7 =	smul.u32 @!p0 $0xF7A, s2;
	p2 =	seq.s32 @!p0 s5, $0x0  }
0x1f: {  	s9 =	smul.u32 $0xF7A, s1;
	s8 =	simm.s32 @!p0 $0x1BF5;
	p2 =	por !p2, p0  }
0x20: {  	[sflag:s8] =	ssyncset.s32 @!p0 $0xFFFFF086;
	s6 =	sadd.s32 @!p0 s3, s7;
	s7 =	simm.s32 @!p0 $0x108  }
0x21: {  	s3 =	sadd.s32 s3, s9;
	s6 =	sadd.s32 @!p0 $0x88, s6;
	s7 =	simm.s32 @p2 $0x1082  }
0x22: {  	[simem:s7], [sflag:s8] =	dma.local @!p0 [hbm:s6], $0xF7A  }
0x23: {  	s9 =	sor.u32 $0xD0000000, s2;
	s6 =	simm.s32 $0x108;
	_ =	swait.ge @!p0 [sflag:s8], $0x0  }
0x24: {  	s3 =	sadd.s32 $0x88, s3;
	s6 =	simm.s32 @!p1 $0x1082;
	[sflag:s4] =	ssyncset.s32 $0xFFFFF086  }
0x25: {  	[simem:s6], [sflag:s4] =	dma.local [hbm:s3], $0xF7A  }
0x26: {  	[smem:$0x3F9B] =	sst s1;
	(tag) =	ssettag s2;
	_ =	strace s9  }
0x27: {  	s1 =	sld [smem:$0x3FAB]  }
0x28: {  	s2 =	sld [smem:$0x3FAC]  }
0x29: {  	s4 =	sld [smem:$0x3FAE]  }
0x2a: {  	p0 =	seq.s32 s5, $0x0;
	s5 =	sld [smem:$0x3FAF]  }
0x2b: {  	s6 =	sld [smem:$0x3FB0]  }
0x2c: {  	s7 =	sld [smem:$0x3FB1]  }
0x2d: {  	s3 =	simm.s32 $0x108;
	s8 =	sld [smem:$0x3FB2]  }
0x2e: {  	s3 =	simm.s32 @!p0 $0x1082;
	s9 =	sld [smem:$0x3FB3]  }
0x2f: {  	lr =	sadd.s32 s0, s3;
	s0 =	sld [smem:$0x3FAA]  }
0x30: {  	s3 =	sld [smem:$0x3FAD]  }
0x31: {  	[smem:$0x3FB6] =	sst s10  }
0x32: {  	s10 =	sld [smem:$0x3FB4];
	_ =	sdelay $0x3  }
0x33: {  	p0 =	seq.s32 s10, $0x1;
	s10 =	sld [smem:$0x3FB6];
	_ =	sdelay $0x3  }
0x34: {  	[smem:$0x3FB6] =	sst s10  }
0x35: {  	s10 =	sld [smem:$0x3FB5];
	_ =	sdelay $0x3  }
0x36: {  	p1 =	seq.s32 s10, $0x1;
	s10 =	sld [smem:$0x3FB6];
	_ =	sdelay $0x3  }
0x37: {  	[smem:$0x3FB6] =	sst s10  }
0x38: {  	s10 =	sld [smem:$0x3FB7]  }
0x39: {  	_ = 	snop;
	(pc) =	sbr.ind lr, $3  }
0x3a: {  	_ = 	snop  }
0x3b: {  	_ = 	snop  }
0x3c: {  	p2 =	seq.s32 s10, $0x1;
	s10 =	sld [smem:$0x3FB6]  }
0x3d: {  	_ =	shalt  }
0x3e: {  	_ =	shalt  }
0x3f: {  	_ =	shalt  }
0x40: {  	_ =	shalt  }
0x41: {  	_ =	shalt  }
0x42: {  	_ =	shalt  }
0x43: {  	_ =	shalt  }
0x44: {  	_ =	shalt  }
0x45: {  	_ =	shalt  }
0x46: {  	_ =	shalt  }
0x47: {  	_ =	shalt  }
0x48: {  	_ =	shalt  }
0x49: {  	_ =	shalt  }
0x4a: {  	_ =	shalt  }
0x4b: {  	_ =	shalt  }
0x4c: {  	_ =	shalt  }
0x4d: {  	_ =	shalt  }
0x4e: {  	_ =	shalt  }
0x4f: {  	_ =	shalt  }
0x50: {  	_ =	shalt  }
0x51: {  	_ =	shalt  }
0x52: {  	_ =	shalt  }
0x53: {  	_ =	shalt  }
0x54: {  	_ =	shalt  }
0x55: {  	_ =	shalt  }
0x56: {  	_ =	shalt  }
0x57: {  	_ =	shalt  }
0x58: {  	_ =	shalt  }
0x59: {  	_ =	shalt  }
0x5a: {  	_ =	shalt  }
0x5b: {  	_ =	shalt  }
0x5c: {  	_ =	shalt  }
0x5d: {  	_ =	shalt  }
0x5e: {  	_ =	shalt  }
0x5f: {  	_ =	shalt  }
0x60: {  	_ =	shalt  }
0x61: {  	_ =	shalt  }
0x62: {  	_ =	shalt  }
0x63: {  	_ =	shalt  }
0x64: {  	_ =	shalt  }
0x65: {  	_ =	shalt  }
0x66: {  	_ =	shalt  }
0x67: {  	_ =	shalt  }
0x68: {  	_ =	shalt  }
0x69: {  	_ =	shalt  }
0x6a: {  	_ =	shalt  }
0x6b: {  	_ =	shalt  }
0x6c: {  	_ =	shalt  }
0x6d: {  	_ =	shalt  }
0x6e: {  	_ =	shalt  }
0x6f: {  	_ =	shalt  }
0x70: {  	_ =	shalt  }
0x71: {  	_ =	shalt  }
0x72: {  	_ =	shalt  }
0x73: {  	_ =	shalt  }
0x74: {  	_ =	shalt  }
0x75: {  	_ =	shalt  }
0x76: {  	_ =	shalt  }
0x77: {  	_ =	shalt  }
0x78: {  	_ =	shalt  }
0x79: {  	_ =	shalt  }
0x7a: {  	_ =	shalt  }
0x7b: {  	_ =	shalt  }
0x7c: {  	_ =	shalt  }
0x7d: {  	_ =	shalt  }
0x7e: {  	_ =	shalt  }
0x7f: {  	_ =	shalt  }
0x80: {  	_ =	shalt  }
0x81: {  	_ =	shalt  }
0x82: {  	_ =	shalt  }
0x83: {  	_ =	shalt  }
0x84: {  	_ =	shalt  }
0x85: {  	_ =	shalt  }
0x86: {  	_ =	shalt  }
0x87: {  	_ =	shalt  }
.Lfunc_end0:
.L_simem_size_0:
called_computation_lowered:
.L_overlay_start_0:
0x88: {  	s2 =	sld [smem:$0x3FD9]  }
0x89: {  	s3 =	sld [smem:$0x3FFE];
	_ =	sdelay $0x1  }
0x8a: {  	s1 =	srdreg.scid  }
0x8b: {  	s0 =	sand.u32 $0x1, s1  }
0x8c: {  	s17 =	sshll.u32 s0, $0xA;
	s2 =	sadd.s32 s3, s2  }
0x8d: {  	s2 =	sadd.s32 s2, s17  }
0x8e: {  	[smem:$0x3FC2] =	sst s2  }
0x8f: {  	_ = 	snop  }
0x90: {  	s2 =	sld [smem:$0x3FD0];
	(tm) =	ssettm $0x1  }
0x91: {  	s18 =	sld [smem:$0x3FFB];
	_ =	sdelay $0x3  }
0x92: {  	_ =	strace s18  }
0x93: {  	s3 =	sld [smem:$0x3FFC];
	_ =	sdelay $0x3  }
0x94: {  	_ =	strace s3  }
0x95: {  	s3 =	sld [smem:$0x3FFD];
	_ =	sdelay $0x3  }
0x96: {  	_ =	strace s3  }
0x97: {  	_ =	strace $0x8FFFFFFF  }
0x98: {  	s19 =	sld [smem:$0x3FDB];
	_ =	sdelay $0x1  }
0x99: {  	s4 =	simm.s32 $_scs_section_size  }
0x9a: {  	s5 =	simm.s32 $_size__tile_overlayer_lowered;
	s6 =	simm.s32 $_tile_overlayer_lowered  }
0x9b: {  	s22 =	simm.s32 $0x1BFF;
	s21 =	sshll.u32 s6, $0x1;
	s3 =	sadd.s32 s4, s19  }
0x9c: {  	s7 =	simm.s32 $0x0;
	s20 =	sshll.u32 s5, $0x1;
	s5 =	sadd.s32 s21, s3  }
0x9d: {  	[timem:s7], [sflag:s22] =	dma.local [hbm:s5], s20  }
0x9e: {  	_ =	swait.ge [sflag:s22], s20  }
0x9f: {  	s4 =	ssub.s32 $0x0, s20;
	[sflag:s22] =	ssyncset.done $0x0  }
0xa0: {  	[sflag:s22] =	ssyncadd.s32 s4;
	_ =	sdelay $0x1  }
0xa1: {  	s23 =	simm.s32 $0x1B8B  }
0xa2: {  	_ =	swait.ge [sflag:s23], $0x1  }
0xa3: {  	[sflag:s23] =	ssyncset.done $0x0  }
0xa4: {  	s25 =	simm.s32 $0x1B8E;
	s24 =	sld [smem:$0x3FFE];
	[sflag:s23] =	ssyncadd.s32 $0xFFFFFFFF  }
0xa5: {  	s26 =	simm.s32 $execute0_lowered;
	[smem:$0x3FD2] =	sst s25  }
0xa6: {  	s5 =	sshll.u32 s26, $0x1;
	_ =	strace $0x80000046;
	[dreg:$0x1] =	wrdreg $0xFFFFFFFF  }
0xa7: {  	s28 =	simm.s32 $_size_execute0_lowered;
	s3 =	sadd.s32 s3, s5;
	[dreg:$0x0] =	wrdreg $0x0  }
0xa8: {  	s5 =	sshll.u32 s28, $0x1;
	[dreg:$0x2] =	wrdreg s3  }
0xa9: {  	[dreg:$0x3] =	wrdreg s5  }
0xaa: {  	[dreg:$0x4] =	wrdreg $0xC0  }
0xab: {  	_ =	task [dreg:s7], $0x5FFFF  }
0xac: {  	[dreg:$0x1] =	wrdreg $0xFFFFFFFF  }
0xad: {  	[dreg:$0x0] =	wrdreg $0x60  }
0xae: {  	[dreg:$0x2] =	wrdreg s24  }
0xaf: {  	[dreg:$0x3] =	wrdreg s2  }
0xb0: {  	[dreg:$0x4] =	wrdreg $0x69800  }
0xb1: {  	[dreg:$0x5] =	wrdreg $0x9  }
0xb2: {  	_ =	task.clear_ibuf [dreg:s7], $0x6FFFF;
	_ =	strace $0x90000046  }
0xb3: {  	s29 =	simm.s32 $0x9;
	_ =	strace $0x80000048  }
0xb4: {  	_ =	swait.ge [sflag:s29], $0x1  }
0xb5: {  	[sflag:s29] =	ssyncadd.s32 $0xFFFFFFFF  }
0xb6: {  	_ =	strace $0x90000048  }
0xb7: {  	_ =	sfence  }
0xb8: {  	s30 =	sld [smem:$0x0];
	_ =	sdelay $0x2  }
0xb9: {  	s31 =	sshll.u32 s1, $0xD;
	s1 =	sshrl.u32 s1, $0x2  }
0xba: {  	s3 =	sand.u32 $0x4000, s31;
	s1 =	sadd.s32 s1, s30  }
0xbb: {  	s0 =	sor.u32 s3, s0;
	s1 =	sshll.u32 s1, $0x11  }
0xbc: {  	s0 =	sor.u32 s1, s0  }
0xbd: {  	s0 =	sadd.s32 $0x8F2B, s0  }
0xbe: {  	[sflag:s0] =	ssyncadd.remote.s32 $0x1  }
0xbf: {  	_ =	sfence.sel $0xFFFF  }
0xc0: {  	[dreg:$0x0] =	wrdreg $0xFFFFFFFF;
	(pc) =	sbr.abs _section_cstart, $3  }
0xc1: {  	[dreg:$0x1] =	wrdreg $0xFFFFFFFF  }
0xc2: {  	_ =	task.clear_ibuf [dreg:s7], $0x2FFFF;
	_ =	strace $0x9FFFFFFF  }
0xc3: {  	(tm) =	ssettm $0x7FFFFFFF  }
tec
execute0_lowered:
.L_overlay_start_1:
0x0: {  	(tag) =	ssettag $0x1  }
0x1: {  	s3 =	rddreg [dreg:$0x0]  }
0x2: {  	s13 =	rddreg [dreg:$0x1];
	s4 =	srdreg.scid  }
0x3: {  	s1 =	rddreg [dreg:$0x2];
	s6 =	sand.u32 $0x1, s4  }
0x4: {  	s2 =	simm.s32 $0x0;
	s22 =	simm.s32 $0x0;
	s7 =	smul.u32 $0x271, s6  }
0x5: {  	s14 =	sadd.s32 $0x1400, s3;
	s3 =	stileid.u32;
	s15 =	smul.u32 $0x2710, s6  }
0x6: {  	[smem:$0x7FF] =	sst s2;
	s4 =	ssub.s32 $0x2, s6;
	s16 =	smul.u32 $0x32000, s3  }
0x7: {  	_ =	strace $0x80000047;
	p0 =	slt.u32 s3, $0xD;
	s17 =	smul.u32 $0x190, s3  }
0x8: {  	s12 =	sor.u32 $0x10, s3;
	s19 =	smul.u32 $0xA000, s3;
	s5 =	sshrl.u32 s4, $0x1  }
0x9: {  	s31 =	sshll.u32 s3, $0x4;
	s18 =	smul.u32 $0x32000, s12;
	s11 =	ssub.s32 s4, s5  }
0xa: {  	s4 =	simm.s32 $0x8;
	s5 =	simm.s32 $0x28;
	s8 =	sadd.s32 s3, s7  }
0xb: {  	s7 =	sadd.s32 s7, s12;
	s16 =	sshrl.u32 s16, $0x2;
	s17 =	sadd.s32 s15, s17  }
0xc: {  	s12 =	smul.u32 $0x190, s12;
	s30 =	sshrl.u32 s19, $0x2;
	s4 =	simm.s32 @!p0 $0x7  }
0xd: {  	p0 =	seq.s32 s3, $0x0;
	s8 =	sshll.u32 s8, $0x4;
	s7 =	sshll.u32 s7, $0x4  }
0xe: {  	s11 =	smax.u32 s11, $0x1;
	s20 =	sadd.s32 s16, s1;
	s25 =	sshll.u32 s17, $0x4  }
0xf: {  	s26 =	sshrl.u32 s18, $0x2;
	s16 =	simm.s32 $0x4180;
	s17 =	simm.s32 $0x4  }
0x10: {  	s5 =	simm.s32 @!p0 $0x27;
	s6 =	sadd.s32 s14, s8;
	s7 =	sadd.s32 s14, s7  }
0x11: {  	s28 =	sadd.s32 s15, s12;
	s12 =	sadd.s32 s13, s25;
	s21 =	sadd.s32 s26, s1  }
0x12: {  	s15 =	sadd.s32 s15, s14;
	s14 =	sadd.s32 s30, s1;
	p0 =	sgt.u32 s3, $0x8  }
0x13: {  	s20 =	sshrl.u32 s20, $0x3;
	s8 =	sadd.s32 $0x200, s6;
	s9 =	sadd.s32 $0xFFFFFFFF, s5  }
0x14: {  	s10 =	sadd.s32 $0xFFFFFFFE, s5;
	s29 =	sshll.u32 s28, $0x4;
	s15 =	sadd.s32 s31, s15  }
0x15: {  	v0 =	vimm.f32 $0.0e+00;
	v1 =	vimm.f32 $1.000000000e+00;
	s21 =	sshrl.u32 @!p0 s21, $0x3;
	s13 =	sadd.s32 s13, s29;
	s15 =	sadd.s32 $0x500, s15  }
.LBB2_1:
0x16: {  	s23 =	simm.s32 $0x0;
	s24 =	simm.s32 $0x0  }
.LBB2_2:
0x17: {  	p1 =	sne.s32 s24, $0x9FC0  }
.Ltmp0:
0x18: {  	_ = 	snop;
	(pc) =	sbr.rel @p1 .LBB2_2-.Ltmp0, $4  }
0x19: {  	s25 =	sand.u32 $0xFE00, s24  }
0x1a: {  	s26 =	sand.u32 $0x70, s23;
	s25 =	sshrl.u32 s25, $0x2  }
0x1b: {  	s25 =	sor.u32 s26, s25  }
0x1c: {  	s23 =	sadd.s32 $0x10, s23;
	s24 =	sadd.s32 $0x40, s24;
	[tilespmem:s25+$0x4180] =	vst v0  }
0x1d: {  	s23 =	simm.s32 $0x0  }
0x1e: {  	s24 =	sand.u32 $0xFE00, s23  }
0x1f: {  	s25 =	sand.u32 $0x70, s23;
	s26 =	sshrl.u32 s24, $0x2  }
0x20: {  	s24 =	simm.s32 $0x40;
	s25 =	sor.u32 s25, s26  }
.LBB2_4:
0x21: {  	p1 =	sne.s32 s24, $0xFFC0  }
0x22: {  	[tilespmem:s25+$0x180] =	vst v1;
	s23 =	sadd.s32 $0x10, s23;
	s25 =	smov.u32 s24;
	s24 =	sadd.s32 $0x40, s24  }
.Ltmp1:
0x23: {  	(pc) =	sbr.rel @p1 .LBB2_4-.Ltmp1, $4  }
0x24: {  	_ = 	snop  }
0x25: {  	s25 =	sand.u32 $0xFE00, s25  }
0x26: {  	s26 =	sand.u32 $0x70, s23;
	s25 =	sshrl.u32 s25, $0x2  }
0x27: {  	s25 =	sor.u32 s26, s25  }
0x28: {  	p1 =	sne.s32 s4, $0x1  }
.Ltmp2:
0x29: {  	_ = 	snop;
	(pc) =	sbr.rel @!p1 .LBB2_7-.Ltmp2, $4  }
0x2a: {  	[tilespmem:s25+$0x180] =	vst v1  }
0x2b: {  	[spmem:s14] =	stream.linear.scatter [tilespmem:s16], [sflag:$0x4], $0x2800, $0x38;
	[tilespmem:$0x1A200] =	vst v63  }
0x2c: {  	_ =	swait.ge [sflag:s17], $0x2800  }
0x2d: {  	s23 =	sadd.s32 $0xFFFFFFFF, s4;
	s24 =	smov.u32 s14;
	[sflag:s17] =	ssyncset.done $0x0  }
.LBB2_6:
0x2e: {  	p1 =	sne.s32 s23, $0x1;
	[sflag:s17] =	ssyncadd.s32 $0xFFFFD800;
	s24 =	sadd.s32 $0x28000, s24  }
.Ltmp3:
0x2f: {  	s23 =	sadd.s32 $0xFFFFFFFF, s23;
	(pc) =	sbr.rel @p1 .LBB2_6-.Ltmp3, $4  }
0x30: {  	_ = 	snop  }
0x31: {  	[spmem:s24] =	stream.linear.scatter [tilespmem:s16], [sflag:$0x4], $0x2800, $0x38;
	[tilespmem:$0x1A200] =	vst v63  }
0x32: {  	_ =	swait.ge [sflag:s17], $0x2800  }
0x33: {  	[sflag:s17] =	ssyncset.done $0x0  }
.LBB2_7:
0x34: {  	[sflag:s17] =	ssyncadd.s32 $0xFFFFD800  }
0x35: {  	[bflag:$0x0] =	sbarrier.arrive $0xFFFF  }
0x36: {  	[tilespmem:s2], [sflag:$0x1] =	stream.linear.gather [hbm4b:s6+s2], $0x80, $0x38;
	[tilespmem:$0x1A200] =	vst v63  }
0x37: {  	s0 =	simm.s32 $0x80;
	p2 =	sle.u32 s5, $0x0  }
0x38: {  	[tilespmem:s0], [sflag:$0x2] =	stream.linear.gather [hbm4b:s7+s2], $0x80, $0x38;
	[tilespmem:$0x1A200] =	vst v63  }
0x39: {  	s29 =	simm.s32 $0x100;
	s23 =	simm.s32 @!p2 $0x1  }
0x3a: {  	[tilespmem:s29], [sflag:$0x3] =	stream.linear.gather [hbm4b:s8+s2], $0x80, $0x38;
	[tilespmem:$0x1A200] =	vst v63  }
0x3b: {  	p1 =	sle.u32 @!p2 s5, $0x3;
	_ =	swait.ge @!p2 [sflag:s23], $0x80  }
0x3c: {  	s24 =	simm.s32 @!p2 $0x180;
	s25 =	simm.s32 @!p2 $0x4;
	[sflag:s23] =	ssyncset.done @!p2 $0x0  }
0x3d: {  	s26 =	simm.s32 @!p2 $0x0;
	[sflag:s23] =	ssyncadd.s32 @!p2 $0xFFFFFF80;
	s23 =	simm.s32 @!p2 $0x80  }
0x3e: {  	[spmem:s1] =	stream.indirect.scatter.add.f32 @!p2 [tilespmem:s24], [sflag:$0x4], $0x80, s26, s23, $0xb8;
	[tilespmem:$0x1A200] =	vst v63  }
0x3f: {  	p3 =	por p1, p2;
	_ =	swait.ge @!p2 [sflag:s25], $0x4000  }
0x40: {  	p1 =	sle.u32 s9, $0x0;
	s23 =	simm.s32 @!p3 $0x0;
	[sflag:s25] =	ssyncset.done @!p2 $0x0  }
0x41: {  	s24 =	sadd.s32 @!p3 $0xFFFFFE00, s15;
	[sflag:s25] =	ssyncadd.s32 @!p2 $0xFFFFC000;
	s25 =	simm.s32 @!p1 $0x2  }
0x42: {  	[tilespmem:s23], [sflag:$0x1] =	stream.linear.gather @!p3 [hbm4b:s24+s23], $0x80, $0x38;
	[tilespmem:$0x1A200] =	vst v63  }
0x43: {  	s26 =	simm.s32 @!p1 $0x180;
	p2 =	sle.u32 @!p1 s5, $0x4;
	_ =	swait.ge @!p1 [sflag:s25], $0x80  }
0x44: {  	s24 =	simm.s32 @!p1 $0x4;
	p3 =	por p2, p1;
	[sflag:s25] =	ssyncset.done @!p1 $0x0  }
0x45: {  	p2 =	sle.u32 s10, $0x0;
	[sflag:s25] =	ssyncadd.s32 @!p1 $0xFFFFFF80;
	s25 =	simm.s32 @!p1 $0x80  }
0x46: {  	[spmem:s1] =	stream.indirect.scatter.add.f32 @!p1 [tilespmem:s26], [sflag:$0x4], $0x80, s25, s25, $0xb8;
	[tilespmem:$0x1A200] =	vst v63  }
0x47: {  	s23 =	simm.s32 $0x8;
	s28 =	simm.s32 @!p2 $0x3;
	_ =	swait.ge @!p1 [sflag:s24], $0x4000  }
0x48: {  	s30 =	simm.s32 @!p2 $0x4;
	s25 =	simm.s32 @!p3 $0x0;
	[sflag:s24] =	ssyncset.done @!p1 $0x0  }
0x49: {  	s26 =	simm.s32 @!p3 $0x80;
	[sflag:s24] =	ssyncadd.s32 @!p1 $0xFFFFC000;
	s24 =	sadd.s32 @!p3 $0xFFFFFF00, s15  }
0x4a: {  	[tilespmem:s26], [sflag:$0x2] =	stream.linear.gather @!p3 [hbm4b:s24+s25], $0x80, $0x38;
	[tilespmem:$0x1A200] =	vst v63  }
0x4b: {  	p1 =	sle.u32 @!p2 s5, $0x5;
	s25 =	simm.s32 $0xB;
	_ =	swait.ge @!p2 [sflag:s28], $0x80  }
0x4c: {  	s24 =	simm.s32 @!p2 $0x180;
	s26 =	simm.s32 @!p2 $0x80;
	[sflag:s28] =	ssyncset.done @!p2 $0x0  }
0x4d: {  	p4 =	por p1, p2;
	[sflag:s28] =	ssyncadd.s32 @!p2 $0xFFFFFF80;
	s28 =	simm.s32 @!p2 $0x100  }
0x4e: {  	[spmem:s1] =	stream.indirect.scatter.add.f32 @!p2 [tilespmem:s24], [sflag:$0x4], $0x80, s28, s26, $0xb8;
	[tilespmem:$0x1A200] =	vst v63  }
0x4f: {  	s31 =	simm.s32 @!p4 $0x0;
	s24 =	sadd.s32 $0x300, s15;
	_ =	swait.ge @!p2 [sflag:s30], $0x4000  }
0x50: {  	s26 =	simm.s32 $0x3;
	s28 =	smov.u32 s15;
	[sflag:s30] =	ssyncset.done @!p2 $0x0  }
.LBB2_8:
0x51: {  	p3 =	sge.u32 s26, s5;
	s0 =	simm.s32 @!p4 $0x100  }
0x52: {  	s29 =	smov.u32 s23;
	s23 =	smov.u32 s25;
	s25 =	sadd.s32 $0x3, s25  }
0x53: {  	s18 =	simm.s32 @!p3 $0x1;
	s19 =	sadd.s32 @!p3 $0xFFFFFFFE, s29;
	[sflag:s30] =	ssyncadd.s32 @!p2 $0xFFFFC000  }
0x54: {  	[tilespmem:s0], [sflag:$0x3] =	stream.linear.gather @!p4 [hbm4b:s28+s31], $0x80, $0x38;
	[tilespmem:$0x1A200] =	vst v63  }
0x55: {  	p1 =	sne.s32 s25, $0x2F;
	p2 =	sge.u32 @!p3 s19, s5;
	_ =	swait.ge @!p3 [sflag:s18], $0x80  }
0x56: {  	s0 =	simm.s32 @!p3 $0x180;
	s19 =	simm.s32 @!p3 $0x4;
	[sflag:s18] =	ssyncset.done @!p3 $0x0  }
0x57: {  	s28 =	simm.s32 @!p3 $0x0;
	[sflag:s18] =	ssyncadd.s32 @!p3 $0xFFFFFF80;
	s18 =	simm.s32 @!p3 $0x80  }
0x58: {  	[spmem:s1] =	stream.indirect.scatter.add.f32 @!p3 [tilespmem:s0], [sflag:$0x4], $0x80, s28, s18, $0xb8;
	[tilespmem:$0x1A200] =	vst v63  }
0x59: {  	p2 =	por p2, p3;
	s28 =	smov.u32 s24;
	_ =	swait.ge @!p3 [sflag:s19], $0x4000  }
0x5a: {  	p4 =	sge.u32 s26, s9;
	s0 =	simm.s32 @!p2 $0x0;
	[sflag:s19] =	ssyncset.done @!p3 $0x0  }
0x5b: {  	s18 =	sadd.s32 @!p2 $0xFFFFFE00, s24;
	[sflag:s19] =	ssyncadd.s32 @!p3 $0xFFFFC000;
	s19 =	simm.s32 @!p4 $0x2  }
0x5c: {  	[tilespmem:s0], [sflag:$0x1] =	stream.linear.gather @!p2 [hbm4b:s18+s0], $0x80, $0x38;
	[tilespmem:$0x1A200] =	vst v63  }
0x5d: {  	s0 =	sadd.s32 @!p4 $0xFFFFFFFF, s29;
	_ =	swait.ge @!p4 [sflag:s19], $0x80  }
0x5e: {  	s18 =	simm.s32 @!p4 $0x4;
	p2 =	sge.u32 @!p4 s0, s5;
	[sflag:s19] =	ssyncset.done @!p4 $0x0  }
0x5f: {  	s0 =	simm.s32 @!p4 $0x80;
	[sflag:s19] =	ssyncadd.s32 @!p4 $0xFFFFFF80;
	s19 =	simm.s32 @!p4 $0x180  }
0x60: {  	[spmem:s1] =	stream.indirect.scatter.add.f32 @!p4 [tilespmem:s19], [sflag:$0x4], $0x80, s0, s0, $0xb8;
	[tilespmem:$0x1A200] =	vst v63  }
0x61: {  	p3 =	por p2, p4;
	p2 =	sge.u32 s26, s10;
	_ =	swait.ge @!p4 [sflag:s18], $0x4000  }
0x62: {  	s0 =	simm.s32 @!p3 $0x0;
	s19 =	simm.s32 @!p3 $0x80;
	[sflag:s18] =	ssyncset.done @!p4 $0x0  }
0x63: {  	s26 =	simm.s32 @!p2 $0x3;
	[sflag:s18] =	ssyncadd.s32 @!p4 $0xFFFFC000;
	s18 =	sadd.s32 @!p3 $0xFFFFFF00, s24  }
0x64: {  	[tilespmem:s19], [sflag:$0x2] =	stream.linear.gather @!p3 [hbm4b:s18+s0], $0x80, $0x38;
	[tilespmem:$0x1A200] =	vst v63  }
0x65: {  	s30 =	simm.s32 @!p2 $0x4;
	p3 =	sge.u32 @!p2 s29, s5;
	_ =	swait.ge @!p2 [sflag:s26], $0x80  }
.Ltmp4:
0x66: {  	s0 =	simm.s32 @!p2 $0x180;
	[sflag:s26] =	ssyncset.done @!p2 $0x0;
	(pc) =	sbr.rel @p1 .LBB2_8-.Ltmp4, $4  }
0x67: {  	s18 =	simm.s32 @!p2 $0x80;
	s19 =	simm.s32 @!p2 $0x100;
	[sflag:s26] =	ssyncadd.s32 @!p2 $0xFFFFFF80  }
0x68: {  	[spmem:s1] =	stream.indirect.scatter.add.f32 @!p2 [tilespmem:s0], [sflag:$0x4], $0x80, s19, s18, $0xb8;
	[tilespmem:$0x1A200] =	vst v63  }
0x69: {  	s24 =	sadd.s32 $0x300, s24;
	p4 =	por p3, p2;
	_ =	swait.ge @!p2 [sflag:s30], $0x4000  }
0x6a: {  	s31 =	simm.s32 @!p4 $0x0;
	s26 =	sadd.s32 $0xFFFFFFFB, s23;
	[sflag:s30] =	ssyncset.done @!p2 $0x0  }
0x6b: {  	p1 =	sge.u32 s26, s5  }
0x6c: {  	s0 =	simm.s32 @!p4 $0x100;
	[sflag:s30] =	ssyncadd.s32 @!p2 $0xFFFFC000;
	s18 =	simm.s32 @!p1 $0x1  }
0x6d: {  	[tilespmem:s0], [sflag:$0x3] =	stream.linear.gather @!p4 [hbm4b:s28+s31], $0x80, $0x38;
	[tilespmem:$0x1A200] =	vst v63  }
0x6e: {  	s19 =	sadd.s32 @!p1 $0xFFFFFFFE, s23;
	s0 =	simm.s32 @!p1 $0x180;
	_ =	swait.ge @!p1 [sflag:s18], $0x80  }
0x6f: {  	s25 =	simm.s32 @!p1 $0x0;
	p2 =	sge.u32 @!p1 s19, s5;
	[sflag:s18] =	ssyncset.done @!p1 $0x0  }
0x70: {  	s19 =	simm.s32 @!p1 $0x4;
	[sflag:s18] =	ssyncadd.s32 @!p1 $0xFFFFFF80;
	s18 =	simm.s32 @!p1 $0x80  }
0x71: {  	[spmem:s1] =	stream.indirect.scatter.add.f32 @!p1 [tilespmem:s0], [sflag:$0x4], $0x80, s25, s18, $0xb8;
	[tilespmem:$0x1A200] =	vst v63  }
0x72: {  	p3 =	por p2, p1;
	_ =	swait.ge @!p1 [sflag:s19], $0x4000  }
0x73: {  	p2 =	sge.u32 s26, s9;
	s0 =	simm.s32 @!p3 $0x0;
	[sflag:s19] =	ssyncset.done @!p1 $0x0  }
0x74: {  	s18 =	sadd.s32 @!p3 $0xFFFFFE00, s24;
	[sflag:s19] =	ssyncadd.s32 @!p1 $0xFFFFC000;
	s19 =	simm.s32 @!p2 $0x2  }
0x75: {  	[tilespmem:s0], [sflag:$0x1] =	stream.linear.gather @!p3 [hbm4b:s18+s0], $0x80, $0x38;
	[tilespmem:$0x1A200] =	vst v63  }
0x76: {  	s0 =	sadd.s32 @!p2 $0xFFFFFFFF, s23;
	_ =	swait.ge @!p2 [sflag:s19], $0x80  }
0x77: {  	s18 =	simm.s32 @!p2 $0x4;
	p1 =	sge.u32 @!p2 s0, s5;
	[sflag:s19] =	ssyncset.done @!p2 $0x0  }
0x78: {  	s0 =	simm.s32 @!p2 $0x80;
	[sflag:s19] =	ssyncadd.s32 @!p2 $0xFFFFFF80;
	s19 =	simm.s32 @!p2 $0x180  }
0x79: {  	[spmem:s1] =	stream.indirect.scatter.add.f32 @!p2 [tilespmem:s19], [sflag:$0x4], $0x80, s0, s0, $0xb8;
	[tilespmem:$0x1A200] =	vst v63  }
0x7a: {  	p3 =	por p1, p2;
	p1 =	sge.u32 s26, s10;
	_ =	swait.ge @!p2 [sflag:s18], $0x4000  }
0x7b: {  	s25 =	simm.s32 @!p1 $0x3;
	s0 =	simm.s32 @!p3 $0x0;
	[sflag:s18] =	ssyncset.done @!p2 $0x0  }
0x7c: {  	s19 =	simm.s32 @!p3 $0x80;
	[sflag:s18] =	ssyncadd.s32 @!p2 $0xFFFFC000;
	s18 =	sadd.s32 @!p3 $0xFFFFFF00, s24  }
0x7d: {  	[tilespmem:s19], [sflag:$0x2] =	stream.linear.gather @!p3 [hbm4b:s18+s0], $0x80, $0x38;
	[tilespmem:$0x1A200] =	vst v63  }
0x7e: {  	_ =	swait.ge @!p1 [sflag:s25], $0x80  }
0x7f: {  	s0 =	simm.s32 @!p1 $0x4;
	s18 =	simm.s32 @!p1 $0x180;
	[sflag:s25] =	ssyncset.done @!p1 $0x0  }
0x80: {  	s19 =	simm.s32 @!p1 $0x80;
	[sflag:s25] =	ssyncadd.s32 @!p1 $0xFFFFFF80;
	s25 =	simm.s32 @!p1 $0x100  }
0x81: {  	[spmem:s1] =	stream.indirect.scatter.add.f32 @!p1 [tilespmem:s18], [sflag:$0x4], $0x80, s25, s19, $0xb8;
	[tilespmem:$0x1A200] =	vst v63  }
0x82: {  	p2 =	sge.u32 @!p1 s23, s5;
	_ =	swait.ge @!p1 [sflag:s0], $0x4000  }
0x83: {  	s31 =	sshll.u32 s3, $0x6;
	p2 =	por p2, p1;
	[sflag:s0] =	ssyncset.done @!p1 $0x0  }
0x84: {  	s18 =	simm.s32 @!p2 $0x0;
	s19 =	simm.s32 @!p2 $0x100;
	[sflag:s0] =	ssyncadd.s32 @!p1 $0xFFFFC000  }
0x85: {  	[tilespmem:s19], [sflag:$0x3] =	stream.linear.gather @!p2 [hbm4b:s24+s18], $0x80, $0x38;
	[tilespmem:$0x1A200] =	vst v63  }
0x86: {  	s0 =	sor.u32 $0x1C04, s31;
	[bflag:$0x0] =	sbarrier.arrive $0xFFFF  }
0x87: {  	[hbm:s12], [sflag:s0] =	dma.local [spmem:s20], $0x1900  }
0x88: {  	_ =	swait.ge [sflag:s17], $0x1900  }
0x89: {  	s22 =	sadd.s32 $0x1, s22;
	[sflag:s17] =	ssyncset.done $0x0  }
0x8a: {  	p1 =	sne.s32 s22, s11;
	[sflag:s17] =	ssyncadd.s32 $0xFFFFE700  }
0x8b: {  	[hbm:s13], [sflag:s0] =	dma.local @!p0 [spmem:s21], $0x1900  }
.Ltmp5:
0x8c: {  	_ = 	snop;
	(pc) =	sbr.rel @p1 .LBB2_1-.Ltmp5, $4  }
0x8d: {  	s0 =	simm.s32 @!p0 $0x4  }
0x8e: {  	_ =	swait.ge @!p0 [sflag:s0], $0x1900  }
0x8f: {  	[sflag:s0] =	ssyncset.done @!p0 $0x0  }
0x90: {  	[sflag:s0] =	ssyncadd.s32 @!p0 $0xFFFFE700  }
0x91: {  	_ =	sfence.sel $0x180000  }
0x92: {  	[bflag:$0x0] =	sbarrier.arrive $0xFFFF  }
0x93: {  	_ =	strace $0x90000047  }
0x94: {  	[bflag:$0x2] =	sbarrier.arrive $0xFFFF  }
0x95: {  	p0 =	sne.s32 s3, $0x0;
	s0 =	rddreg [dreg:$0x3]  }
0x96: {  	s0 =	sadd.s32 @!p0 $0x100000, s0  }
0x97: {  	[sflag:s0] =	ssyncadd.tile.s32 @!p0 $0x1;
	_ =	shalt  }
.Lfunc_end2:
_tile_overlayer_lowered:
.L_overlay_start_2:
0x98: {  	(tag) =	ssettag $0x2  }
0x99: {  	s0 =	rddreg [dreg:$0x0];
	s2 =	stileid.u32  }
0x9a: {  	s1 =	rddreg [dreg:$0x1];
	p0 =	sne.s32 s2, $0x0  }
0x9b: {  	s3 =	rddreg [dreg:$0x2];
	[bflag:$0x3] =	sbarrier.arrive $0xFFFF;
	s2 =	simm.s32 @!p0 $0x1C04  }
0x9c: {  	[timem:s3], [sflag:s2] =	dma.local @!p0 [hbm:s0], s1  }
0x9d: {  	s0 =	simm.s32 @!p0 $0x4  }
0x9e: {  	_ =	swait.ge @!p0 [sflag:s0], s1  }
0x9f: {  	s1 =	ssub.s32 @!p0 $0x0, s1;
	[sflag:s0] =	ssyncset.done @!p0 $0x0  }
0xa0: {  	[sflag:s0] =	ssyncadd.s32 @!p0 s1  }
0xa1: {  	[bflag:$0x3] =	sbarrier.arrive $0xFFFF  }
0xa2: {  	_ =	shalt  }

</sc_bundles>
